<compile_context>
chip_gen: v7x
topology: tpu7x:2x2x1
jax: 0.10.2.dev20260603
libtpu: 0.0.44.dev20260713+nightly
codegen_flags: <defaults>
</compile_context>

<pallas_src>
import jax
import jax.numpy as jnp
from jax import lax
from jax.experimental import pallas as pl
from jax.experimental.pallas import tpu as pltpu
from jax.experimental.pallas import tpu_sc as plsc

_NC, _NS, _L = 2, 16, 16


def _sc_fill(*, b, d, h, w):
    nw = _NC * _NS
    ipw = h // nw
    d_half = d // 2
    nv = d_half // _L
    mesh = plsc.VectorSubcoreMesh(core_axis_name="c", subcore_axis_name="s")

    def body(col_hbm, row_hbm, o_hbm, srow, buf0, buf1, sem0, sem1, sem2):
        wid = lax.axis_index("s") * _NC + lax.axis_index("c")
        i0 = wid * ipw
        bufs, sems = (buf0, buf1), (sem0, sem1)

        start = pl.multiple_of(jnp.minimum(i0 - i0 % 8, h - 16), 8)
        off = i0 - start
        cp = pltpu.make_async_copy(row_hbm.at[pl.ds(start, 16)], srow, sem2)
        cp.start()
        col_cp = [
            pltpu.make_async_copy(col_hbm, bf.at[:, pl.ds(0, d_half)], sm)
            for bf, sm in ((buf0, sem0), (buf1, sem1))
        ]
        col_cp[0].start()
        col_cp[1].start()
        cp.wait()
        col_cp[0].wait()
        col_cp[1].wait()

        waits = {}
        for k in range(ipw):
            buf, sem = bufs[k % 2], sems[k % 2]
            if k >= 2:
                for cp in waits[k - 2]:
                    cp.wait()
            vs = [srow.at[off + k][pl.ds(jj * _L, _L)] for jj in range(nv)]

            def rowfill(j, carry):
                for jj in range(nv):
                    buf.at[j][pl.ds(d_half + jj * _L, _L)] = vs[jj]
                return carry

            lax.fori_loop(0, h, rowfill, 0, unroll=False)
            waits[k] = []
            for bb in range(b):
                cp = pltpu.make_async_copy(buf, o_hbm.at[bb, i0 + k], sem)
                cp.start()
                waits[k].append(cp)
        for k in (ipw - 2, ipw - 1):
            for cp in waits[k]:
                cp.wait()

    return pl.kernel(
        body,
        out_type=jax.ShapeDtypeStruct((b, h, w, d), jnp.float32),
        mesh=mesh,
        scratch_types=[
            pltpu.VMEM((16, d_half), jnp.float32),
            pltpu.VMEM((w, d), jnp.float32),
            pltpu.VMEM((w, d), jnp.float32),
            pltpu.SemaphoreType.DMA,
            pltpu.SemaphoreType.DMA,
            pltpu.SemaphoreType.DMA,
        ],
        compiler_params=pltpu.CompilerParams(use_tc_tiling_on_sc=True),
    )


def kernel(x, row_embed, col_embed):
    b = x.shape[0]
    h, w = x.shape[2], x.shape[3]
    d_half = row_embed.shape[1]
    d = 2 * d_half
    out_bhwd = _sc_fill(b=b, d=d, h=h, w=w)(col_embed[:w], row_embed[:h])
    return jnp.transpose(out_bhwd, (0, 3, 1, 2)).astype(x.dtype)

# --- scband reference (transcript-rebuilt; emitter-appended) ---
"""Pipeline reference for scband-positional-encoding-51539607552154 (READ-ONLY COPY).

The authoritative reference and input builder live on the scoring server;
editing this copy changes nothing except your own understanding.
"""

import jax, jax.numpy as jnp
import numpy as np

D_MODEL = 256
MAX_H = 224
MAX_W = 224


def setup_inputs(seed: int = 0) -> dict:
    key = jax.random.key(seed)
    k1, k2, k3 = jax.random.split(key, 3)
    x = jax.random.normal(k1, (4, 96, 224, 224), dtype=jnp.float32)
    # nn.init.uniform_ defaults to U[0, 1)
    row_embed = jax.random.uniform(k2, (MAX_H, D_MODEL // 2), dtype=jnp.float32)
    col_embed = jax.random.uniform(k3, (MAX_W, D_MODEL // 2), dtype=jnp.float32)
    return {"x": x, "row_embed": row_embed, "col_embed": col_embed}


def reference(x, row_embed, col_embed):
    h, w = x.shape[2], x.shape[3]
    i = jnp.arange(w)
    j = jnp.arange(h)
    x_emb = jnp.take(col_embed, i, axis=0)          # [w, d/2]
    y_emb = jnp.take(row_embed, j, axis=0)          # [h, d/2]
    pos = jnp.concatenate(
        [
            jnp.repeat(x_emb[None, :, :], h, axis=0),   # [h, w, d/2]
            jnp.repeat(y_emb[:, None, :], w, axis=1),   # [h, w, d/2]
        ],
        axis=-1,
    )                                                 # [h, w, d]
    pos = jnp.transpose(pos, (2, 0, 1))               # [d, h, w]
    pos = jnp.repeat(pos[None, :, :, :], x.shape[0], axis=0)  # [B, d, h, w]
    return pos

if __name__ == "__main__":
    import jax
    _d = setup_inputs()
    print(jax.jit(kernel)(*tuple(_d.values())))

</pallas_src>

<mosaic_0001>
#map = affine_map<(d0, d1) -> (0, 0)>
#map1 = affine_map<(d0, d1) -> (0, 0, 0, 0)>
module attributes {stable_mosaic.version = 14 : i64} {
  func.func @body(%arg0: i32, %arg1: i32, %arg2: memref<224x128xf32, #tpu.memory_space<hbm>>, %arg3: memref<224x128xf32, #tpu.memory_space<hbm>>, %arg4: memref<4x224x224x256xf32, #tpu.memory_space<hbm>>, %arg5: memref<16x128xf32, #tpu.memory_space<vmem>>, %arg6: memref<224x256xf32, #tpu.memory_space<vmem>>, %arg7: memref<224x256xf32, #tpu.memory_space<vmem>>, %arg8: memref<!tpu.dma_semaphore, #tpu.memory_space<semaphore_mem>>, %arg9: memref<!tpu.dma_semaphore, #tpu.memory_space<semaphore_mem>>, %arg10: memref<!tpu.dma_semaphore, #tpu.memory_space<semaphore_mem>>) attributes {dimension_semantics = [#tpu.dimension_semantics<core_parallel>, #tpu.dimension_semantics<subcore_parallel>], iteration_bounds = array<i64: 2, 16>, scalar_prefetch = 0 : i64, scratch_operands = 6 : i64, tpu.core_type = #tpu.core_type<sc_vector_subcore>, window_params = [{transform_indices = #map}, {transform_indices = #map}, {transform_indices = #map1}]} {
    %mul3A = arith.constant 2 : i32
    %mul3A_0 = arith.muli %arg1, %mul3A : i32
    %add3A = arith.addi %mul3A_0, %arg0 : i32
    %mul3A_1 = arith.constant 7 : i32
    %mul3A_2 = arith.muli %add3A, %mul3A_1 : i32
    %jit3A = arith.constant 8 : i32
    %eq3A = arith.constant 0 : i32
    %eq3A_3 = arith.cmpi eq, %jit3A, %eq3A : i32
    %jit3A_4 = arith.constant 1 : i32
    %select_n3A = arith.select %eq3A_3, %jit3A_4, %jit3A : i32
    %rem3A = arith.remsi %mul3A_2, %select_n3A : i32
    %ne3A = arith.constant 0 : i32
    %ne3A_5 = arith.cmpi ne, %rem3A, %ne3A : i32
    %lt3A = arith.constant 0 : i32
    %lt3A_6 = arith.cmpi slt, %rem3A, %lt3A : i32
    %lt3A_7 = arith.constant 0 : i32
    %lt3A_8 = arith.cmpi slt, %select_n3A, %lt3A_7 : i32
    %ne3A_9 = arith.xori %lt3A_6, %lt3A_8 : i1
    %and3A = arith.andi %ne3A_9, %ne3A_5 : i1
    %add3A_10 = arith.addi %rem3A, %select_n3A : i32
    %select_n3A_11 = arith.select %and3A, %add3A_10, %rem3A : i32
    %sub3A = arith.subi %mul3A_2, %select_n3A_11 : i32
    %min3A = arith.constant 208 : i32
    %min3A_12 = arith.minsi %sub3A, %min3A : i32
    %multiple_of3A = tpu.assume_multiple %min3A_12, 8 : i32
    %sub3A_13 = arith.subi %mul3A_2, %multiple_of3A : i32
    %dma_start3A = arith.constant 0 : i32
    %dma_start3A_14 = tpu.memref_slice %arg3[%multiple_of3A, %dma_start3A] : memref<224x128xf32, #tpu.memory_space<hbm>> -> memref<16x128xf32, #tpu.memory_space<hbm>>
    %dma_start3A_15 = arith.constant 0 : i32
    %dma_start3A_16 = tpu.memref_slice %arg3[%multiple_of3A, %dma_start3A_15] : memref<224x128xf32, #tpu.memory_space<hbm>> -> memref<16x128xf32, #tpu.memory_space<hbm>>
    tpu.enqueue_dma source(%dma_start3A_16 : memref<16x128xf32, #tpu.memory_space<hbm>>) target(%arg5 : memref<16x128xf32, #tpu.memory_space<vmem>>) target_semaphore(%arg10 : memref<!tpu.dma_semaphore, #tpu.memory_space<semaphore_mem>>)
    %dma_start3A_17 = arith.constant 0 : i32
    %dma_start3A_18 = arith.constant 0 : i32
    %dma_start3A_19 = tpu.memref_slice %arg6[%dma_start3A_17, %dma_start3A_18] : memref<224x256xf32, #tpu.memory_space<vmem>> -> memref<224x128xf32, #tpu.memory_space<vmem>>
    %dma_start3A_20 = arith.constant 0 : i32
    %dma_start3A_21 = arith.constant 0 : i32
    %dma_start3A_22 = tpu.memref_slice %arg6[%dma_start3A_20, %dma_start3A_21] : memref<224x256xf32, #tpu.memory_space<vmem>> -> memref<224x128xf32, #tpu.memory_space<vmem>>
    tpu.enqueue_dma source(%arg2 : memref<224x128xf32, #tpu.memory_space<hbm>>) target(%dma_start3A_22 : memref<224x128xf32, #tpu.memory_space<vmem>>) target_semaphore(%arg8 : memref<!tpu.dma_semaphore, #tpu.memory_space<semaphore_mem>>)
    %dma_start3A_23 = arith.constant 0 : i32
    %dma_start3A_24 = arith.constant 0 : i32
    %dma_start3A_25 = tpu.memref_slice %arg7[%dma_start3A_23, %dma_start3A_24] : memref<224x256xf32, #tpu.memory_space<vmem>> -> memref<224x128xf32, #tpu.memory_space<vmem>>
    %dma_start3A_26 = arith.constant 0 : i32
    %dma_start3A_27 = arith.constant 0 : i32
    %dma_start3A_28 = tpu.memref_slice %arg7[%dma_start3A_26, %dma_start3A_27] : memref<224x256xf32, #tpu.memory_space<vmem>> -> memref<224x128xf32, #tpu.memory_space<vmem>>
    tpu.enqueue_dma source(%arg2 : memref<224x128xf32, #tpu.memory_space<hbm>>) target(%dma_start3A_28 : memref<224x128xf32, #tpu.memory_space<vmem>>) target_semaphore(%arg9 : memref<!tpu.dma_semaphore, #tpu.memory_space<semaphore_mem>>)
    %dma_wait3A = arith.constant 0 : i32
    %dma_wait3A_29 = tpu.memref_slice %arg3[%multiple_of3A, %dma_wait3A] : memref<224x128xf32, #tpu.memory_space<hbm>> -> memref<16x128xf32, #tpu.memory_space<hbm>>
    %dma_wait3A_30 = arith.constant 0 : i32
    %dma_wait3A_31 = tpu.memref_slice %arg3[%multiple_of3A, %dma_wait3A_30] : memref<224x128xf32, #tpu.memory_space<hbm>> -> memref<16x128xf32, #tpu.memory_space<hbm>>
    tpu.wait_dma2 semaphore(%arg10 : memref<!tpu.dma_semaphore, #tpu.memory_space<semaphore_mem>>) src(%dma_wait3A_31 : memref<16x128xf32, #tpu.memory_space<hbm>>) dst(%arg5 : memref<16x128xf32, #tpu.memory_space<vmem>>)
    %dma_wait3A_32 = arith.constant 0 : i32
    %dma_wait3A_33 = arith.constant 0 : i32
    %dma_wait3A_34 = tpu.memref_slice %arg6[%dma_wait3A_32, %dma_wait3A_33] : memref<224x256xf32, #tpu.memory_space<vmem>> -> memref<224x128xf32, #tpu.memory_space<vmem>>
    %dma_wait3A_35 = arith.constant 0 : i32
    %dma_wait3A_36 = arith.constant 0 : i32
    %dma_wait3A_37 = tpu.memref_slice %arg6[%dma_wait3A_35, %dma_wait3A_36] : memref<224x256xf32, #tpu.memory_space<vmem>> -> memref<224x128xf32, #tpu.memory_space<vmem>>
    tpu.wait_dma2 semaphore(%arg8 : memref<!tpu.dma_semaphore, #tpu.memory_space<semaphore_mem>>) src(%arg2 : memref<224x128xf32, #tpu.memory_space<hbm>>) dst(%dma_wait3A_37 : memref<224x128xf32, #tpu.memory_space<vmem>>)
    %dma_wait3A_38 = arith.constant 0 : i32
    %dma_wait3A_39 = arith.constant 0 : i32
    %dma_wait3A_40 = tpu.memref_slice %arg7[%dma_wait3A_38, %dma_wait3A_39] : memref<224x256xf32, #tpu.memory_space<vmem>> -> memref<224x128xf32, #tpu.memory_space<vmem>>
    %dma_wait3A_41 = arith.constant 0 : i32
    %dma_wait3A_42 = arith.constant 0 : i32
    %dma_wait3A_43 = tpu.memref_slice %arg7[%dma_wait3A_41, %dma_wait3A_42] : memref<224x256xf32, #tpu.memory_space<vmem>> -> memref<224x128xf32, #tpu.memory_space<vmem>>
    tpu.wait_dma2 semaphore(%arg9 : memref<!tpu.dma_semaphore, #tpu.memory_space<semaphore_mem>>) src(%arg2 : memref<224x128xf32, #tpu.memory_space<hbm>>) dst(%dma_wait3A_43 : memref<224x128xf32, #tpu.memory_space<vmem>>)
    %add3A_44 = arith.constant 0 : i32
    %add3A_45 = arith.addi %sub3A_13, %add3A_44 : i32
    %get3A = arith.constant 0 : i32
    %get3A_46 = tpu.memref_slice %arg5[%add3A_45, %get3A] : memref<16x128xf32, #tpu.memory_space<vmem>> -> memref<1x128xf32, #tpu.memory_space<vmem>>
    %get3A_47 = tpu.memref_squeeze %get3A_46 : memref<1x128xf32, #tpu.memory_space<vmem>> -> memref<128xf32, #tpu.memory_space<vmem>>
    %get3A_48 = arith.constant 0 : index
    %get3A_49 = tpu.vector_load %get3A_47[%get3A_48] {strides = array<i32>} : memref<128xf32, #tpu.memory_space<vmem>>, vector<16xf32>,
    %get3A_50 = vector.shape_cast %get3A_49 : vector<16xf32> to vector<16xf32>
    %add3A_51 = arith.constant 0 : i32
    %add3A_52 = arith.addi %sub3A_13, %add3A_51 : i32
    %get3A_53 = arith.constant 0 : i32
    %get3A_54 = tpu.memref_slice %arg5[%add3A_52, %get3A_53] : memref<16x128xf32, #tpu.memory_space<vmem>> -> memref<1x128xf32, #tpu.memory_space<vmem>>
    %get3A_55 = tpu.memref_squeeze %get3A_54 : memref<1x128xf32, #tpu.memory_space<vmem>> -> memref<128xf32, #tpu.memory_space<vmem>>
    %get3A_56 = arith.constant 16 : index
    %get3A_57 = tpu.vector_load %get3A_55[%get3A_56] {strides = array<i32>} : memref<128xf32, #tpu.memory_space<vmem>>, vector<16xf32>,
    %get3A_58 = vector.shape_cast %get3A_57 : vector<16xf32> to vector<16xf32>
    %add3A_59 = arith.constant 0 : i32
    %add3A_60 = arith.addi %sub3A_13, %add3A_59 : i32
    %get3A_61 = arith.constant 0 : i32
    %get3A_62 = tpu.memref_slice %arg5[%add3A_60, %get3A_61] : memref<16x128xf32, #tpu.memory_space<vmem>> -> memref<1x128xf32, #tpu.memory_space<vmem>>
    %get3A_63 = tpu.memref_squeeze %get3A_62 : memref<1x128xf32, #tpu.memory_space<vmem>> -> memref<128xf32, #tpu.memory_space<vmem>>
    %get3A_64 = arith.constant 32 : index
    %get3A_65 = tpu.vector_load %get3A_63[%get3A_64] {strides = array<i32>} : memref<128xf32, #tpu.memory_space<vmem>>, vector<16xf32>,
    %get3A_66 = vector.shape_cast %get3A_65 : vector<16xf32> to vector<16xf32>
    %add3A_67 = arith.constant 0 : i32
    %add3A_68 = arith.addi %sub3A_13, %add3A_67 : i32
    %get3A_69 = arith.constant 0 : i32
    %get3A_70 = tpu.memref_slice %arg5[%add3A_68, %get3A_69] : memref<16x128xf32, #tpu.memory_space<vmem>> -> memref<1x128xf32, #tpu.memory_space<vmem>>
    %get3A_71 = tpu.memref_squeeze %get3A_70 : memref<1x128xf32, #tpu.memory_space<vmem>> -> memref<128xf32, #tpu.memory_space<vmem>>
    %get3A_72 = arith.constant 48 : index
    %get3A_73 = tpu.vector_load %get3A_71[%get3A_72] {strides = array<i32>} : memref<128xf32, #tpu.memory_space<vmem>>, vector<16xf32>,
    %get3A_74 = vector.shape_cast %get3A_73 : vector<16xf32> to vector<16xf32>
    %add3A_75 = arith.constant 0 : i32
    %add3A_76 = arith.addi %sub3A_13, %add3A_75 : i32
    %get3A_77 = arith.constant 0 : i32
    %get3A_78 = tpu.memref_slice %arg5[%add3A_76, %get3A_77] : memref<16x128xf32, #tpu.memory_space<vmem>> -> memref<1x128xf32, #tpu.memory_space<vmem>>
    %get3A_79 = tpu.memref_squeeze %get3A_78 : memref<1x128xf32, #tpu.memory_space<vmem>> -> memref<128xf32, #tpu.memory_space<vmem>>
    %get3A_80 = arith.constant 64 : index
    %get3A_81 = tpu.vector_load %get3A_79[%get3A_80] {strides = array<i32>} : memref<128xf32, #tpu.memory_space<vmem>>, vector<16xf32>,
    %get3A_82 = vector.shape_cast %get3A_81 : vector<16xf32> to vector<16xf32>
    %add3A_83 = arith.constant 0 : i32
    %add3A_84 = arith.addi %sub3A_13, %add3A_83 : i32
    %get3A_85 = arith.constant 0 : i32
    %get3A_86 = tpu.memref_slice %arg5[%add3A_84, %get3A_85] : memref<16x128xf32, #tpu.memory_space<vmem>> -> memref<1x128xf32, #tpu.memory_space<vmem>>
    %get3A_87 = tpu.memref_squeeze %get3A_86 : memref<1x128xf32, #tpu.memory_space<vmem>> -> memref<128xf32, #tpu.memory_space<vmem>>
    %get3A_88 = arith.constant 80 : index
    %get3A_89 = tpu.vector_load %get3A_87[%get3A_88] {strides = array<i32>} : memref<128xf32, #tpu.memory_space<vmem>>, vector<16xf32>,
    %get3A_90 = vector.shape_cast %get3A_89 : vector<16xf32> to vector<16xf32>
    %add3A_91 = arith.constant 0 : i32
    %add3A_92 = arith.addi %sub3A_13, %add3A_91 : i32
    %get3A_93 = arith.constant 0 : i32
    %get3A_94 = tpu.memref_slice %arg5[%add3A_92, %get3A_93] : memref<16x128xf32, #tpu.memory_space<vmem>> -> memref<1x128xf32, #tpu.memory_space<vmem>>
    %get3A_95 = tpu.memref_squeeze %get3A_94 : memref<1x128xf32, #tpu.memory_space<vmem>> -> memref<128xf32, #tpu.memory_space<vmem>>
    %get3A_96 = arith.constant 96 : index
    %get3A_97 = tpu.vector_load %get3A_95[%get3A_96] {strides = array<i32>} : memref<128xf32, #tpu.memory_space<vmem>>, vector<16xf32>,
    %get3A_98 = vector.shape_cast %get3A_97 : vector<16xf32> to vector<16xf32>
    %add3A_99 = arith.constant 0 : i32
    %add3A_100 = arith.addi %sub3A_13, %add3A_99 : i32
    %get3A_101 = arith.constant 0 : i32
    %get3A_102 = tpu.memref_slice %arg5[%add3A_100, %get3A_101] : memref<16x128xf32, #tpu.memory_space<vmem>> -> memref<1x128xf32, #tpu.memory_space<vmem>>
    %get3A_103 = tpu.memref_squeeze %get3A_102 : memref<1x128xf32, #tpu.memory_space<vmem>> -> memref<128xf32, #tpu.memory_space<vmem>>
    %get3A_104 = arith.constant 112 : index
    %get3A_105 = tpu.vector_load %get3A_103[%get3A_104] {strides = array<i32>} : memref<128xf32, #tpu.memory_space<vmem>>, vector<16xf32>,
    %get3A_106 = vector.shape_cast %get3A_105 : vector<16xf32> to vector<16xf32>
    %scan3A = arith.constant 0 : i32
    %scan3A_107 = arith.constant 0 : i32
    %scan3A_108 = arith.constant 224 : i32
    %scan3A_109 = arith.addi %scan3A_107, %scan3A_108 : i32
    %scan3A_110 = arith.constant 1 : i32
    scf.for %scan3A_1092 = %scan3A_107 to %scan3A_109 step %scan3A_110  : i32 {
      %swap3A = arith.constant 0 : i32
      %swap3A_1093 = tpu.memref_slice %arg6[%scan3A_1092, %swap3A] : memref<224x256xf32, #tpu.memory_space<vmem>> -> memref<1x256xf32, #tpu.memory_space<vmem>>
      %swap3A_1094 = tpu.memref_squeeze %swap3A_1093 : memref<1x256xf32, #tpu.memory_space<vmem>> -> memref<256xf32, #tpu.memory_space<vmem>>
      %swap3A_1095 = arith.constant 128 : index
      %swap3A_1096 = tpu.vector_load %swap3A_1094[%swap3A_1095] {strides = array<i32>} : memref<256xf32, #tpu.memory_space<vmem>>, vector<16xf32>,
      %swap3A_1097 = vector.shape_cast %swap3A_1096 : vector<16xf32> to vector<16xf32>
      %swap3A_1098 = vector.shape_cast %get3A_50 : vector<16xf32> to vector<16xf32>
      tpu.vector_store %swap3A_1094[%swap3A_1095], %swap3A_1098 {strides = array<i32>} : memref<256xf32, #tpu.memory_space<vmem>>, vector<16xf32>,
      %swap3A_1099 = arith.constant 0 : i32
      %swap3A_1100 = tpu.memref_slice %arg6[%scan3A_1092, %swap3A_1099] : memref<224x256xf32, #tpu.memory_space<vmem>> -> memref<1x256xf32, #tpu.memory_space<vmem>>
      %swap3A_1101 = tpu.memref_squeeze %swap3A_1100 : memref<1x256xf32, #tpu.memory_space<vmem>> -> memref<256xf32, #tpu.memory_space<vmem>>
      %swap3A_1102 = arith.constant 144 : index
      %swap3A_1103 = tpu.vector_load %swap3A_1101[%swap3A_1102] {strides = array<i32>} : memref<256xf32, #tpu.memory_space<vmem>>, vector<16xf32>,
      %swap3A_1104 = vector.shape_cast %swap3A_1103 : vector<16xf32> to vector<16xf32>
      %swap3A_1105 = vector.shape_cast %get3A_58 : vector<16xf32> to vector<16xf32>
      tpu.vector_store %swap3A_1101[%swap3A_1102], %swap3A_1105 {strides = array<i32>} : memref<256xf32, #tpu.memory_space<vmem>>, vector<16xf32>,
      %swap3A_1106 = arith.constant 0 : i32
      %swap3A_1107 = tpu.memref_slice %arg6[%scan3A_1092, %swap3A_1106] : memref<224x256xf32, #tpu.memory_space<vmem>> -> memref<1x256xf32, #tpu.memory_space<vmem>>
      %swap3A_1108 = tpu.memref_squeeze %swap3A_1107 : memref<1x256xf32, #tpu.memory_space<vmem>> -> memref<256xf32, #tpu.memory_space<vmem>>
      %swap3A_1109 = arith.constant 160 : index
      %swap3A_1110 = tpu.vector_load %swap3A_1108[%swap3A_1109] {strides = array<i32>} : memref<256xf32, #tpu.memory_space<vmem>>, vector<16xf32>,
      %swap3A_1111 = vector.shape_cast %swap3A_1110 : vector<16xf32> to vector<16xf32>
      %swap3A_1112 = vector.shape_cast %get3A_66 : vector<16xf32> to vector<16xf32>
      tpu.vector_store %swap3A_1108[%swap3A_1109], %swap3A_1112 {strides = array<i32>} : memref<256xf32, #tpu.memory_space<vmem>>, vector<16xf32>,
      %swap3A_1113 = arith.constant 0 : i32
      %swap3A_1114 = tpu.memref_slice %arg6[%scan3A_1092, %swap3A_1113] : memref<224x256xf32, #tpu.memory_space<vmem>> -> memref<1x256xf32, #tpu.memory_space<vmem>>
      %swap3A_1115 = tpu.memref_squeeze %swap3A_1114 : memref<1x256xf32, #tpu.memory_space<vmem>> -> memref<256xf32, #tpu.memory_space<vmem>>
      %swap3A_1116 = arith.constant 176 : index
      %swap3A_1117 = tpu.vector_load %swap3A_1115[%swap3A_1116] {strides = array<i32>} : memref<256xf32, #tpu.memory_space<vmem>>, vector<16xf32>,
      %swap3A_1118 = vector.shape_cast %swap3A_1117 : vector<16xf32> to vector<16xf32>
      %swap3A_1119 = vector.shape_cast %get3A_74 : vector<16xf32> to vector<16xf32>
      tpu.vector_store %swap3A_1115[%swap3A_1116], %swap3A_1119 {strides = array<i32>} : memref<256xf32, #tpu.memory_space<vmem>>, vector<16xf32>,
      %swap3A_1120 = arith.constant 0 : i32
      %swap3A_1121 = tpu.memref_slice %arg6[%scan3A_1092, %swap3A_1120] : memref<224x256xf32, #tpu.memory_space<vmem>> -> memref<1x256xf32, #tpu.memory_space<vmem>>
      %swap3A_1122 = tpu.memref_squeeze %swap3A_1121 : memref<1x256xf32, #tpu.memory_space<vmem>> -> memref<256xf32, #tpu.memory_space<vmem>>
      %swap3A_1123 = arith.constant 192 : index
      %swap3A_1124 = tpu.vector_load %swap3A_1122[%swap3A_1123] {strides = array<i32>} : memref<256xf32, #tpu.memory_space<vmem>>, vector<16xf32>,
      %swap3A_1125 = vector.shape_cast %swap3A_1124 : vector<16xf32> to vector<16xf32>
      %swap3A_1126 = vector.shape_cast %get3A_82 : vector<16xf32> to vector<16xf32>
      tpu.vector_store %swap3A_1122[%swap3A_1123], %swap3A_1126 {strides = array<i32>} : memref<256xf32, #tpu.memory_space<vmem>>, vector<16xf32>,
      %swap3A_1127 = arith.constant 0 : i32
      %swap3A_1128 = tpu.memref_slice %arg6[%scan3A_1092, %swap3A_1127] : memref<224x256xf32, #tpu.memory_space<vmem>> -> memref<1x256xf32, #tpu.memory_space<vmem>>
      %swap3A_1129 = tpu.memref_squeeze %swap3A_1128 : memref<1x256xf32, #tpu.memory_space<vmem>> -> memref<256xf32, #tpu.memory_space<vmem>>
      %swap3A_1130 = arith.constant 208 : index
      %swap3A_1131 = tpu.vector_load %swap3A_1129[%swap3A_1130] {strides = array<i32>} : memref<256xf32, #tpu.memory_space<vmem>>, vector<16xf32>,
      %swap3A_1132 = vector.shape_cast %swap3A_1131 : vector<16xf32> to vector<16xf32>
      %swap3A_1133 = vector.shape_cast %get3A_90 : vector<16xf32> to vector<16xf32>
      tpu.vector_store %swap3A_1129[%swap3A_1130], %swap3A_1133 {strides = array<i32>} : memref<256xf32, #tpu.memory_space<vmem>>, vector<16xf32>,
      %swap3A_1134 = arith.constant 0 : i32
      %swap3A_1135 = tpu.memref_slice %arg6[%scan3A_1092, %swap3A_1134] : memref<224x256xf32, #tpu.memory_space<vmem>> -> memref<1x256xf32, #tpu.memory_space<vmem>>
      %swap3A_1136 = tpu.memref_squeeze %swap3A_1135 : memref<1x256xf32, #tpu.memory_space<vmem>> -> memref<256xf32, #tpu.memory_space<vmem>>
      %swap3A_1137 = arith.constant 224 : index
      %swap3A_1138 = tpu.vector_load %swap3A_1136[%swap3A_1137] {strides = array<i32>} : memref<256xf32, #tpu.memory_space<vmem>>, vector<16xf32>,
      %swap3A_1139 = vector.shape_cast %swap3A_1138 : vector<16xf32> to vector<16xf32>
      %swap3A_1140 = vector.shape_cast %get3A_98 : vector<16xf32> to vector<16xf32>
      tpu.vector_store %swap3A_1136[%swap3A_1137], %swap3A_1140 {strides = array<i32>} : memref<256xf32, #tpu.memory_space<vmem>>, vector<16xf32>,
      %swap3A_1141 = arith.constant 0 : i32
      %swap3A_1142 = tpu.memref_slice %arg6[%scan3A_1092, %swap3A_1141] : memref<224x256xf32, #tpu.memory_space<vmem>> -> memref<1x256xf32, #tpu.memory_space<vmem>>
      %swap3A_1143 = tpu.memref_squeeze %swap3A_1142 : memref<1x256xf32, #tpu.memory_space<vmem>> -> memref<256xf32, #tpu.memory_space<vmem>>
      %swap3A_1144 = arith.constant 240 : index
      %swap3A_1145 = tpu.vector_load %swap3A_1143[%swap3A_1144] {strides = array<i32>} : memref<256xf32, #tpu.memory_space<vmem>>, vector<16xf32>,
      %swap3A_1146 = vector.shape_cast %swap3A_1145 : vector<16xf32> to vector<16xf32>
      %swap3A_1147 = vector.shape_cast %get3A_106 : vector<16xf32> to vector<16xf32>
      tpu.vector_store %swap3A_1143[%swap3A_1144], %swap3A_1147 {strides = array<i32>} : memref<256xf32, #tpu.memory_space<vmem>>, vector<16xf32>,
    }
    %scan3A_111 = arith.constant 224 : i32
    %add3A_112 = arith.constant 0 : i32
    %add3A_113 = arith.addi %mul3A_2, %add3A_112 : i32
    %dma_start3A_114 = arith.constant 0 : i32
    %dma_start3A_115 = arith.constant 0 : i32
    %dma_start3A_116 = arith.constant 0 : i32
    %dma_start3A_117 = tpu.memref_slice %arg4[%dma_start3A_114, %add3A_113, %dma_start3A_115, %dma_start3A_116] : memref<4x224x224x256xf32, #tpu.memory_space<hbm>> -> memref<1x1x224x256xf32, #tpu.memory_space<hbm>>
    %dma_start3A_118 = tpu.memref_squeeze %dma_start3A_117 : memref<1x1x224x256xf32, #tpu.memory_space<hbm>> -> memref<224x256xf32, #tpu.memory_space<hbm>>
    %dma_start3A_119 = arith.constant 0 : i32
    %dma_start3A_120 = arith.constant 0 : i32
    %dma_start3A_121 = tpu.memref_slice %arg4[%dma_start3A_114, %add3A_113, %dma_start3A_119, %dma_start3A_120] : memref<4x224x224x256xf32, #tpu.memory_space<hbm>> -> memref<1x1x224x256xf32, #tpu.memory_space<hbm>>
    %dma_start3A_122 = tpu.memref_squeeze %dma_start3A_121 : memref<1x1x224x256xf32, #tpu.memory_space<hbm>> -> memref<224x256xf32, #tpu.memory_space<hbm>>
    tpu.enqueue_dma source(%arg6 : memref<224x256xf32, #tpu.memory_space<vmem>>) target(%dma_start3A_122 : memref<224x256xf32, #tpu.memory_space<hbm>>) target_semaphore(%arg8 : memref<!tpu.dma_semaphore, #tpu.memory_space<semaphore_mem>>)
    %add3A_123 = arith.constant 0 : i32
    %add3A_124 = arith.addi %mul3A_2, %add3A_123 : i32
    %dma_start3A_125 = arith.constant 1 : i32
    %dma_start3A_126 = arith.constant 0 : i32
    %dma_start3A_127 = arith.constant 0 : i32
    %dma_start3A_128 = tpu.memref_slice %arg4[%dma_start3A_125, %add3A_124, %dma_start3A_126, %dma_start3A_127] : memref<4x224x224x256xf32, #tpu.memory_space<hbm>> -> memref<1x1x224x256xf32, #tpu.memory_space<hbm>>
    %dma_start3A_129 = tpu.memref_squeeze %dma_start3A_128 : memref<1x1x224x256xf32, #tpu.memory_space<hbm>> -> memref<224x256xf32, #tpu.memory_space<hbm>>
    %dma_start3A_130 = arith.constant 0 : i32
    %dma_start3A_131 = arith.constant 0 : i32
    %dma_start3A_132 = tpu.memref_slice %arg4[%dma_start3A_125, %add3A_124, %dma_start3A_130, %dma_start3A_131] : memref<4x224x224x256xf32, #tpu.memory_space<hbm>> -> memref<1x1x224x256xf32, #tpu.memory_space<hbm>>
    %dma_start3A_133 = tpu.memref_squeeze %dma_start3A_132 : memref<1x1x224x256xf32, #tpu.memory_space<hbm>> -> memref<224x256xf32, #tpu.memory_space<hbm>>
    tpu.enqueue_dma source(%arg6 : memref<224x256xf32, #tpu.memory_space<vmem>>) target(%dma_start3A_133 : memref<224x256xf32, #tpu.memory_space<hbm>>) target_semaphore(%arg8 : memref<!tpu.dma_semaphore, #tpu.memory_space<semaphore_mem>>)
    %add3A_134 = arith.constant 0 : i32
    %add3A_135 = arith.addi %mul3A_2, %add3A_134 : i32
    %dma_start3A_136 = arith.constant 2 : i32
    %dma_start3A_137 = arith.constant 0 : i32
    %dma_start3A_138 = arith.constant 0 : i32
    %dma_start3A_139 = tpu.memref_slice %arg4[%dma_start3A_136, %add3A_135, %dma_start3A_137, %dma_start3A_138] : memref<4x224x224x256xf32, #tpu.memory_space<hbm>> -> memref<1x1x224x256xf32, #tpu.memory_space<hbm>>
    %dma_start3A_140 = tpu.memref_squeeze %dma_start3A_139 : memref<1x1x224x256xf32, #tpu.memory_space<hbm>> -> memref<224x256xf32, #tpu.memory_space<hbm>>
    %dma_start3A_141 = arith.constant 0 : i32
    %dma_start3A_142 = arith.constant 0 : i32
    %dma_start3A_143 = tpu.memref_slice %arg4[%dma_start3A_136, %add3A_135, %dma_start3A_141, %dma_start3A_142] : memref<4x224x224x256xf32, #tpu.memory_space<hbm>> -> memref<1x1x224x256xf32, #tpu.memory_space<hbm>>
    %dma_start3A_144 = tpu.memref_squeeze %dma_start3A_143 : memref<1x1x224x256xf32, #tpu.memory_space<hbm>> -> memref<224x256xf32, #tpu.memory_space<hbm>>
    tpu.enqueue_dma source(%arg6 : memref<224x256xf32, #tpu.memory_space<vmem>>) target(%dma_start3A_144 : memref<224x256xf32, #tpu.memory_space<hbm>>) target_semaphore(%arg8 : memref<!tpu.dma_semaphore, #tpu.memory_space<semaphore_mem>>)
    %add3A_145 = arith.constant 0 : i32
    %add3A_146 = arith.addi %mul3A_2, %add3A_145 : i32
    %dma_start3A_147 = arith.constant 3 : i32
    %dma_start3A_148 = arith.constant 0 : i32
    %dma_start3A_149 = arith.constant 0 : i32
    %dma_start3A_150 = tpu.memref_slice %arg4[%dma_start3A_147, %add3A_146, %dma_start3A_148, %dma_start3A_149] : memref<4x224x224x256xf32, #tpu.memory_space<hbm>> -> memref<1x1x224x256xf32, #tpu.memory_space<hbm>>
    %dma_start3A_151 = tpu.memref_squeeze %dma_start3A_150 : memref<1x1x224x256xf32, #tpu.memory_space<hbm>> -> memref<224x256xf32, #tpu.memory_space<hbm>>
    %dma_start3A_152 = arith.constant 0 : i32
    %dma_start3A_153 = arith.constant 0 : i32
    %dma_start3A_154 = tpu.memref_slice %arg4[%dma_start3A_147, %add3A_146, %dma_start3A_152, %dma_start3A_153] : memref<4x224x224x256xf32, #tpu.memory_space<hbm>> -> memref<1x1x224x256xf32, #tpu.memory_space<hbm>>
    %dma_start3A_155 = tpu.memref_squeeze %dma_start3A_154 : memref<1x1x224x256xf32, #tpu.memory_space<hbm>> -> memref<224x256xf32, #tpu.memory_space<hbm>>
    tpu.enqueue_dma source(%arg6 : memref<224x256xf32, #tpu.memory_space<vmem>>) target(%dma_start3A_155 : memref<224x256xf32, #tpu.memory_space<hbm>>) target_semaphore(%arg8 : memref<!tpu.dma_semaphore, #tpu.memory_space<semaphore_mem>>)
    %add3A_156 = arith.constant 1 : i32
    %add3A_157 = arith.addi %sub3A_13, %add3A_156 : i32
    %get3A_158 = arith.constant 0 : i32
    %get3A_159 = tpu.memref_slice %arg5[%add3A_157, %get3A_158] : memref<16x128xf32, #tpu.memory_space<vmem>> -> memref<1x128xf32, #tpu.memory_space<vmem>>
    %get3A_160 = tpu.memref_squeeze %get3A_159 : memref<1x128xf32, #tpu.memory_space<vmem>> -> memref<128xf32, #tpu.memory_space<vmem>>
    %get3A_161 = arith.constant 0 : index
    %get3A_162 = tpu.vector_load %get3A_160[%get3A_161] {strides = array<i32>} : memref<128xf32, #tpu.memory_space<vmem>>, vector<16xf32>,
    %get3A_163 = vector.shape_cast %get3A_162 : vector<16xf32> to vector<16xf32>
    %add3A_164 = arith.constant 1 : i32
    %add3A_165 = arith.addi %sub3A_13, %add3A_164 : i32
    %get3A_166 = arith.constant 0 : i32
    %get3A_167 = tpu.memref_slice %arg5[%add3A_165, %get3A_166] : memref<16x128xf32, #tpu.memory_space<vmem>> -> memref<1x128xf32, #tpu.memory_space<vmem>>
    %get3A_168 = tpu.memref_squeeze %get3A_167 : memref<1x128xf32, #tpu.memory_space<vmem>> -> memref<128xf32, #tpu.memory_space<vmem>>
    %get3A_169 = arith.constant 16 : index
    %get3A_170 = tpu.vector_load %get3A_168[%get3A_169] {strides = array<i32>} : memref<128xf32, #tpu.memory_space<vmem>>, vector<16xf32>,
    %get3A_171 = vector.shape_cast %get3A_170 : vector<16xf32> to vector<16xf32>
    %add3A_172 = arith.constant 1 : i32
    %add3A_173 = arith.addi %sub3A_13, %add3A_172 : i32
    %get3A_174 = arith.constant 0 : i32
    %get3A_175 = tpu.memref_slice %arg5[%add3A_173, %get3A_174] : memref<16x128xf32, #tpu.memory_space<vmem>> -> memref<1x128xf32, #tpu.memory_space<vmem>>
    %get3A_176 = tpu.memref_squeeze %get3A_175 : memref<1x128xf32, #tpu.memory_space<vmem>> -> memref<128xf32, #tpu.memory_space<vmem>>
    %get3A_177 = arith.constant 32 : index
    %get3A_178 = tpu.vector_load %get3A_176[%get3A_177] {strides = array<i32>} : memref<128xf32, #tpu.memory_space<vmem>>, vector<16xf32>,
    %get3A_179 = vector.shape_cast %get3A_178 : vector<16xf32> to vector<16xf32>
    %add3A_180 = arith.constant 1 : i32
    %add3A_181 = arith.addi %sub3A_13, %add3A_180 : i32
    %get3A_182 = arith.constant 0 : i32
    %get3A_183 = tpu.memref_slice %arg5[%add3A_181, %get3A_182] : memref<16x128xf32, #tpu.memory_space<vmem>> -> memref<1x128xf32, #tpu.memory_space<vmem>>
    %get3A_184 = tpu.memref_squeeze %get3A_183 : memref<1x128xf32, #tpu.memory_space<vmem>> -> memref<128xf32, #tpu.memory_space<vmem>>
    %get3A_185 = arith.constant 48 : index
    %get3A_186 = tpu.vector_load %get3A_184[%get3A_185] {strides = array<i32>} : memref<128xf32, #tpu.memory_space<vmem>>, vector<16xf32>,
    %get3A_187 = vector.shape_cast %get3A_186 : vector<16xf32> to vector<16xf32>
    %add3A_188 = arith.constant 1 : i32
    %add3A_189 = arith.addi %sub3A_13, %add3A_188 : i32
    %get3A_190 = arith.constant 0 : i32
    %get3A_191 = tpu.memref_slice %arg5[%add3A_189, %get3A_190] : memref<16x128xf32, #tpu.memory_space<vmem>> -> memref<1x128xf32, #tpu.memory_space<vmem>>
    %get3A_192 = tpu.memref_squeeze %get3A_191 : memref<1x128xf32, #tpu.memory_space<vmem>> -> memref<128xf32, #tpu.memory_space<vmem>>
    %get3A_193 = arith.constant 64 : index
    %get3A_194 = tpu.vector_load %get3A_192[%get3A_193] {strides = array<i32>} : memref<128xf32, #tpu.memory_space<vmem>>, vector<16xf32>,
    %get3A_195 = vector.shape_cast %get3A_194 : vector<16xf32> to vector<16xf32>
    %add3A_196 = arith.constant 1 : i32
    %add3A_197 = arith.addi %sub3A_13, %add3A_196 : i32
    %get3A_198 = arith.constant 0 : i32
    %get3A_199 = tpu.memref_slice %arg5[%add3A_197, %get3A_198] : memref<16x128xf32, #tpu.memory_space<vmem>> -> memref<1x128xf32, #tpu.memory_space<vmem>>
    %get3A_200 = tpu.memref_squeeze %get3A_199 : memref<1x128xf32, #tpu.memory_space<vmem>> -> memref<128xf32, #tpu.memory_space<vmem>>
    %get3A_201 = arith.constant 80 : index
    %get3A_202 = tpu.vector_load %get3A_200[%get3A_201] {strides = array<i32>} : memref<128xf32, #tpu.memory_space<vmem>>, vector<16xf32>,
    %get3A_203 = vector.shape_cast %get3A_202 : vector<16xf32> to vector<16xf32>
    %add3A_204 = arith.constant 1 : i32
    %add3A_205 = arith.addi %sub3A_13, %add3A_204 : i32
    %get3A_206 = arith.constant 0 : i32
    %get3A_207 = tpu.memref_slice %arg5[%add3A_205, %get3A_206] : memref<16x128xf32, #tpu.memory_space<vmem>> -> memref<1x128xf32, #tpu.memory_space<vmem>>
    %get3A_208 = tpu.memref_squeeze %get3A_207 : memref<1x128xf32, #tpu.memory_space<vmem>> -> memref<128xf32, #tpu.memory_space<vmem>>
    %get3A_209 = arith.constant 96 : index
    %get3A_210 = tpu.vector_load %get3A_208[%get3A_209] {strides = array<i32>} : memref<128xf32, #tpu.memory_space<vmem>>, vector<16xf32>,
    %get3A_211 = vector.shape_cast %get3A_210 : vector<16xf32> to vector<16xf32>
    %add3A_212 = arith.constant 1 : i32
    %add3A_213 = arith.addi %sub3A_13, %add3A_212 : i32
    %get3A_214 = arith.constant 0 : i32
    %get3A_215 = tpu.memref_slice %arg5[%add3A_213, %get3A_214] : memref<16x128xf32, #tpu.memory_space<vmem>> -> memref<1x128xf32, #tpu.memory_space<vmem>>
    %get3A_216 = tpu.memref_squeeze %get3A_215 : memref<1x128xf32, #tpu.memory_space<vmem>> -> memref<128xf32, #tpu.memory_space<vmem>>
    %get3A_217 = arith.constant 112 : index
    %get3A_218 = tpu.vector_load %get3A_216[%get3A_217] {strides = array<i32>} : memref<128xf32, #tpu.memory_space<vmem>>, vector<16xf32>,
    %get3A_219 = vector.shape_cast %get3A_218 : vector<16xf32> to vector<16xf32>
    %scan3A_220 = arith.constant 0 : i32
    %scan3A_221 = arith.constant 0 : i32
    %scan3A_222 = arith.constant 224 : i32
    %scan3A_223 = arith.addi %scan3A_221, %scan3A_222 : i32
    %scan3A_224 = arith.constant 1 : i32
    scf.for %scan3A_1092 = %scan3A_221 to %scan3A_223 step %scan3A_224  : i32 {
      %swap3A = arith.constant 0 : i32
      %swap3A_1093 = tpu.memref_slice %arg7[%scan3A_1092, %swap3A] : memref<224x256xf32, #tpu.memory_space<vmem>> -> memref<1x256xf32, #tpu.memory_space<vmem>>
      %swap3A_1094 = tpu.memref_squeeze %swap3A_1093 : memref<1x256xf32, #tpu.memory_space<vmem>> -> memref<256xf32, #tpu.memory_space<vmem>>
      %swap3A_1095 = arith.constant 128 : index
      %swap3A_1096 = tpu.vector_load %swap3A_1094[%swap3A_1095] {strides = array<i32>} : memref<256xf32, #tpu.memory_space<vmem>>, vector<16xf32>,
      %swap3A_1097 = vector.shape_cast %swap3A_1096 : vector<16xf32> to vector<16xf32>
      %swap3A_1098 = vector.shape_cast %get3A_163 : vector<16xf32> to vector<16xf32>
      tpu.vector_store %swap3A_1094[%swap3A_1095], %swap3A_1098 {strides = array<i32>} : memref<256xf32, #tpu.memory_space<vmem>>, vector<16xf32>,
      %swap3A_1099 = arith.constant 0 : i32
      %swap3A_1100 = tpu.memref_slice %arg7[%scan3A_1092, %swap3A_1099] : memref<224x256xf32, #tpu.memory_space<vmem>> -> memref<1x256xf32, #tpu.memory_space<vmem>>
      %swap3A_1101 = tpu.memref_squeeze %swap3A_1100 : memref<1x256xf32, #tpu.memory_space<vmem>> -> memref<256xf32, #tpu.memory_space<vmem>>
      %swap3A_1102 = arith.constant 144 : index
      %swap3A_1103 = tpu.vector_load %swap3A_1101[%swap3A_1102] {strides = array<i32>} : memref<256xf32, #tpu.memory_space<vmem>>, vector<16xf32>,
      %swap3A_1104 = vector.shape_cast %swap3A_1103 : vector<16xf32> to vector<16xf32>
      %swap3A_1105 = vector.shape_cast %get3A_171 : vector<16xf32> to vector<16xf32>
      tpu.vector_store %swap3A_1101[%swap3A_1102], %swap3A_1105 {strides = array<i32>} : memref<256xf32, #tpu.memory_space<vmem>>, vector<16xf32>,
      %swap3A_1106 = arith.constant 0 : i32
      %swap3A_1107 = tpu.memref_slice %arg7[%scan3A_1092, %swap3A_1106] : memref<224x256xf32, #tpu.memory_space<vmem>> -> memref<1x256xf32, #tpu.memory_space<vmem>>
      %swap3A_1108 = tpu.memref_squeeze %swap3A_1107 : memref<1x256xf32, #tpu.memory_space<vmem>> -> memref<256xf32, #tpu.memory_space<vmem>>
      %swap3A_1109 = arith.constant 160 : index
      %swap3A_1110 = tpu.vector_load %swap3A_1108[%swap3A_1109] {strides = array<i32>} : memref<256xf32, #tpu.memory_space<vmem>>, vector<16xf32>,
      %swap3A_1111 = vector.shape_cast %swap3A_1110 : vector<16xf32> to vector<16xf32>
      %swap3A_1112 = vector.shape_cast %get3A_179 : vector<16xf32> to vector<16xf32>
      tpu.vector_store %swap3A_1108[%swap3A_1109], %swap3A_1112 {strides = array<i32>} : memref<256xf32, #tpu.memory_space<vmem>>, vector<16xf32>,
      %swap3A_1113 = arith.constant 0 : i32
      %swap3A_1114 = tpu.memref_slice %arg7[%scan3A_1092, %swap3A_1113] : memref<224x256xf32, #tpu.memory_space<vmem>> -> memref<1x256xf32, #tpu.memory_space<vmem>>
      %swap3A_1115 = tpu.memref_squeeze %swap3A_1114 : memref<1x256xf32, #tpu.memory_space<vmem>> -> memref<256xf32, #tpu.memory_space<vmem>>
      %swap3A_1116 = arith.constant 176 : index
      %swap3A_1117 = tpu.vector_load %swap3A_1115[%swap3A_1116] {strides = array<i32>} : memref<256xf32, #tpu.memory_space<vmem>>, vector<16xf32>,
      %swap3A_1118 = vector.shape_cast %swap3A_1117 : vector<16xf32> to vector<16xf32>
      %swap3A_1119 = vector.shape_cast %get3A_187 : vector<16xf32> to vector<16xf32>
      tpu.vector_store %swap3A_1115[%swap3A_1116], %swap3A_1119 {strides = array<i32>} : memref<256xf32, #tpu.memory_space<vmem>>, vector<16xf32>,
      %swap3A_1120 = arith.constant 0 : i32
      %swap3A_1121 = tpu.memref_slice %arg7[%scan3A_1092, %swap3A_1120] : memref<224x256xf32, #tpu.memory_space<vmem>> -> memref<1x256xf32, #tpu.memory_space<vmem>>
      %swap3A_1122 = tpu.memref_squeeze %swap3A_1121 : memref<1x256xf32, #tpu.memory_space<vmem>> -> memref<256xf32, #tpu.memory_space<vmem>>
      %swap3A_1123 = arith.constant 192 : index
      %swap3A_1124 = tpu.vector_load %swap3A_1122[%swap3A_1123] {strides = array<i32>} : memref<256xf32, #tpu.memory_space<vmem>>, vector<16xf32>,
      %swap3A_1125 = vector.shape_cast %swap3A_1124 : vector<16xf32> to vector<16xf32>
      %swap3A_1126 = vector.shape_cast %get3A_195 : vector<16xf32> to vector<16xf32>
      tpu.vector_store %swap3A_1122[%swap3A_1123], %swap3A_1126 {strides = array<i32>} : memref<256xf32, #tpu.memory_space<vmem>>, vector<16xf32>,
      %swap3A_1127 = arith.constant 0 : i32
      %swap3A_1128 = tpu.memref_slice %arg7[%scan3A_1092, %swap3A_1127] : memref<224x256xf32, #tpu.memory_space<vmem>> -> memref<1x256xf32, #tpu.memory_space<vmem>>
      %swap3A_1129 = tpu.memref_squeeze %swap3A_1128 : memref<1x256xf32, #tpu.memory_space<vmem>> -> memref<256xf32, #tpu.memory_space<vmem>>
      %swap3A_1130 = arith.constant 208 : index
      %swap3A_1131 = tpu.vector_load %swap3A_1129[%swap3A_1130] {strides = array<i32>} : memref<256xf32, #tpu.memory_space<vmem>>, vector<16xf32>,
      %swap3A_1132 = vector.shape_cast %swap3A_1131 : vector<16xf32> to vector<16xf32>
      %swap3A_1133 = vector.shape_cast %get3A_203 : vector<16xf32> to vector<16xf32>
      tpu.vector_store %swap3A_1129[%swap3A_1130], %swap3A_1133 {strides = array<i32>} : memref<256xf32, #tpu.memory_space<vmem>>, vector<16xf32>,
      %swap3A_1134 = arith.constant 0 : i32
      %swap3A_1135 = tpu.memref_slice %arg7[%scan3A_1092, %swap3A_1134] : memref<224x256xf32, #tpu.memory_space<vmem>> -> memref<1x256xf32, #tpu.memory_space<vmem>>
      %swap3A_1136 = tpu.memref_squeeze %swap3A_1135 : memref<1x256xf32, #tpu.memory_space<vmem>> -> memref<256xf32, #tpu.memory_space<vmem>>
      %swap3A_1137 = arith.constant 224 : index
      %swap3A_1138 = tpu.vector_load %swap3A_1136[%swap3A_1137] {strides = array<i32>} : memref<256xf32, #tpu.memory_space<vmem>>, vector<16xf32>,
      %swap3A_1139 = vector.shape_cast %swap3A_1138 : vector<16xf32> to vector<16xf32>
      %swap3A_1140 = vector.shape_cast %get3A_211 : vector<16xf32> to vector<16xf32>
      tpu.vector_store %swap3A_1136[%swap3A_1137], %swap3A_1140 {strides = array<i32>} : memref<256xf32, #tpu.memory_space<vmem>>, vector<16xf32>,
      %swap3A_1141 = arith.constant 0 : i32
      %swap3A_1142 = tpu.memref_slice %arg7[%scan3A_1092, %swap3A_1141] : memref<224x256xf32, #tpu.memory_space<vmem>> -> memref<1x256xf32, #tpu.memory_space<vmem>>
      %swap3A_1143 = tpu.memref_squeeze %swap3A_1142 : memref<1x256xf32, #tpu.memory_space<vmem>> -> memref<256xf32, #tpu.memory_space<vmem>>
      %swap3A_1144 = arith.constant 240 : index
      %swap3A_1145 = tpu.vector_load %swap3A_1143[%swap3A_1144] {strides = array<i32>} : memref<256xf32, #tpu.memory_space<vmem>>, vector<16xf32>,
      %swap3A_1146 = vector.shape_cast %swap3A_1145 : vector<16xf32> to vector<16xf32>
      %swap3A_1147 = vector.shape_cast %get3A_219 : vector<16xf32> to vector<16xf32>
      tpu.vector_store %swap3A_1143[%swap3A_1144], %swap3A_1147 {strides = array<i32>} : memref<256xf32, #tpu.memory_space<vmem>>, vector<16xf32>,
    }
    %scan3A_225 = arith.constant 224 : i32
    %add3A_226 = arith.constant 1 : i32
    %add3A_227 = arith.addi %mul3A_2, %add3A_226 : i32
    %dma_start3A_228 = arith.constant 0 : i32
    %dma_start3A_229 = arith.constant 0 : i32
    %dma_start3A_230 = arith.constant 0 : i32
    %dma_start3A_231 = tpu.memref_slice %arg4[%dma_start3A_228, %add3A_227, %dma_start3A_229, %dma_start3A_230] : memref<4x224x224x256xf32, #tpu.memory_space<hbm>> -> memref<1x1x224x256xf32, #tpu.memory_space<hbm>>
    %dma_start3A_232 = tpu.memref_squeeze %dma_start3A_231 : memref<1x1x224x256xf32, #tpu.memory_space<hbm>> -> memref<224x256xf32, #tpu.memory_space<hbm>>
    %dma_start3A_233 = arith.constant 0 : i32
    %dma_start3A_234 = arith.constant 0 : i32
    %dma_start3A_235 = tpu.memref_slice %arg4[%dma_start3A_228, %add3A_227, %dma_start3A_233, %dma_start3A_234] : memref<4x224x224x256xf32, #tpu.memory_space<hbm>> -> memref<1x1x224x256xf32, #tpu.memory_space<hbm>>
    %dma_start3A_236 = tpu.memref_squeeze %dma_start3A_235 : memref<1x1x224x256xf32, #tpu.memory_space<hbm>> -> memref<224x256xf32, #tpu.memory_space<hbm>>
    tpu.enqueue_dma source(%arg7 : memref<224x256xf32, #tpu.memory_space<vmem>>) target(%dma_start3A_236 : memref<224x256xf32, #tpu.memory_space<hbm>>) target_semaphore(%arg9 : memref<!tpu.dma_semaphore, #tpu.memory_space<semaphore_mem>>)
    %add3A_237 = arith.constant 1 : i32
    %add3A_238 = arith.addi %mul3A_2, %add3A_237 : i32
    %dma_start3A_239 = arith.constant 1 : i32
    %dma_start3A_240 = arith.constant 0 : i32
    %dma_start3A_241 = arith.constant 0 : i32
    %dma_start3A_242 = tpu.memref_slice %arg4[%dma_start3A_239, %add3A_238, %dma_start3A_240, %dma_start3A_241] : memref<4x224x224x256xf32, #tpu.memory_space<hbm>> -> memref<1x1x224x256xf32, #tpu.memory_space<hbm>>
    %dma_start3A_243 = tpu.memref_squeeze %dma_start3A_242 : memref<1x1x224x256xf32, #tpu.memory_space<hbm>> -> memref<224x256xf32, #tpu.memory_space<hbm>>
    %dma_start3A_244 = arith.constant 0 : i32
    %dma_start3A_245 = arith.constant 0 : i32
    %dma_start3A_246 = tpu.memref_slice %arg4[%dma_start3A_239, %add3A_238, %dma_start3A_244, %dma_start3A_245] : memref<4x224x224x256xf32, #tpu.memory_space<hbm>> -> memref<1x1x224x256xf32, #tpu.memory_space<hbm>>
    %dma_start3A_247 = tpu.memref_squeeze %dma_start3A_246 : memref<1x1x224x256xf32, #tpu.memory_space<hbm>> -> memref<224x256xf32, #tpu.memory_space<hbm>>
    tpu.enqueue_dma source(%arg7 : memref<224x256xf32, #tpu.memory_space<vmem>>) target(%dma_start3A_247 : memref<224x256xf32, #tpu.memory_space<hbm>>) target_semaphore(%arg9 : memref<!tpu.dma_semaphore, #tpu.memory_space<semaphore_mem>>)
    %add3A_248 = arith.constant 1 : i32
    %add3A_249 = arith.addi %mul3A_2, %add3A_248 : i32
    %dma_start3A_250 = arith.constant 2 : i32
    %dma_start3A_251 = arith.constant 0 : i32
    %dma_start3A_252 = arith.constant 0 : i32
    %dma_start3A_253 = tpu.memref_slice %arg4[%dma_start3A_250, %add3A_249, %dma_start3A_251, %dma_start3A_252] : memref<4x224x224x256xf32, #tpu.memory_space<hbm>> -> memref<1x1x224x256xf32, #tpu.memory_space<hbm>>
    %dma_start3A_254 = tpu.memref_squeeze %dma_start3A_253 : memref<1x1x224x256xf32, #tpu.memory_space<hbm>> -> memref<224x256xf32, #tpu.memory_space<hbm>>
    %dma_start3A_255 = arith.constant 0 : i32
    %dma_start3A_256 = arith.constant 0 : i32
    %dma_start3A_257 = tpu.memref_slice %arg4[%dma_start3A_250, %add3A_249, %dma_start3A_255, %dma_start3A_256] : memref<4x224x224x256xf32, #tpu.memory_space<hbm>> -> memref<1x1x224x256xf32, #tpu.memory_space<hbm>>
    %dma_start3A_258 = tpu.memref_squeeze %dma_start3A_257 : memref<1x1x224x256xf32, #tpu.memory_space<hbm>> -> memref<224x256xf32, #tpu.memory_space<hbm>>
    tpu.enqueue_dma source(%arg7 : memref<224x256xf32, #tpu.memory_space<vmem>>) target(%dma_start3A_258 : memref<224x256xf32, #tpu.memory_space<hbm>>) target_semaphore(%arg9 : memref<!tpu.dma_semaphore, #tpu.memory_space<semaphore_mem>>)
    %add3A_259 = arith.constant 1 : i32
    %add3A_260 = arith.addi %mul3A_2, %add3A_259 : i32
    %dma_start3A_261 = arith.constant 3 : i32
    %dma_start3A_262 = arith.constant 0 : i32
    %dma_start3A_263 = arith.constant 0 : i32
    %dma_start3A_264 = tpu.memref_slice %arg4[%dma_start3A_261, %add3A_260, %dma_start3A_262, %dma_start3A_263] : memref<4x224x224x256xf32, #tpu.memory_space<hbm>> -> memref<1x1x224x256xf32, #tpu.memory_space<hbm>>
    %dma_start3A_265 = tpu.memref_squeeze %dma_start3A_264 : memref<1x1x224x256xf32, #tpu.memory_space<hbm>> -> memref<224x256xf32, #tpu.memory_space<hbm>>
    %dma_start3A_266 = arith.constant 0 : i32
    %dma_start3A_267 = arith.constant 0 : i32
    %dma_start3A_268 = tpu.memref_slice %arg4[%dma_start3A_261, %add3A_260, %dma_start3A_266, %dma_start3A_267] : memref<4x224x224x256xf32, #tpu.memory_space<hbm>> -> memref<1x1x224x256xf32, #tpu.memory_space<hbm>>
    %dma_start3A_269 = tpu.memref_squeeze %dma_start3A_268 : memref<1x1x224x256xf32, #tpu.memory_space<hbm>> -> memref<224x256xf32, #tpu.memory_space<hbm>>
    tpu.enqueue_dma source(%arg7 : memref<224x256xf32, #tpu.memory_space<vmem>>) target(%dma_start3A_269 : memref<224x256xf32, #tpu.memory_space<hbm>>) target_semaphore(%arg9 : memref<!tpu.dma_semaphore, #tpu.memory_space<semaphore_mem>>)
    %dma_wait3A_270 = arith.constant 0 : i32
    %dma_wait3A_271 = arith.constant 0 : i32
    %dma_wait3A_272 = arith.constant 0 : i32
    %dma_wait3A_273 = tpu.memref_slice %arg4[%dma_wait3A_270, %add3A_113, %dma_wait3A_271, %dma_wait3A_272] : memref<4x224x224x256xf32, #tpu.memory_space<hbm>> -> memref<1x1x224x256xf32, #tpu.memory_space<hbm>>
    %dma_wait3A_274 = tpu.memref_squeeze %dma_wait3A_273 : memref<1x1x224x256xf32, #tpu.memory_space<hbm>> -> memref<224x256xf32, #tpu.memory_space<hbm>>
    %dma_wait3A_275 = arith.constant 0 : i32
    %dma_wait3A_276 = arith.constant 0 : i32
    %dma_wait3A_277 = tpu.memref_slice %arg4[%dma_wait3A_270, %add3A_113, %dma_wait3A_275, %dma_wait3A_276] : memref<4x224x224x256xf32, #tpu.memory_space<hbm>> -> memref<1x1x224x256xf32, #tpu.memory_space<hbm>>
    %dma_wait3A_278 = tpu.memref_squeeze %dma_wait3A_277 : memref<1x1x224x256xf32, #tpu.memory_space<hbm>> -> memref<224x256xf32, #tpu.memory_space<hbm>>
    tpu.wait_dma2 semaphore(%arg8 : memref<!tpu.dma_semaphore, #tpu.memory_space<semaphore_mem>>) src(%arg6 : memref<224x256xf32, #tpu.memory_space<vmem>>) dst(%dma_wait3A_278 : memref<224x256xf32, #tpu.memory_space<hbm>>)
    %dma_wait3A_279 = arith.constant 1 : i32
    %dma_wait3A_280 = arith.constant 0 : i32
    %dma_wait3A_281 = arith.constant 0 : i32
    %dma_wait3A_282 = tpu.memref_slice %arg4[%dma_wait3A_279, %add3A_124, %dma_wait3A_280, %dma_wait3A_281] : memref<4x224x224x256xf32, #tpu.memory_space<hbm>> -> memref<1x1x224x256xf32, #tpu.memory_space<hbm>>
    %dma_wait3A_283 = tpu.memref_squeeze %dma_wait3A_282 : memref<1x1x224x256xf32, #tpu.memory_space<hbm>> -> memref<224x256xf32, #tpu.memory_space<hbm>>
    %dma_wait3A_284 = arith.constant 0 : i32
    %dma_wait3A_285 = arith.constant 0 : i32
    %dma_wait3A_286 = tpu.memref_slice %arg4[%dma_wait3A_279, %add3A_124, %dma_wait3A_284, %dma_wait3A_285] : memref<4x224x224x256xf32, #tpu.memory_space<hbm>> -> memref<1x1x224x256xf32, #tpu.memory_space<hbm>>
    %dma_wait3A_287 = tpu.memref_squeeze %dma_wait3A_286 : memref<1x1x224x256xf32, #tpu.memory_space<hbm>> -> memref<224x256xf32, #tpu.memory_space<hbm>>
    tpu.wait_dma2 semaphore(%arg8 : memref<!tpu.dma_semaphore, #tpu.memory_space<semaphore_mem>>) src(%arg6 : memref<224x256xf32, #tpu.memory_space<vmem>>) dst(%dma_wait3A_287 : memref<224x256xf32, #tpu.memory_space<hbm>>)
    %dma_wait3A_288 = arith.constant 2 : i32
    %dma_wait3A_289 = arith.constant 0 : i32
    %dma_wait3A_290 = arith.constant 0 : i32
    %dma_wait3A_291 = tpu.memref_slice %arg4[%dma_wait3A_288, %add3A_135, %dma_wait3A_289, %dma_wait3A_290] : memref<4x224x224x256xf32, #tpu.memory_space<hbm>> -> memref<1x1x224x256xf32, #tpu.memory_space<hbm>>
    %dma_wait3A_292 = tpu.memref_squeeze %dma_wait3A_291 : memref<1x1x224x256xf32, #tpu.memory_space<hbm>> -> memref<224x256xf32, #tpu.memory_space<hbm>>
    %dma_wait3A_293 = arith.constant 0 : i32
    %dma_wait3A_294 = arith.constant 0 : i32
    %dma_wait3A_295 = tpu.memref_slice %arg4[%dma_wait3A_288, %add3A_135, %dma_wait3A_293, %dma_wait3A_294] : memref<4x224x224x256xf32, #tpu.memory_space<hbm>> -> memref<1x1x224x256xf32, #tpu.memory_space<hbm>>
    %dma_wait3A_296 = tpu.memref_squeeze %dma_wait3A_295 : memref<1x1x224x256xf32, #tpu.memory_space<hbm>> -> memref<224x256xf32, #tpu.memory_space<hbm>>
    tpu.wait_dma2 semaphore(%arg8 : memref<!tpu.dma_semaphore, #tpu.memory_space<semaphore_mem>>) src(%arg6 : memref<224x256xf32, #tpu.memory_space<vmem>>) dst(%dma_wait3A_296 : memref<224x256xf32, #tpu.memory_space<hbm>>)
    %dma_wait3A_297 = arith.constant 3 : i32
    %dma_wait3A_298 = arith.constant 0 : i32
    %dma_wait3A_299 = arith.constant 0 : i32
    %dma_wait3A_300 = tpu.memref_slice %arg4[%dma_wait3A_297, %add3A_146, %dma_wait3A_298, %dma_wait3A_299] : memref<4x224x224x256xf32, #tpu.memory_space<hbm>> -> memref<1x1x224x256xf32, #tpu.memory_space<hbm>>
    %dma_wait3A_301 = tpu.memref_squeeze %dma_wait3A_300 : memref<1x1x224x256xf32, #tpu.memory_space<hbm>> -> memref<224x256xf32, #tpu.memory_space<hbm>>
    %dma_wait3A_302 = arith.constant 0 : i32
    %dma_wait3A_303 = arith.constant 0 : i32
    %dma_wait3A_304 = tpu.memref_slice %arg4[%dma_wait3A_297, %add3A_146, %dma_wait3A_302, %dma_wait3A_303] : memref<4x224x224x256xf32, #tpu.memory_space<hbm>> -> memref<1x1x224x256xf32, #tpu.memory_space<hbm>>
    %dma_wait3A_305 = tpu.memref_squeeze %dma_wait3A_304 : memref<1x1x224x256xf32, #tpu.memory_space<hbm>> -> memref<224x256xf32, #tpu.memory_space<hbm>>
    tpu.wait_dma2 semaphore(%arg8 : memref<!tpu.dma_semaphore, #tpu.memory_space<semaphore_mem>>) src(%arg6 : memref<224x256xf32, #tpu.memory_space<vmem>>) dst(%dma_wait3A_305 : memref<224x256xf32, #tpu.memory_space<hbm>>)
    %add3A_306 = arith.constant 2 : i32
    %add3A_307 = arith.addi %sub3A_13, %add3A_306 : i32
    %get3A_308 = arith.constant 0 : i32
    %get3A_309 = tpu.memref_slice %arg5[%add3A_307, %get3A_308] : memref<16x128xf32, #tpu.memory_space<vmem>> -> memref<1x128xf32, #tpu.memory_space<vmem>>
    %get3A_310 = tpu.memref_squeeze %get3A_309 : memref<1x128xf32, #tpu.memory_space<vmem>> -> memref<128xf32, #tpu.memory_space<vmem>>
    %get3A_311 = arith.constant 0 : index
    %get3A_312 = tpu.vector_load %get3A_310[%get3A_311] {strides = array<i32>} : memref<128xf32, #tpu.memory_space<vmem>>, vector<16xf32>,
    %get3A_313 = vector.shape_cast %get3A_312 : vector<16xf32> to vector<16xf32>
    %add3A_314 = arith.constant 2 : i32
    %add3A_315 = arith.addi %sub3A_13, %add3A_314 : i32
    %get3A_316 = arith.constant 0 : i32
    %get3A_317 = tpu.memref_slice %arg5[%add3A_315, %get3A_316] : memref<16x128xf32, #tpu.memory_space<vmem>> -> memref<1x128xf32, #tpu.memory_space<vmem>>
    %get3A_318 = tpu.memref_squeeze %get3A_317 : memref<1x128xf32, #tpu.memory_space<vmem>> -> memref<128xf32, #tpu.memory_space<vmem>>
    %get3A_319 = arith.constant 16 : index
    %get3A_320 = tpu.vector_load %get3A_318[%get3A_319] {strides = array<i32>} : memref<128xf32, #tpu.memory_space<vmem>>, vector<16xf32>,
    %get3A_321 = vector.shape_cast %get3A_320 : vector<16xf32> to vector<16xf32>
    %add3A_322 = arith.constant 2 : i32
    %add3A_323 = arith.addi %sub3A_13, %add3A_322 : i32
    %get3A_324 = arith.constant 0 : i32
    %get3A_325 = tpu.memref_slice %arg5[%add3A_323, %get3A_324] : memref<16x128xf32, #tpu.memory_space<vmem>> -> memref<1x128xf32, #tpu.memory_space<vmem>>
    %get3A_326 = tpu.memref_squeeze %get3A_325 : memref<1x128xf32, #tpu.memory_space<vmem>> -> memref<128xf32, #tpu.memory_space<vmem>>
    %get3A_327 = arith.constant 32 : index
    %get3A_328 = tpu.vector_load %get3A_326[%get3A_327] {strides = array<i32>} : memref<128xf32, #tpu.memory_space<vmem>>, vector<16xf32>,
    %get3A_329 = vector.shape_cast %get3A_328 : vector<16xf32> to vector<16xf32>
    %add3A_330 = arith.constant 2 : i32
    %add3A_331 = arith.addi %sub3A_13, %add3A_330 : i32
    %get3A_332 = arith.constant 0 : i32
    %get3A_333 = tpu.memref_slice %arg5[%add3A_331, %get3A_332] : memref<16x128xf32, #tpu.memory_space<vmem>> -> memref<1x128xf32, #tpu.memory_space<vmem>>
    %get3A_334 = tpu.memref_squeeze %get3A_333 : memref<1x128xf32, #tpu.memory_space<vmem>> -> memref<128xf32, #tpu.memory_space<vmem>>
    %get3A_335 = arith.constant 48 : index
    %get3A_336 = tpu.vector_load %get3A_334[%get3A_335] {strides = array<i32>} : memref<128xf32, #tpu.memory_space<vmem>>, vector<16xf32>,
    %get3A_337 = vector.shape_cast %get3A_336 : vector<16xf32> to vector<16xf32>
    %add3A_338 = arith.constant 2 : i32
    %add3A_339 = arith.addi %sub3A_13, %add3A_338 : i32
    %get3A_340 = arith.constant 0 : i32
    %get3A_341 = tpu.memref_slice %arg5[%add3A_339, %get3A_340] : memref<16x128xf32, #tpu.memory_space<vmem>> -> memref<1x128xf32, #tpu.memory_space<vmem>>
    %get3A_342 = tpu.memref_squeeze %get3A_341 : memref<1x128xf32, #tpu.memory_space<vmem>> -> memref<128xf32, #tpu.memory_space<vmem>>
    %get3A_343 = arith.constant 64 : index
    %get3A_344 = tpu.vector_load %get3A_342[%get3A_343] {strides = array<i32>} : memref<128xf32, #tpu.memory_space<vmem>>, vector<16xf32>,
    %get3A_345 = vector.shape_cast %get3A_344 : vector<16xf32> to vector<16xf32>
    %add3A_346 = arith.constant 2 : i32
    %add3A_347 = arith.addi %sub3A_13, %add3A_346 : i32
    %get3A_348 = arith.constant 0 : i32
    %get3A_349 = tpu.memref_slice %arg5[%add3A_347, %get3A_348] : memref<16x128xf32, #tpu.memory_space<vmem>> -> memref<1x128xf32, #tpu.memory_space<vmem>>
    %get3A_350 = tpu.memref_squeeze %get3A_349 : memref<1x128xf32, #tpu.memory_space<vmem>> -> memref<128xf32, #tpu.memory_space<vmem>>
    %get3A_351 = arith.constant 80 : index
    %get3A_352 = tpu.vector_load %get3A_350[%get3A_351] {strides = array<i32>} : memref<128xf32, #tpu.memory_space<vmem>>, vector<16xf32>,
    %get3A_353 = vector.shape_cast %get3A_352 : vector<16xf32> to vector<16xf32>
    %add3A_354 = arith.constant 2 : i32
    %add3A_355 = arith.addi %sub3A_13, %add3A_354 : i32
    %get3A_356 = arith.constant 0 : i32
    %get3A_357 = tpu.memref_slice %arg5[%add3A_355, %get3A_356] : memref<16x128xf32, #tpu.memory_space<vmem>> -> memref<1x128xf32, #tpu.memory_space<vmem>>
    %get3A_358 = tpu.memref_squeeze %get3A_357 : memref<1x128xf32, #tpu.memory_space<vmem>> -> memref<128xf32, #tpu.memory_space<vmem>>
    %get3A_359 = arith.constant 96 : index
    %get3A_360 = tpu.vector_load %get3A_358[%get3A_359] {strides = array<i32>} : memref<128xf32, #tpu.memory_space<vmem>>, vector<16xf32>,
    %get3A_361 = vector.shape_cast %get3A_360 : vector<16xf32> to vector<16xf32>
    %add3A_362 = arith.constant 2 : i32
    %add3A_363 = arith.addi %sub3A_13, %add3A_362 : i32
    %get3A_364 = arith.constant 0 : i32
    %get3A_365 = tpu.memref_slice %arg5[%add3A_363, %get3A_364] : memref<16x128xf32, #tpu.memory_space<vmem>> -> memref<1x128xf32, #tpu.memory_space<vmem>>
    %get3A_366 = tpu.memref_squeeze %get3A_365 : memref<1x128xf32, #tpu.memory_space<vmem>> -> memref<128xf32, #tpu.memory_space<vmem>>
    %get3A_367 = arith.constant 112 : index
    %get3A_368 = tpu.vector_load %get3A_366[%get3A_367] {strides = array<i32>} : memref<128xf32, #tpu.memory_space<vmem>>, vector<16xf32>,
    %get3A_369 = vector.shape_cast %get3A_368 : vector<16xf32> to vector<16xf32>
    %scan3A_370 = arith.constant 0 : i32
    %scan3A_371 = arith.constant 0 : i32
    %scan3A_372 = arith.constant 224 : i32
    %scan3A_373 = arith.addi %scan3A_371, %scan3A_372 : i32
    %scan3A_374 = arith.constant 1 : i32
    scf.for %scan3A_1092 = %scan3A_371 to %scan3A_373 step %scan3A_374  : i32 {
      %swap3A = arith.constant 0 : i32
      %swap3A_1093 = tpu.memref_slice %arg6[%scan3A_1092, %swap3A] : memref<224x256xf32, #tpu.memory_space<vmem>> -> memref<1x256xf32, #tpu.memory_space<vmem>>
      %swap3A_1094 = tpu.memref_squeeze %swap3A_1093 : memref<1x256xf32, #tpu.memory_space<vmem>> -> memref<256xf32, #tpu.memory_space<vmem>>
      %swap3A_1095 = arith.constant 128 : index
      %swap3A_1096 = tpu.vector_load %swap3A_1094[%swap3A_1095] {strides = array<i32>} : memref<256xf32, #tpu.memory_space<vmem>>, vector<16xf32>,
      %swap3A_1097 = vector.shape_cast %swap3A_1096 : vector<16xf32> to vector<16xf32>
      %swap3A_1098 = vector.shape_cast %get3A_313 : vector<16xf32> to vector<16xf32>
      tpu.vector_store %swap3A_1094[%swap3A_1095], %swap3A_1098 {strides = array<i32>} : memref<256xf32, #tpu.memory_space<vmem>>, vector<16xf32>,
      %swap3A_1099 = arith.constant 0 : i32
      %swap3A_1100 = tpu.memref_slice %arg6[%scan3A_1092, %swap3A_1099] : memref<224x256xf32, #tpu.memory_space<vmem>> -> memref<1x256xf32, #tpu.memory_space<vmem>>
      %swap3A_1101 = tpu.memref_squeeze %swap3A_1100 : memref<1x256xf32, #tpu.memory_space<vmem>> -> memref<256xf32, #tpu.memory_space<vmem>>
      %swap3A_1102 = arith.constant 144 : index
      %swap3A_1103 = tpu.vector_load %swap3A_1101[%swap3A_1102] {strides = array<i32>} : memref<256xf32, #tpu.memory_space<vmem>>, vector<16xf32>,
      %swap3A_1104 = vector.shape_cast %swap3A_1103 : vector<16xf32> to vector<16xf32>
      %swap3A_1105 = vector.shape_cast %get3A_321 : vector<16xf32> to vector<16xf32>
      tpu.vector_store %swap3A_1101[%swap3A_1102], %swap3A_1105 {strides = array<i32>} : memref<256xf32, #tpu.memory_space<vmem>>, vector<16xf32>,
      %swap3A_1106 = arith.constant 0 : i32
      %swap3A_1107 = tpu.memref_slice %arg6[%scan3A_1092, %swap3A_1106] : memref<224x256xf32, #tpu.memory_space<vmem>> -> memref<1x256xf32, #tpu.memory_space<vmem>>
      %swap3A_1108 = tpu.memref_squeeze %swap3A_1107 : memref<1x256xf32, #tpu.memory_space<vmem>> -> memref<256xf32, #tpu.memory_space<vmem>>
      %swap3A_1109 = arith.constant 160 : index
      %swap3A_1110 = tpu.vector_load %swap3A_1108[%swap3A_1109] {strides = array<i32>} : memref<256xf32, #tpu.memory_space<vmem>>, vector<16xf32>,
      %swap3A_1111 = vector.shape_cast %swap3A_1110 : vector<16xf32> to vector<16xf32>
      %swap3A_1112 = vector.shape_cast %get3A_329 : vector<16xf32> to vector<16xf32>
      tpu.vector_store %swap3A_1108[%swap3A_1109], %swap3A_1112 {strides = array<i32>} : memref<256xf32, #tpu.memory_space<vmem>>, vector<16xf32>,
      %swap3A_1113 = arith.constant 0 : i32
      %swap3A_1114 = tpu.memref_slice %arg6[%scan3A_1092, %swap3A_1113] : memref<224x256xf32, #tpu.memory_space<vmem>> -> memref<1x256xf32, #tpu.memory_space<vmem>>
      %swap3A_1115 = tpu.memref_squeeze %swap3A_1114 : memref<1x256xf32, #tpu.memory_space<vmem>> -> memref<256xf32, #tpu.memory_space<vmem>>
      %swap3A_1116 = arith.constant 176 : index
      %swap3A_1117 = tpu.vector_load %swap3A_1115[%swap3A_1116] {strides = array<i32>} : memref<256xf32, #tpu.memory_space<vmem>>, vector<16xf32>,
      %swap3A_1118 = vector.shape_cast %swap3A_1117 : vector<16xf32> to vector<16xf32>
      %swap3A_1119 = vector.shape_cast %get3A_337 : vector<16xf32> to vector<16xf32>
      tpu.vector_store %swap3A_1115[%swap3A_1116], %swap3A_1119 {strides = array<i32>} : memref<256xf32, #tpu.memory_space<vmem>>, vector<16xf32>,
      %swap3A_1120 = arith.constant 0 : i32
      %swap3A_1121 = tpu.memref_slice %arg6[%scan3A_1092, %swap3A_1120] : memref<224x256xf32, #tpu.memory_space<vmem>> -> memref<1x256xf32, #tpu.memory_space<vmem>>
      %swap3A_1122 = tpu.memref_squeeze %swap3A_1121 : memref<1x256xf32, #tpu.memory_space<vmem>> -> memref<256xf32, #tpu.memory_space<vmem>>
      %swap3A_1123 = arith.constant 192 : index
      %swap3A_1124 = tpu.vector_load %swap3A_1122[%swap3A_1123] {strides = array<i32>} : memref<256xf32, #tpu.memory_space<vmem>>, vector<16xf32>,
      %swap3A_1125 = vector.shape_cast %swap3A_1124 : vector<16xf32> to vector<16xf32>
      %swap3A_1126 = vector.shape_cast %get3A_345 : vector<16xf32> to vector<16xf32>
      tpu.vector_store %swap3A_1122[%swap3A_1123], %swap3A_1126 {strides = array<i32>} : memref<256xf32, #tpu.memory_space<vmem>>, vector<16xf32>,
      %swap3A_1127 = arith.constant 0 : i32
      %swap3A_1128 = tpu.memref_slice %arg6[%scan3A_1092, %swap3A_1127] : memref<224x256xf32, #tpu.memory_space<vmem>> -> memref<1x256xf32, #tpu.memory_space<vmem>>
      %swap3A_1129 = tpu.memref_squeeze %swap3A_1128 : memref<1x256xf32, #tpu.memory_space<vmem>> -> memref<256xf32, #tpu.memory_space<vmem>>
      %swap3A_1130 = arith.constant 208 : index
      %swap3A_1131 = tpu.vector_load %swap3A_1129[%swap3A_1130] {strides = array<i32>} : memref<256xf32, #tpu.memory_space<vmem>>, vector<16xf32>,
      %swap3A_1132 = vector.shape_cast %swap3A_1131 : vector<16xf32> to vector<16xf32>
      %swap3A_1133 = vector.shape_cast %get3A_353 : vector<16xf32> to vector<16xf32>
      tpu.vector_store %swap3A_1129[%swap3A_1130], %swap3A_1133 {strides = array<i32>} : memref<256xf32, #tpu.memory_space<vmem>>, vector<16xf32>,
      %swap3A_1134 = arith.constant 0 : i32
      %swap3A_1135 = tpu.memref_slice %arg6[%scan3A_1092, %swap3A_1134] : memref<224x256xf32, #tpu.memory_space<vmem>> -> memref<1x256xf32, #tpu.memory_space<vmem>>
      %swap3A_1136 = tpu.memref_squeeze %swap3A_1135 : memref<1x256xf32, #tpu.memory_space<vmem>> -> memref<256xf32, #tpu.memory_space<vmem>>
      %swap3A_1137 = arith.constant 224 : index
      %swap3A_1138 = tpu.vector_load %swap3A_1136[%swap3A_1137] {strides = array<i32>} : memref<256xf32, #tpu.memory_space<vmem>>, vector<16xf32>,
      %swap3A_1139 = vector.shape_cast %swap3A_1138 : vector<16xf32> to vector<16xf32>
      %swap3A_1140 = vector.shape_cast %get3A_361 : vector<16xf32> to vector<16xf32>
      tpu.vector_store %swap3A_1136[%swap3A_1137], %swap3A_1140 {strides = array<i32>} : memref<256xf32, #tpu.memory_space<vmem>>, vector<16xf32>,
      %swap3A_1141 = arith.constant 0 : i32
      %swap3A_1142 = tpu.memref_slice %arg6[%scan3A_1092, %swap3A_1141] : memref<224x256xf32, #tpu.memory_space<vmem>> -> memref<1x256xf32, #tpu.memory_space<vmem>>
      %swap3A_1143 = tpu.memref_squeeze %swap3A_1142 : memref<1x256xf32, #tpu.memory_space<vmem>> -> memref<256xf32, #tpu.memory_space<vmem>>
      %swap3A_1144 = arith.constant 240 : index
      %swap3A_1145 = tpu.vector_load %swap3A_1143[%swap3A_1144] {strides = array<i32>} : memref<256xf32, #tpu.memory_space<vmem>>, vector<16xf32>,
      %swap3A_1146 = vector.shape_cast %swap3A_1145 : vector<16xf32> to vector<16xf32>
      %swap3A_1147 = vector.shape_cast %get3A_369 : vector<16xf32> to vector<16xf32>
      tpu.vector_store %swap3A_1143[%swap3A_1144], %swap3A_1147 {strides = array<i32>} : memref<256xf32, #tpu.memory_space<vmem>>, vector<16xf32>,
    }
    %scan3A_375 = arith.constant 224 : i32
    %add3A_376 = arith.constant 2 : i32
    %add3A_377 = arith.addi %mul3A_2, %add3A_376 : i32
    %dma_start3A_378 = arith.constant 0 : i32
    %dma_start3A_379 = arith.constant 0 : i32
    %dma_start3A_380 = arith.constant 0 : i32
    %dma_start3A_381 = tpu.memref_slice %arg4[%dma_start3A_378, %add3A_377, %dma_start3A_379, %dma_start3A_380] : memref<4x224x224x256xf32, #tpu.memory_space<hbm>> -> memref<1x1x224x256xf32, #tpu.memory_space<hbm>>
    %dma_start3A_382 = tpu.memref_squeeze %dma_start3A_381 : memref<1x1x224x256xf32, #tpu.memory_space<hbm>> -> memref<224x256xf32, #tpu.memory_space<hbm>>
    %dma_start3A_383 = arith.constant 0 : i32
    %dma_start3A_384 = arith.constant 0 : i32
    %dma_start3A_385 = tpu.memref_slice %arg4[%dma_start3A_378, %add3A_377, %dma_start3A_383, %dma_start3A_384] : memref<4x224x224x256xf32, #tpu.memory_space<hbm>> -> memref<1x1x224x256xf32, #tpu.memory_space<hbm>>
    %dma_start3A_386 = tpu.memref_squeeze %dma_start3A_385 : memref<1x1x224x256xf32, #tpu.memory_space<hbm>> -> memref<224x256xf32, #tpu.memory_space<hbm>>
    tpu.enqueue_dma source(%arg6 : memref<224x256xf32, #tpu.memory_space<vmem>>) target(%dma_start3A_386 : memref<224x256xf32, #tpu.memory_space<hbm>>) target_semaphore(%arg8 : memref<!tpu.dma_semaphore, #tpu.memory_space<semaphore_mem>>)
    %add3A_387 = arith.constant 2 : i32
    %add3A_388 = arith.addi %mul3A_2, %add3A_387 : i32
    %dma_start3A_389 = arith.constant 1 : i32
    %dma_start3A_390 = arith.constant 0 : i32
    %dma_start3A_391 = arith.constant 0 : i32
    %dma_start3A_392 = tpu.memref_slice %arg4[%dma_start3A_389, %add3A_388, %dma_start3A_390, %dma_start3A_391] : memref<4x224x224x256xf32, #tpu.memory_space<hbm>> -> memref<1x1x224x256xf32, #tpu.memory_space<hbm>>
    %dma_start3A_393 = tpu.memref_squeeze %dma_start3A_392 : memref<1x1x224x256xf32, #tpu.memory_space<hbm>> -> memref<224x256xf32, #tpu.memory_space<hbm>>
    %dma_start3A_394 = arith.constant 0 : i32
    %dma_start3A_395 = arith.constant 0 : i32
    %dma_start3A_396 = tpu.memref_slice %arg4[%dma_start3A_389, %add3A_388, %dma_start3A_394, %dma_start3A_395] : memref<4x224x224x256xf32, #tpu.memory_space<hbm>> -> memref<1x1x224x256xf32, #tpu.memory_space<hbm>>
    %dma_start3A_397 = tpu.memref_squeeze %dma_start3A_396 : memref<1x1x224x256xf32, #tpu.memory_space<hbm>> -> memref<224x256xf32, #tpu.memory_space<hbm>>
    tpu.enqueue_dma source(%arg6 : memref<224x256xf32, #tpu.memory_space<vmem>>) target(%dma_start3A_397 : memref<224x256xf32, #tpu.memory_space<hbm>>) target_semaphore(%arg8 : memref<!tpu.dma_semaphore, #tpu.memory_space<semaphore_mem>>)
    %add3A_398 = arith.constant 2 : i32
    %add3A_399 = arith.addi %mul3A_2, %add3A_398 : i32
    %dma_start3A_400 = arith.constant 2 : i32
    %dma_start3A_401 = arith.constant 0 : i32
    %dma_start3A_402 = arith.constant 0 : i32
    %dma_start3A_403 = tpu.memref_slice %arg4[%dma_start3A_400, %add3A_399, %dma_start3A_401, %dma_start3A_402] : memref<4x224x224x256xf32, #tpu.memory_space<hbm>> -> memref<1x1x224x256xf32, #tpu.memory_space<hbm>>
    %dma_start3A_404 = tpu.memref_squeeze %dma_start3A_403 : memref<1x1x224x256xf32, #tpu.memory_space<hbm>> -> memref<224x256xf32, #tpu.memory_space<hbm>>
    %dma_start3A_405 = arith.constant 0 : i32
    %dma_start3A_406 = arith.constant 0 : i32
    %dma_start3A_407 = tpu.memref_slice %arg4[%dma_start3A_400, %add3A_399, %dma_start3A_405, %dma_start3A_406] : memref<4x224x224x256xf32, #tpu.memory_space<hbm>> -> memref<1x1x224x256xf32, #tpu.memory_space<hbm>>
    %dma_start3A_408 = tpu.memref_squeeze %dma_start3A_407 : memref<1x1x224x256xf32, #tpu.memory_space<hbm>> -> memref<224x256xf32, #tpu.memory_space<hbm>>
    tpu.enqueue_dma source(%arg6 : memref<224x256xf32, #tpu.memory_space<vmem>>) target(%dma_start3A_408 : memref<224x256xf32, #tpu.memory_space<hbm>>) target_semaphore(%arg8 : memref<!tpu.dma_semaphore, #tpu.memory_space<semaphore_mem>>)
    %add3A_409 = arith.constant 2 : i32
    %add3A_410 = arith.addi %mul3A_2, %add3A_409 : i32
    %dma_start3A_411 = arith.constant 3 : i32
    %dma_start3A_412 = arith.constant 0 : i32
    %dma_start3A_413 = arith.constant 0 : i32
    %dma_start3A_414 = tpu.memref_slice %arg4[%dma_start3A_411, %add3A_410, %dma_start3A_412, %dma_start3A_413] : memref<4x224x224x256xf32, #tpu.memory_space<hbm>> -> memref<1x1x224x256xf32, #tpu.memory_space<hbm>>
    %dma_start3A_415 = tpu.memref_squeeze %dma_start3A_414 : memref<1x1x224x256xf32, #tpu.memory_space<hbm>> -> memref<224x256xf32, #tpu.memory_space<hbm>>
    %dma_start3A_416 = arith.constant 0 : i32
    %dma_start3A_417 = arith.constant 0 : i32
    %dma_start3A_418 = tpu.memref_slice %arg4[%dma_start3A_411, %add3A_410, %dma_start3A_416, %dma_start3A_417] : memref<4x224x224x256xf32, #tpu.memory_space<hbm>> -> memref<1x1x224x256xf32, #tpu.memory_space<hbm>>
    %dma_start3A_419 = tpu.memref_squeeze %dma_start3A_418 : memref<1x1x224x256xf32, #tpu.memory_space<hbm>> -> memref<224x256xf32, #tpu.memory_space<hbm>>
    tpu.enqueue_dma source(%arg6 : memref<224x256xf32, #tpu.memory_space<vmem>>) target(%dma_start3A_419 : memref<224x256xf32, #tpu.memory_space<hbm>>) target_semaphore(%arg8 : memref<!tpu.dma_semaphore, #tpu.memory_space<semaphore_mem>>)
    %dma_wait3A_420 = arith.constant 0 : i32
    %dma_wait3A_421 = arith.constant 0 : i32
    %dma_wait3A_422 = arith.constant 0 : i32
    %dma_wait3A_423 = tpu.memref_slice %arg4[%dma_wait3A_420, %add3A_227, %dma_wait3A_421, %dma_wait3A_422] : memref<4x224x224x256xf32, #tpu.memory_space<hbm>> -> memref<1x1x224x256xf32, #tpu.memory_space<hbm>>
    %dma_wait3A_424 = tpu.memref_squeeze %dma_wait3A_423 : memref<1x1x224x256xf32, #tpu.memory_space<hbm>> -> memref<224x256xf32, #tpu.memory_space<hbm>>
    %dma_wait3A_425 = arith.constant 0 : i32
    %dma_wait3A_426 = arith.constant 0 : i32
    %dma_wait3A_427 = tpu.memref_slice %arg4[%dma_wait3A_420, %add3A_227, %dma_wait3A_425, %dma_wait3A_426] : memref<4x224x224x256xf32, #tpu.memory_space<hbm>> -> memref<1x1x224x256xf32, #tpu.memory_space<hbm>>
    %dma_wait3A_428 = tpu.memref_squeeze %dma_wait3A_427 : memref<1x1x224x256xf32, #tpu.memory_space<hbm>> -> memref<224x256xf32, #tpu.memory_space<hbm>>
    tpu.wait_dma2 semaphore(%arg9 : memref<!tpu.dma_semaphore, #tpu.memory_space<semaphore_mem>>) src(%arg7 : memref<224x256xf32, #tpu.memory_space<vmem>>) dst(%dma_wait3A_428 : memref<224x256xf32, #tpu.memory_space<hbm>>)
    %dma_wait3A_429 = arith.constant 1 : i32
    %dma_wait3A_430 = arith.constant 0 : i32
    %dma_wait3A_431 = arith.constant 0 : i32
    %dma_wait3A_432 = tpu.memref_slice %arg4[%dma_wait3A_429, %add3A_238, %dma_wait3A_430, %dma_wait3A_431] : memref<4x224x224x256xf32, #tpu.memory_space<hbm>> -> memref<1x1x224x256xf32, #tpu.memory_space<hbm>>
    %dma_wait3A_433 = tpu.memref_squeeze %dma_wait3A_432 : memref<1x1x224x256xf32, #tpu.memory_space<hbm>> -> memref<224x256xf32, #tpu.memory_space<hbm>>
    %dma_wait3A_434 = arith.constant 0 : i32
    %dma_wait3A_435 = arith.constant 0 : i32
    %dma_wait3A_436 = tpu.memref_slice %arg4[%dma_wait3A_429, %add3A_238, %dma_wait3A_434, %dma_wait3A_435] : memref<4x224x224x256xf32, #tpu.memory_space<hbm>> -> memref<1x1x224x256xf32, #tpu.memory_space<hbm>>
    %dma_wait3A_437 = tpu.memref_squeeze %dma_wait3A_436 : memref<1x1x224x256xf32, #tpu.memory_space<hbm>> -> memref<224x256xf32, #tpu.memory_space<hbm>>
    tpu.wait_dma2 semaphore(%arg9 : memref<!tpu.dma_semaphore, #tpu.memory_space<semaphore_mem>>) src(%arg7 : memref<224x256xf32, #tpu.memory_space<vmem>>) dst(%dma_wait3A_437 : memref<224x256xf32, #tpu.memory_space<hbm>>)
    %dma_wait3A_438 = arith.constant 2 : i32
    %dma_wait3A_439 = arith.constant 0 : i32
    %dma_wait3A_440 = arith.constant 0 : i32
    %dma_wait3A_441 = tpu.memref_slice %arg4[%dma_wait3A_438, %add3A_249, %dma_wait3A_439, %dma_wait3A_440] : memref<4x224x224x256xf32, #tpu.memory_space<hbm>> -> memref<1x1x224x256xf32, #tpu.memory_space<hbm>>
    %dma_wait3A_442 = tpu.memref_squeeze %dma_wait3A_441 : memref<1x1x224x256xf32, #tpu.memory_space<hbm>> -> memref<224x256xf32, #tpu.memory_space<hbm>>
    %dma_wait3A_443 = arith.constant 0 : i32
    %dma_wait3A_444 = arith.constant 0 : i32
    %dma_wait3A_445 = tpu.memref_slice %arg4[%dma_wait3A_438, %add3A_249, %dma_wait3A_443, %dma_wait3A_444] : memref<4x224x224x256xf32, #tpu.memory_space<hbm>> -> memref<1x1x224x256xf32, #tpu.memory_space<hbm>>
    %dma_wait3A_446 = tpu.memref_squeeze %dma_wait3A_445 : memref<1x1x224x256xf32, #tpu.memory_space<hbm>> -> memref<224x256xf32, #tpu.memory_space<hbm>>
    tpu.wait_dma2 semaphore(%arg9 : memref<!tpu.dma_semaphore, #tpu.memory_space<semaphore_mem>>) src(%arg7 : memref<224x256xf32, #tpu.memory_space<vmem>>) dst(%dma_wait3A_446 : memref<224x256xf32, #tpu.memory_space<hbm>>)
    %dma_wait3A_447 = arith.constant 3 : i32
    %dma_wait3A_448 = arith.constant 0 : i32
    %dma_wait3A_449 = arith.constant 0 : i32
    %dma_wait3A_450 = tpu.memref_slice %arg4[%dma_wait3A_447, %add3A_260, %dma_wait3A_448, %dma_wait3A_449] : memref<4x224x224x256xf32, #tpu.memory_space<hbm>> -> memref<1x1x224x256xf32, #tpu.memory_space<hbm>>
    %dma_wait3A_451 = tpu.memref_squeeze %dma_wait3A_450 : memref<1x1x224x256xf32, #tpu.memory_space<hbm>> -> memref<224x256xf32, #tpu.memory_space<hbm>>
    %dma_wait3A_452 = arith.constant 0 : i32
    %dma_wait3A_453 = arith.constant 0 : i32
    %dma_wait3A_454 = tpu.memref_slice %arg4[%dma_wait3A_447, %add3A_260, %dma_wait3A_452, %dma_wait3A_453] : memref<4x224x224x256xf32, #tpu.memory_space<hbm>> -> memref<1x1x224x256xf32, #tpu.memory_space<hbm>>
    %dma_wait3A_455 = tpu.memref_squeeze %dma_wait3A_454 : memref<1x1x224x256xf32, #tpu.memory_space<hbm>> -> memref<224x256xf32, #tpu.memory_space<hbm>>
    tpu.wait_dma2 semaphore(%arg9 : memref<!tpu.dma_semaphore, #tpu.memory_space<semaphore_mem>>) src(%arg7 : memref<224x256xf32, #tpu.memory_space<vmem>>) dst(%dma_wait3A_455 : memref<224x256xf32, #tpu.memory_space<hbm>>)
    %add3A_456 = arith.constant 3 : i32
    %add3A_457 = arith.addi %sub3A_13, %add3A_456 : i32
    %get3A_458 = arith.constant 0 : i32
    %get3A_459 = tpu.memref_slice %arg5[%add3A_457, %get3A_458] : memref<16x128xf32, #tpu.memory_space<vmem>> -> memref<1x128xf32, #tpu.memory_space<vmem>>
    %get3A_460 = tpu.memref_squeeze %get3A_459 : memref<1x128xf32, #tpu.memory_space<vmem>> -> memref<128xf32, #tpu.memory_space<vmem>>
    %get3A_461 = arith.constant 0 : index
    %get3A_462 = tpu.vector_load %get3A_460[%get3A_461] {strides = array<i32>} : memref<128xf32, #tpu.memory_space<vmem>>, vector<16xf32>,
    %get3A_463 = vector.shape_cast %get3A_462 : vector<16xf32> to vector<16xf32>
    %add3A_464 = arith.constant 3 : i32
    %add3A_465 = arith.addi %sub3A_13, %add3A_464 : i32
    %get3A_466 = arith.constant 0 : i32
    %get3A_467 = tpu.memref_slice %arg5[%add3A_465, %get3A_466] : memref<16x128xf32, #tpu.memory_space<vmem>> -> memref<1x128xf32, #tpu.memory_space<vmem>>
    %get3A_468 = tpu.memref_squeeze %get3A_467 : memref<1x128xf32, #tpu.memory_space<vmem>> -> memref<128xf32, #tpu.memory_space<vmem>>
    %get3A_469 = arith.constant 16 : index
    %get3A_470 = tpu.vector_load %get3A_468[%get3A_469] {strides = array<i32>} : memref<128xf32, #tpu.memory_space<vmem>>, vector<16xf32>,
    %get3A_471 = vector.shape_cast %get3A_470 : vector<16xf32> to vector<16xf32>
    %add3A_472 = arith.constant 3 : i32
    %add3A_473 = arith.addi %sub3A_13, %add3A_472 : i32
    %get3A_474 = arith.constant 0 : i32
    %get3A_475 = tpu.memref_slice %arg5[%add3A_473, %get3A_474] : memref<16x128xf32, #tpu.memory_space<vmem>> -> memref<1x128xf32, #tpu.memory_space<vmem>>
    %get3A_476 = tpu.memref_squeeze %get3A_475 : memref<1x128xf32, #tpu.memory_space<vmem>> -> memref<128xf32, #tpu.memory_space<vmem>>
    %get3A_477 = arith.constant 32 : index
    %get3A_478 = tpu.vector_load %get3A_476[%get3A_477] {strides = array<i32>} : memref<128xf32, #tpu.memory_space<vmem>>, vector<16xf32>,
    %get3A_479 = vector.shape_cast %get3A_478 : vector<16xf32> to vector<16xf32>
    %add3A_480 = arith.constant 3 : i32
    %add3A_481 = arith.addi %sub3A_13, %add3A_480 : i32
    %get3A_482 = arith.constant 0 : i32
    %get3A_483 = tpu.memref_slice %arg5[%add3A_481, %get3A_482] : memref<16x128xf32, #tpu.memory_space<vmem>> -> memref<1x128xf32, #tpu.memory_space<vmem>>
    %get3A_484 = tpu.memref_squeeze %get3A_483 : memref<1x128xf32, #tpu.memory_space<vmem>> -> memref<128xf32, #tpu.memory_space<vmem>>
    %get3A_485 = arith.constant 48 : index
    %get3A_486 = tpu.vector_load %get3A_484[%get3A_485] {strides = array<i32>} : memref<128xf32, #tpu.memory_space<vmem>>, vector<16xf32>,
    %get3A_487 = vector.shape_cast %get3A_486 : vector<16xf32> to vector<16xf32>
    %add3A_488 = arith.constant 3 : i32
    %add3A_489 = arith.addi %sub3A_13, %add3A_488 : i32
    %get3A_490 = arith.constant 0 : i32
    %get3A_491 = tpu.memref_slice %arg5[%add3A_489, %get3A_490] : memref<16x128xf32, #tpu.memory_space<vmem>> -> memref<1x128xf32, #tpu.memory_space<vmem>>
    %get3A_492 = tpu.memref_squeeze %get3A_491 : memref<1x128xf32, #tpu.memory_space<vmem>> -> memref<128xf32, #tpu.memory_space<vmem>>
    %get3A_493 = arith.constant 64 : index
    %get3A_494 = tpu.vector_load %get3A_492[%get3A_493] {strides = array<i32>} : memref<128xf32, #tpu.memory_space<vmem>>, vector<16xf32>,
    %get3A_495 = vector.shape_cast %get3A_494 : vector<16xf32> to vector<16xf32>
    %add3A_496 = arith.constant 3 : i32
    %add3A_497 = arith.addi %sub3A_13, %add3A_496 : i32
    %get3A_498 = arith.constant 0 : i32
    %get3A_499 = tpu.memref_slice %arg5[%add3A_497, %get3A_498] : memref<16x128xf32, #tpu.memory_space<vmem>> -> memref<1x128xf32, #tpu.memory_space<vmem>>
    %get3A_500 = tpu.memref_squeeze %get3A_499 : memref<1x128xf32, #tpu.memory_space<vmem>> -> memref<128xf32, #tpu.memory_space<vmem>>
    %get3A_501 = arith.constant 80 : index
    %get3A_502 = tpu.vector_load %get3A_500[%get3A_501] {strides = array<i32>} : memref<128xf32, #tpu.memory_space<vmem>>, vector<16xf32>,
    %get3A_503 = vector.shape_cast %get3A_502 : vector<16xf32> to vector<16xf32>
    %add3A_504 = arith.constant 3 : i32
    %add3A_505 = arith.addi %sub3A_13, %add3A_504 : i32
    %get3A_506 = arith.constant 0 : i32
    %get3A_507 = tpu.memref_slice %arg5[%add3A_505, %get3A_506] : memref<16x128xf32, #tpu.memory_space<vmem>> -> memref<1x128xf32, #tpu.memory_space<vmem>>
    %get3A_508 = tpu.memref_squeeze %get3A_507 : memref<1x128xf32, #tpu.memory_space<vmem>> -> memref<128xf32, #tpu.memory_space<vmem>>
    %get3A_509 = arith.constant 96 : index
    %get3A_510 = tpu.vector_load %get3A_508[%get3A_509] {strides = array<i32>} : memref<128xf32, #tpu.memory_space<vmem>>, vector<16xf32>,
    %get3A_511 = vector.shape_cast %get3A_510 : vector<16xf32> to vector<16xf32>
    %add3A_512 = arith.constant 3 : i32
    %add3A_513 = arith.addi %sub3A_13, %add3A_512 : i32
    %get3A_514 = arith.constant 0 : i32
    %get3A_515 = tpu.memref_slice %arg5[%add3A_513, %get3A_514] : memref<16x128xf32, #tpu.memory_space<vmem>> -> memref<1x128xf32, #tpu.memory_space<vmem>>
    %get3A_516 = tpu.memref_squeeze %get3A_515 : memref<1x128xf32, #tpu.memory_space<vmem>> -> memref<128xf32, #tpu.memory_space<vmem>>
    %get3A_517 = arith.constant 112 : index
    %get3A_518 = tpu.vector_load %get3A_516[%get3A_517] {strides = array<i32>} : memref<128xf32, #tpu.memory_space<vmem>>, vector<16xf32>,
    %get3A_519 = vector.shape_cast %get3A_518 : vector<16xf32> to vector<16xf32>
    %scan3A_520 = arith.constant 0 : i32
    %scan3A_521 = arith.constant 0 : i32
    %scan3A_522 = arith.constant 224 : i32
    %scan3A_523 = arith.addi %scan3A_521, %scan3A_522 : i32
    %scan3A_524 = arith.constant 1 : i32
    scf.for %scan3A_1092 = %scan3A_521 to %scan3A_523 step %scan3A_524  : i32 {
      %swap3A = arith.constant 0 : i32
      %swap3A_1093 = tpu.memref_slice %arg7[%scan3A_1092, %swap3A] : memref<224x256xf32, #tpu.memory_space<vmem>> -> memref<1x256xf32, #tpu.memory_space<vmem>>
      %swap3A_1094 = tpu.memref_squeeze %swap3A_1093 : memref<1x256xf32, #tpu.memory_space<vmem>> -> memref<256xf32, #tpu.memory_space<vmem>>
      %swap3A_1095 = arith.constant 128 : index
      %swap3A_1096 = tpu.vector_load %swap3A_1094[%swap3A_1095] {strides = array<i32>} : memref<256xf32, #tpu.memory_space<vmem>>, vector<16xf32>,
      %swap3A_1097 = vector.shape_cast %swap3A_1096 : vector<16xf32> to vector<16xf32>
      %swap3A_1098 = vector.shape_cast %get3A_463 : vector<16xf32> to vector<16xf32>
      tpu.vector_store %swap3A_1094[%swap3A_1095], %swap3A_1098 {strides = array<i32>} : memref<256xf32, #tpu.memory_space<vmem>>, vector<16xf32>,
      %swap3A_1099 = arith.constant 0 : i32
      %swap3A_1100 = tpu.memref_slice %arg7[%scan3A_1092, %swap3A_1099] : memref<224x256xf32, #tpu.memory_space<vmem>> -> memref<1x256xf32, #tpu.memory_space<vmem>>
      %swap3A_1101 = tpu.memref_squeeze %swap3A_1100 : memref<1x256xf32, #tpu.memory_space<vmem>> -> memref<256xf32, #tpu.memory_space<vmem>>
      %swap3A_1102 = arith.constant 144 : index
      %swap3A_1103 = tpu.vector_load %swap3A_1101[%swap3A_1102] {strides = array<i32>} : memref<256xf32, #tpu.memory_space<vmem>>, vector<16xf32>,
      %swap3A_1104 = vector.shape_cast %swap3A_1103 : vector<16xf32> to vector<16xf32>
      %swap3A_1105 = vector.shape_cast %get3A_471 : vector<16xf32> to vector<16xf32>
      tpu.vector_store %swap3A_1101[%swap3A_1102], %swap3A_1105 {strides = array<i32>} : memref<256xf32, #tpu.memory_space<vmem>>, vector<16xf32>,
      %swap3A_1106 = arith.constant 0 : i32
      %swap3A_1107 = tpu.memref_slice %arg7[%scan3A_1092, %swap3A_1106] : memref<224x256xf32, #tpu.memory_space<vmem>> -> memref<1x256xf32, #tpu.memory_space<vmem>>
      %swap3A_1108 = tpu.memref_squeeze %swap3A_1107 : memref<1x256xf32, #tpu.memory_space<vmem>> -> memref<256xf32, #tpu.memory_space<vmem>>
      %swap3A_1109 = arith.constant 160 : index
      %swap3A_1110 = tpu.vector_load %swap3A_1108[%swap3A_1109] {strides = array<i32>} : memref<256xf32, #tpu.memory_space<vmem>>, vector<16xf32>,
      %swap3A_1111 = vector.shape_cast %swap3A_1110 : vector<16xf32> to vector<16xf32>
      %swap3A_1112 = vector.shape_cast %get3A_479 : vector<16xf32> to vector<16xf32>
      tpu.vector_store %swap3A_1108[%swap3A_1109], %swap3A_1112 {strides = array<i32>} : memref<256xf32, #tpu.memory_space<vmem>>, vector<16xf32>,
      %swap3A_1113 = arith.constant 0 : i32
      %swap3A_1114 = tpu.memref_slice %arg7[%scan3A_1092, %swap3A_1113] : memref<224x256xf32, #tpu.memory_space<vmem>> -> memref<1x256xf32, #tpu.memory_space<vmem>>
      %swap3A_1115 = tpu.memref_squeeze %swap3A_1114 : memref<1x256xf32, #tpu.memory_space<vmem>> -> memref<256xf32, #tpu.memory_space<vmem>>
      %swap3A_1116 = arith.constant 176 : index
      %swap3A_1117 = tpu.vector_load %swap3A_1115[%swap3A_1116] {strides = array<i32>} : memref<256xf32, #tpu.memory_space<vmem>>, vector<16xf32>,
      %swap3A_1118 = vector.shape_cast %swap3A_1117 : vector<16xf32> to vector<16xf32>
      %swap3A_1119 = vector.shape_cast %get3A_487 : vector<16xf32> to vector<16xf32>
      tpu.vector_store %swap3A_1115[%swap3A_1116], %swap3A_1119 {strides = array<i32>} : memref<256xf32, #tpu.memory_space<vmem>>, vector<16xf32>,
      %swap3A_1120 = arith.constant 0 : i32
      %swap3A_1121 = tpu.memref_slice %arg7[%scan3A_1092, %swap3A_1120] : memref<224x256xf32, #tpu.memory_space<vmem>> -> memref<1x256xf32, #tpu.memory_space<vmem>>
      %swap3A_1122 = tpu.memref_squeeze %swap3A_1121 : memref<1x256xf32, #tpu.memory_space<vmem>> -> memref<256xf32, #tpu.memory_space<vmem>>
      %swap3A_1123 = arith.constant 192 : index
      %swap3A_1124 = tpu.vector_load %swap3A_1122[%swap3A_1123] {strides = array<i32>} : memref<256xf32, #tpu.memory_space<vmem>>, vector<16xf32>,
      %swap3A_1125 = vector.shape_cast %swap3A_1124 : vector<16xf32> to vector<16xf32>
      %swap3A_1126 = vector.shape_cast %get3A_495 : vector<16xf32> to vector<16xf32>
      tpu.vector_store %swap3A_1122[%swap3A_1123], %swap3A_1126 {strides = array<i32>} : memref<256xf32, #tpu.memory_space<vmem>>, vector<16xf32>,
      %swap3A_1127 = arith.constant 0 : i32
      %swap3A_1128 = tpu.memref_slice %arg7[%scan3A_1092, %swap3A_1127] : memref<224x256xf32, #tpu.memory_space<vmem>> -> memref<1x256xf32, #tpu.memory_space<vmem>>
      %swap3A_1129 = tpu.memref_squeeze %swap3A_1128 : memref<1x256xf32, #tpu.memory_space<vmem>> -> memref<256xf32, #tpu.memory_space<vmem>>
      %swap3A_1130 = arith.constant 208 : index
      %swap3A_1131 = tpu.vector_load %swap3A_1129[%swap3A_1130] {strides = array<i32>} : memref<256xf32, #tpu.memory_space<vmem>>, vector<16xf32>,
      %swap3A_1132 = vector.shape_cast %swap3A_1131 : vector<16xf32> to vector<16xf32>
      %swap3A_1133 = vector.shape_cast %get3A_503 : vector<16xf32> to vector<16xf32>
      tpu.vector_store %swap3A_1129[%swap3A_1130], %swap3A_1133 {strides = array<i32>} : memref<256xf32, #tpu.memory_space<vmem>>, vector<16xf32>,
      %swap3A_1134 = arith.constant 0 : i32
      %swap3A_1135 = tpu.memref_slice %arg7[%scan3A_1092, %swap3A_1134] : memref<224x256xf32, #tpu.memory_space<vmem>> -> memref<1x256xf32, #tpu.memory_space<vmem>>
      %swap3A_1136 = tpu.memref_squeeze %swap3A_1135 : memref<1x256xf32, #tpu.memory_space<vmem>> -> memref<256xf32, #tpu.memory_space<vmem>>
      %swap3A_1137 = arith.constant 224 : index
      %swap3A_1138 = tpu.vector_load %swap3A_1136[%swap3A_1137] {strides = array<i32>} : memref<256xf32, #tpu.memory_space<vmem>>, vector<16xf32>,
      %swap3A_1139 = vector.shape_cast %swap3A_1138 : vector<16xf32> to vector<16xf32>
      %swap3A_1140 = vector.shape_cast %get3A_511 : vector<16xf32> to vector<16xf32>
      tpu.vector_store %swap3A_1136[%swap3A_1137], %swap3A_1140 {strides = array<i32>} : memref<256xf32, #tpu.memory_space<vmem>>, vector<16xf32>,
      %swap3A_1141 = arith.constant 0 : i32
      %swap3A_1142 = tpu.memref_slice %arg7[%scan3A_1092, %swap3A_1141] : memref<224x256xf32, #tpu.memory_space<vmem>> -> memref<1x256xf32, #tpu.memory_space<vmem>>
      %swap3A_1143 = tpu.memref_squeeze %swap3A_1142 : memref<1x256xf32, #tpu.memory_space<vmem>> -> memref<256xf32, #tpu.memory_space<vmem>>
      %swap3A_1144 = arith.constant 240 : index
      %swap3A_1145 = tpu.vector_load %swap3A_1143[%swap3A_1144] {strides = array<i32>} : memref<256xf32, #tpu.memory_space<vmem>>, vector<16xf32>,
      %swap3A_1146 = vector.shape_cast %swap3A_1145 : vector<16xf32> to vector<16xf32>
      %swap3A_1147 = vector.shape_cast %get3A_519 : vector<16xf32> to vector<16xf32>
      tpu.vector_store %swap3A_1143[%swap3A_1144], %swap3A_1147 {strides = array<i32>} : memref<256xf32, #tpu.memory_space<vmem>>, vector<16xf32>,
    }
    %scan3A_525 = arith.constant 224 : i32
    %add3A_526 = arith.constant 3 : i32
    %add3A_527 = arith.addi %mul3A_2, %add3A_526 : i32
    %dma_start3A_528 = arith.constant 0 : i32
    %dma_start3A_529 = arith.constant 0 : i32
    %dma_start3A_530 = arith.constant 0 : i32
    %dma_start3A_531 = tpu.memref_slice %arg4[%dma_start3A_528, %add3A_527, %dma_start3A_529, %dma_start3A_530] : memref<4x224x224x256xf32, #tpu.memory_space<hbm>> -> memref<1x1x224x256xf32, #tpu.memory_space<hbm>>
    %dma_start3A_532 = tpu.memref_squeeze %dma_start3A_531 : memref<1x1x224x256xf32, #tpu.memory_space<hbm>> -> memref<224x256xf32, #tpu.memory_space<hbm>>
    %dma_start3A_533 = arith.constant 0 : i32
    %dma_start3A_534 = arith.constant 0 : i32
    %dma_start3A_535 = tpu.memref_slice %arg4[%dma_start3A_528, %add3A_527, %dma_start3A_533, %dma_start3A_534] : memref<4x224x224x256xf32, #tpu.memory_space<hbm>> -> memref<1x1x224x256xf32, #tpu.memory_space<hbm>>
    %dma_start3A_536 = tpu.memref_squeeze %dma_start3A_535 : memref<1x1x224x256xf32, #tpu.memory_space<hbm>> -> memref<224x256xf32, #tpu.memory_space<hbm>>
    tpu.enqueue_dma source(%arg7 : memref<224x256xf32, #tpu.memory_space<vmem>>) target(%dma_start3A_536 : memref<224x256xf32, #tpu.memory_space<hbm>>) target_semaphore(%arg9 : memref<!tpu.dma_semaphore, #tpu.memory_space<semaphore_mem>>)
    %add3A_537 = arith.constant 3 : i32
    %add3A_538 = arith.addi %mul3A_2, %add3A_537 : i32
    %dma_start3A_539 = arith.constant 1 : i32
    %dma_start3A_540 = arith.constant 0 : i32
    %dma_start3A_541 = arith.constant 0 : i32
    %dma_start3A_542 = tpu.memref_slice %arg4[%dma_start3A_539, %add3A_538, %dma_start3A_540, %dma_start3A_541] : memref<4x224x224x256xf32, #tpu.memory_space<hbm>> -> memref<1x1x224x256xf32, #tpu.memory_space<hbm>>
    %dma_start3A_543 = tpu.memref_squeeze %dma_start3A_542 : memref<1x1x224x256xf32, #tpu.memory_space<hbm>> -> memref<224x256xf32, #tpu.memory_space<hbm>>
    %dma_start3A_544 = arith.constant 0 : i32
    %dma_start3A_545 = arith.constant 0 : i32
    %dma_start3A_546 = tpu.memref_slice %arg4[%dma_start3A_539, %add3A_538, %dma_start3A_544, %dma_start3A_545] : memref<4x224x224x256xf32, #tpu.memory_space<hbm>> -> memref<1x1x224x256xf32, #tpu.memory_space<hbm>>
    %dma_start3A_547 = tpu.memref_squeeze %dma_start3A_546 : memref<1x1x224x256xf32, #tpu.memory_space<hbm>> -> memref<224x256xf32, #tpu.memory_space<hbm>>
    tpu.enqueue_dma source(%arg7 : memref<224x256xf32, #tpu.memory_space<vmem>>) target(%dma_start3A_547 : memref<224x256xf32, #tpu.memory_space<hbm>>) target_semaphore(%arg9 : memref<!tpu.dma_semaphore, #tpu.memory_space<semaphore_mem>>)
    %add3A_548 = arith.constant 3 : i32
    %add3A_549 = arith.addi %mul3A_2, %add3A_548 : i32
    %dma_start3A_550 = arith.constant 2 : i32
    %dma_start3A_551 = arith.constant 0 : i32
    %dma_start3A_552 = arith.constant 0 : i32
    %dma_start3A_553 = tpu.memref_slice %arg4[%dma_start3A_550, %add3A_549, %dma_start3A_551, %dma_start3A_552] : memref<4x224x224x256xf32, #tpu.memory_space<hbm>> -> memref<1x1x224x256xf32, #tpu.memory_space<hbm>>
    %dma_start3A_554 = tpu.memref_squeeze %dma_start3A_553 : memref<1x1x224x256xf32, #tpu.memory_space<hbm>> -> memref<224x256xf32, #tpu.memory_space<hbm>>
    %dma_start3A_555 = arith.constant 0 : i32
    %dma_start3A_556 = arith.constant 0 : i32
    %dma_start3A_557 = tpu.memref_slice %arg4[%dma_start3A_550, %add3A_549, %dma_start3A_555, %dma_start3A_556] : memref<4x224x224x256xf32, #tpu.memory_space<hbm>> -> memref<1x1x224x256xf32, #tpu.memory_space<hbm>>
    %dma_start3A_558 = tpu.memref_squeeze %dma_start3A_557 : memref<1x1x224x256xf32, #tpu.memory_space<hbm>> -> memref<224x256xf32, #tpu.memory_space<hbm>>
    tpu.enqueue_dma source(%arg7 : memref<224x256xf32, #tpu.memory_space<vmem>>) target(%dma_start3A_558 : memref<224x256xf32, #tpu.memory_space<hbm>>) target_semaphore(%arg9 : memref<!tpu.dma_semaphore, #tpu.memory_space<semaphore_mem>>)
    %add3A_559 = arith.constant 3 : i32
    %add3A_560 = arith.addi %mul3A_2, %add3A_559 : i32
    %dma_start3A_561 = arith.constant 3 : i32
    %dma_start3A_562 = arith.constant 0 : i32
    %dma_start3A_563 = arith.constant 0 : i32
    %dma_start3A_564 = tpu.memref_slice %arg4[%dma_start3A_561, %add3A_560, %dma_start3A_562, %dma_start3A_563] : memref<4x224x224x256xf32, #tpu.memory_space<hbm>> -> memref<1x1x224x256xf32, #tpu.memory_space<hbm>>
    %dma_start3A_565 = tpu.memref_squeeze %dma_start3A_564 : memref<1x1x224x256xf32, #tpu.memory_space<hbm>> -> memref<224x256xf32, #tpu.memory_space<hbm>>
    %dma_start3A_566 = arith.constant 0 : i32
    %dma_start3A_567 = arith.constant 0 : i32
    %dma_start3A_568 = tpu.memref_slice %arg4[%dma_start3A_561, %add3A_560, %dma_start3A_566, %dma_start3A_567] : memref<4x224x224x256xf32, #tpu.memory_space<hbm>> -> memref<1x1x224x256xf32, #tpu.memory_space<hbm>>
    %dma_start3A_569 = tpu.memref_squeeze %dma_start3A_568 : memref<1x1x224x256xf32, #tpu.memory_space<hbm>> -> memref<224x256xf32, #tpu.memory_space<hbm>>
    tpu.enqueue_dma source(%arg7 : memref<224x256xf32, #tpu.memory_space<vmem>>) target(%dma_start3A_569 : memref<224x256xf32, #tpu.memory_space<hbm>>) target_semaphore(%arg9 : memref<!tpu.dma_semaphore, #tpu.memory_space<semaphore_mem>>)
    %dma_wait3A_570 = arith.constant 0 : i32
    %dma_wait3A_571 = arith.constant 0 : i32
    %dma_wait3A_572 = arith.constant 0 : i32
    %dma_wait3A_573 = tpu.memref_slice %arg4[%dma_wait3A_570, %add3A_377, %dma_wait3A_571, %dma_wait3A_572] : memref<4x224x224x256xf32, #tpu.memory_space<hbm>> -> memref<1x1x224x256xf32, #tpu.memory_space<hbm>>
    %dma_wait3A_574 = tpu.memref_squeeze %dma_wait3A_573 : memref<1x1x224x256xf32, #tpu.memory_space<hbm>> -> memref<224x256xf32, #tpu.memory_space<hbm>>
    %dma_wait3A_575 = arith.constant 0 : i32
    %dma_wait3A_576 = arith.constant 0 : i32
    %dma_wait3A_577 = tpu.memref_slice %arg4[%dma_wait3A_570, %add3A_377, %dma_wait3A_575, %dma_wait3A_576] : memref<4x224x224x256xf32, #tpu.memory_space<hbm>> -> memref<1x1x224x256xf32, #tpu.memory_space<hbm>>
    %dma_wait3A_578 = tpu.memref_squeeze %dma_wait3A_577 : memref<1x1x224x256xf32, #tpu.memory_space<hbm>> -> memref<224x256xf32, #tpu.memory_space<hbm>>
    tpu.wait_dma2 semaphore(%arg8 : memref<!tpu.dma_semaphore, #tpu.memory_space<semaphore_mem>>) src(%arg6 : memref<224x256xf32, #tpu.memory_space<vmem>>) dst(%dma_wait3A_578 : memref<224x256xf32, #tpu.memory_space<hbm>>)
    %dma_wait3A_579 = arith.constant 1 : i32
    %dma_wait3A_580 = arith.constant 0 : i32
    %dma_wait3A_581 = arith.constant 0 : i32
    %dma_wait3A_582 = tpu.memref_slice %arg4[%dma_wait3A_579, %add3A_388, %dma_wait3A_580, %dma_wait3A_581] : memref<4x224x224x256xf32, #tpu.memory_space<hbm>> -> memref<1x1x224x256xf32, #tpu.memory_space<hbm>>
    %dma_wait3A_583 = tpu.memref_squeeze %dma_wait3A_582 : memref<1x1x224x256xf32, #tpu.memory_space<hbm>> -> memref<224x256xf32, #tpu.memory_space<hbm>>
    %dma_wait3A_584 = arith.constant 0 : i32
    %dma_wait3A_585 = arith.constant 0 : i32
    %dma_wait3A_586 = tpu.memref_slice %arg4[%dma_wait3A_579, %add3A_388, %dma_wait3A_584, %dma_wait3A_585] : memref<4x224x224x256xf32, #tpu.memory_space<hbm>> -> memref<1x1x224x256xf32, #tpu.memory_space<hbm>>
    %dma_wait3A_587 = tpu.memref_squeeze %dma_wait3A_586 : memref<1x1x224x256xf32, #tpu.memory_space<hbm>> -> memref<224x256xf32, #tpu.memory_space<hbm>>
    tpu.wait_dma2 semaphore(%arg8 : memref<!tpu.dma_semaphore, #tpu.memory_space<semaphore_mem>>) src(%arg6 : memref<224x256xf32, #tpu.memory_space<vmem>>) dst(%dma_wait3A_587 : memref<224x256xf32, #tpu.memory_space<hbm>>)
    %dma_wait3A_588 = arith.constant 2 : i32
    %dma_wait3A_589 = arith.constant 0 : i32
    %dma_wait3A_590 = arith.constant 0 : i32
    %dma_wait3A_591 = tpu.memref_slice %arg4[%dma_wait3A_588, %add3A_399, %dma_wait3A_589, %dma_wait3A_590] : memref<4x224x224x256xf32, #tpu.memory_space<hbm>> -> memref<1x1x224x256xf32, #tpu.memory_space<hbm>>
    %dma_wait3A_592 = tpu.memref_squeeze %dma_wait3A_591 : memref<1x1x224x256xf32, #tpu.memory_space<hbm>> -> memref<224x256xf32, #tpu.memory_space<hbm>>
    %dma_wait3A_593 = arith.constant 0 : i32
    %dma_wait3A_594 = arith.constant 0 : i32
    %dma_wait3A_595 = tpu.memref_slice %arg4[%dma_wait3A_588, %add3A_399, %dma_wait3A_593, %dma_wait3A_594] : memref<4x224x224x256xf32, #tpu.memory_space<hbm>> -> memref<1x1x224x256xf32, #tpu.memory_space<hbm>>
    %dma_wait3A_596 = tpu.memref_squeeze %dma_wait3A_595 : memref<1x1x224x256xf32, #tpu.memory_space<hbm>> -> memref<224x256xf32, #tpu.memory_space<hbm>>
    tpu.wait_dma2 semaphore(%arg8 : memref<!tpu.dma_semaphore, #tpu.memory_space<semaphore_mem>>) src(%arg6 : memref<224x256xf32, #tpu.memory_space<vmem>>) dst(%dma_wait3A_596 : memref<224x256xf32, #tpu.memory_space<hbm>>)
    %dma_wait3A_597 = arith.constant 3 : i32
    %dma_wait3A_598 = arith.constant 0 : i32
    %dma_wait3A_599 = arith.constant 0 : i32
    %dma_wait3A_600 = tpu.memref_slice %arg4[%dma_wait3A_597, %add3A_410, %dma_wait3A_598, %dma_wait3A_599] : memref<4x224x224x256xf32, #tpu.memory_space<hbm>> -> memref<1x1x224x256xf32, #tpu.memory_space<hbm>>
    %dma_wait3A_601 = tpu.memref_squeeze %dma_wait3A_600 : memref<1x1x224x256xf32, #tpu.memory_space<hbm>> -> memref<224x256xf32, #tpu.memory_space<hbm>>
    %dma_wait3A_602 = arith.constant 0 : i32
    %dma_wait3A_603 = arith.constant 0 : i32
    %dma_wait3A_604 = tpu.memref_slice %arg4[%dma_wait3A_597, %add3A_410, %dma_wait3A_602, %dma_wait3A_603] : memref<4x224x224x256xf32, #tpu.memory_space<hbm>> -> memref<1x1x224x256xf32, #tpu.memory_space<hbm>>
    %dma_wait3A_605 = tpu.memref_squeeze %dma_wait3A_604 : memref<1x1x224x256xf32, #tpu.memory_space<hbm>> -> memref<224x256xf32, #tpu.memory_space<hbm>>
    tpu.wait_dma2 semaphore(%arg8 : memref<!tpu.dma_semaphore, #tpu.memory_space<semaphore_mem>>) src(%arg6 : memref<224x256xf32, #tpu.memory_space<vmem>>) dst(%dma_wait3A_605 : memref<224x256xf32, #tpu.memory_space<hbm>>)
    %add3A_606 = arith.constant 4 : i32
    %add3A_607 = arith.addi %sub3A_13, %add3A_606 : i32
    %get3A_608 = arith.constant 0 : i32
    %get3A_609 = tpu.memref_slice %arg5[%add3A_607, %get3A_608] : memref<16x128xf32, #tpu.memory_space<vmem>> -> memref<1x128xf32, #tpu.memory_space<vmem>>
    %get3A_610 = tpu.memref_squeeze %get3A_609 : memref<1x128xf32, #tpu.memory_space<vmem>> -> memref<128xf32, #tpu.memory_space<vmem>>
    %get3A_611 = arith.constant 0 : index
    %get3A_612 = tpu.vector_load %get3A_610[%get3A_611] {strides = array<i32>} : memref<128xf32, #tpu.memory_space<vmem>>, vector<16xf32>,
    %get3A_613 = vector.shape_cast %get3A_612 : vector<16xf32> to vector<16xf32>
    %add3A_614 = arith.constant 4 : i32
    %add3A_615 = arith.addi %sub3A_13, %add3A_614 : i32
    %get3A_616 = arith.constant 0 : i32
    %get3A_617 = tpu.memref_slice %arg5[%add3A_615, %get3A_616] : memref<16x128xf32, #tpu.memory_space<vmem>> -> memref<1x128xf32, #tpu.memory_space<vmem>>
    %get3A_618 = tpu.memref_squeeze %get3A_617 : memref<1x128xf32, #tpu.memory_space<vmem>> -> memref<128xf32, #tpu.memory_space<vmem>>
    %get3A_619 = arith.constant 16 : index
    %get3A_620 = tpu.vector_load %get3A_618[%get3A_619] {strides = array<i32>} : memref<128xf32, #tpu.memory_space<vmem>>, vector<16xf32>,
    %get3A_621 = vector.shape_cast %get3A_620 : vector<16xf32> to vector<16xf32>
    %add3A_622 = arith.constant 4 : i32
    %add3A_623 = arith.addi %sub3A_13, %add3A_622 : i32
    %get3A_624 = arith.constant 0 : i32
    %get3A_625 = tpu.memref_slice %arg5[%add3A_623, %get3A_624] : memref<16x128xf32, #tpu.memory_space<vmem>> -> memref<1x128xf32, #tpu.memory_space<vmem>>
    %get3A_626 = tpu.memref_squeeze %get3A_625 : memref<1x128xf32, #tpu.memory_space<vmem>> -> memref<128xf32, #tpu.memory_space<vmem>>
    %get3A_627 = arith.constant 32 : index
    %get3A_628 = tpu.vector_load %get3A_626[%get3A_627] {strides = array<i32>} : memref<128xf32, #tpu.memory_space<vmem>>, vector<16xf32>,
    %get3A_629 = vector.shape_cast %get3A_628 : vector<16xf32> to vector<16xf32>
    %add3A_630 = arith.constant 4 : i32
    %add3A_631 = arith.addi %sub3A_13, %add3A_630 : i32
    %get3A_632 = arith.constant 0 : i32
    %get3A_633 = tpu.memref_slice %arg5[%add3A_631, %get3A_632] : memref<16x128xf32, #tpu.memory_space<vmem>> -> memref<1x128xf32, #tpu.memory_space<vmem>>
    %get3A_634 = tpu.memref_squeeze %get3A_633 : memref<1x128xf32, #tpu.memory_space<vmem>> -> memref<128xf32, #tpu.memory_space<vmem>>
    %get3A_635 = arith.constant 48 : index
    %get3A_636 = tpu.vector_load %get3A_634[%get3A_635] {strides = array<i32>} : memref<128xf32, #tpu.memory_space<vmem>>, vector<16xf32>,
    %get3A_637 = vector.shape_cast %get3A_636 : vector<16xf32> to vector<16xf32>
    %add3A_638 = arith.constant 4 : i32
    %add3A_639 = arith.addi %sub3A_13, %add3A_638 : i32
    %get3A_640 = arith.constant 0 : i32
    %get3A_641 = tpu.memref_slice %arg5[%add3A_639, %get3A_640] : memref<16x128xf32, #tpu.memory_space<vmem>> -> memref<1x128xf32, #tpu.memory_space<vmem>>
    %get3A_642 = tpu.memref_squeeze %get3A_641 : memref<1x128xf32, #tpu.memory_space<vmem>> -> memref<128xf32, #tpu.memory_space<vmem>>
    %get3A_643 = arith.constant 64 : index
    %get3A_644 = tpu.vector_load %get3A_642[%get3A_643] {strides = array<i32>} : memref<128xf32, #tpu.memory_space<vmem>>, vector<16xf32>,
    %get3A_645 = vector.shape_cast %get3A_644 : vector<16xf32> to vector<16xf32>
    %add3A_646 = arith.constant 4 : i32
    %add3A_647 = arith.addi %sub3A_13, %add3A_646 : i32
    %get3A_648 = arith.constant 0 : i32
    %get3A_649 = tpu.memref_slice %arg5[%add3A_647, %get3A_648] : memref<16x128xf32, #tpu.memory_space<vmem>> -> memref<1x128xf32, #tpu.memory_space<vmem>>
    %get3A_650 = tpu.memref_squeeze %get3A_649 : memref<1x128xf32, #tpu.memory_space<vmem>> -> memref<128xf32, #tpu.memory_space<vmem>>
    %get3A_651 = arith.constant 80 : index
    %get3A_652 = tpu.vector_load %get3A_650[%get3A_651] {strides = array<i32>} : memref<128xf32, #tpu.memory_space<vmem>>, vector<16xf32>,
    %get3A_653 = vector.shape_cast %get3A_652 : vector<16xf32> to vector<16xf32>
    %add3A_654 = arith.constant 4 : i32
    %add3A_655 = arith.addi %sub3A_13, %add3A_654 : i32
    %get3A_656 = arith.constant 0 : i32
    %get3A_657 = tpu.memref_slice %arg5[%add3A_655, %get3A_656] : memref<16x128xf32, #tpu.memory_space<vmem>> -> memref<1x128xf32, #tpu.memory_space<vmem>>
    %get3A_658 = tpu.memref_squeeze %get3A_657 : memref<1x128xf32, #tpu.memory_space<vmem>> -> memref<128xf32, #tpu.memory_space<vmem>>
    %get3A_659 = arith.constant 96 : index
    %get3A_660 = tpu.vector_load %get3A_658[%get3A_659] {strides = array<i32>} : memref<128xf32, #tpu.memory_space<vmem>>, vector<16xf32>,
    %get3A_661 = vector.shape_cast %get3A_660 : vector<16xf32> to vector<16xf32>
    %add3A_662 = arith.constant 4 : i32
    %add3A_663 = arith.addi %sub3A_13, %add3A_662 : i32
    %get3A_664 = arith.constant 0 : i32
    %get3A_665 = tpu.memref_slice %arg5[%add3A_663, %get3A_664] : memref<16x128xf32, #tpu.memory_space<vmem>> -> memref<1x128xf32, #tpu.memory_space<vmem>>
    %get3A_666 = tpu.memref_squeeze %get3A_665 : memref<1x128xf32, #tpu.memory_space<vmem>> -> memref<128xf32, #tpu.memory_space<vmem>>
    %get3A_667 = arith.constant 112 : index
    %get3A_668 = tpu.vector_load %get3A_666[%get3A_667] {strides = array<i32>} : memref<128xf32, #tpu.memory_space<vmem>>, vector<16xf32>,
    %get3A_669 = vector.shape_cast %get3A_668 : vector<16xf32> to vector<16xf32>
    %scan3A_670 = arith.constant 0 : i32
    %scan3A_671 = arith.constant 0 : i32
    %scan3A_672 = arith.constant 224 : i32
    %scan3A_673 = arith.addi %scan3A_671, %scan3A_672 : i32
    %scan3A_674 = arith.constant 1 : i32
    scf.for %scan3A_1092 = %scan3A_671 to %scan3A_673 step %scan3A_674  : i32 {
      %swap3A = arith.constant 0 : i32
      %swap3A_1093 = tpu.memref_slice %arg6[%scan3A_1092, %swap3A] : memref<224x256xf32, #tpu.memory_space<vmem>> -> memref<1x256xf32, #tpu.memory_space<vmem>>
      %swap3A_1094 = tpu.memref_squeeze %swap3A_1093 : memref<1x256xf32, #tpu.memory_space<vmem>> -> memref<256xf32, #tpu.memory_space<vmem>>
      %swap3A_1095 = arith.constant 128 : index
      %swap3A_1096 = tpu.vector_load %swap3A_1094[%swap3A_1095] {strides = array<i32>} : memref<256xf32, #tpu.memory_space<vmem>>, vector<16xf32>,
      %swap3A_1097 = vector.shape_cast %swap3A_1096 : vector<16xf32> to vector<16xf32>
      %swap3A_1098 = vector.shape_cast %get3A_613 : vector<16xf32> to vector<16xf32>
      tpu.vector_store %swap3A_1094[%swap3A_1095], %swap3A_1098 {strides = array<i32>} : memref<256xf32, #tpu.memory_space<vmem>>, vector<16xf32>,
      %swap3A_1099 = arith.constant 0 : i32
      %swap3A_1100 = tpu.memref_slice %arg6[%scan3A_1092, %swap3A_1099] : memref<224x256xf32, #tpu.memory_space<vmem>> -> memref<1x256xf32, #tpu.memory_space<vmem>>
      %swap3A_1101 = tpu.memref_squeeze %swap3A_1100 : memref<1x256xf32, #tpu.memory_space<vmem>> -> memref<256xf32, #tpu.memory_space<vmem>>
      %swap3A_1102 = arith.constant 144 : index
      %swap3A_1103 = tpu.vector_load %swap3A_1101[%swap3A_1102] {strides = array<i32>} : memref<256xf32, #tpu.memory_space<vmem>>, vector<16xf32>,
      %swap3A_1104 = vector.shape_cast %swap3A_1103 : vector<16xf32> to vector<16xf32>
      %swap3A_1105 = vector.shape_cast %get3A_621 : vector<16xf32> to vector<16xf32>
      tpu.vector_store %swap3A_1101[%swap3A_1102], %swap3A_1105 {strides = array<i32>} : memref<256xf32, #tpu.memory_space<vmem>>, vector<16xf32>,
      %swap3A_1106 = arith.constant 0 : i32
      %swap3A_1107 = tpu.memref_slice %arg6[%scan3A_1092, %swap3A_1106] : memref<224x256xf32, #tpu.memory_space<vmem>> -> memref<1x256xf32, #tpu.memory_space<vmem>>
      %swap3A_1108 = tpu.memref_squeeze %swap3A_1107 : memref<1x256xf32, #tpu.memory_space<vmem>> -> memref<256xf32, #tpu.memory_space<vmem>>
      %swap3A_1109 = arith.constant 160 : index
      %swap3A_1110 = tpu.vector_load %swap3A_1108[%swap3A_1109] {strides = array<i32>} : memref<256xf32, #tpu.memory_space<vmem>>, vector<16xf32>,
      %swap3A_1111 = vector.shape_cast %swap3A_1110 : vector<16xf32> to vector<16xf32>
      %swap3A_1112 = vector.shape_cast %get3A_629 : vector<16xf32> to vector<16xf32>
      tpu.vector_store %swap3A_1108[%swap3A_1109], %swap3A_1112 {strides = array<i32>} : memref<256xf32, #tpu.memory_space<vmem>>, vector<16xf32>,
      %swap3A_1113 = arith.constant 0 : i32
      %swap3A_1114 = tpu.memref_slice %arg6[%scan3A_1092, %swap3A_1113] : memref<224x256xf32, #tpu.memory_space<vmem>> -> memref<1x256xf32, #tpu.memory_space<vmem>>
      %swap3A_1115 = tpu.memref_squeeze %swap3A_1114 : memref<1x256xf32, #tpu.memory_space<vmem>> -> memref<256xf32, #tpu.memory_space<vmem>>
      %swap3A_1116 = arith.constant 176 : index
      %swap3A_1117 = tpu.vector_load %swap3A_1115[%swap3A_1116] {strides = array<i32>} : memref<256xf32, #tpu.memory_space<vmem>>, vector<16xf32>,
      %swap3A_1118 = vector.shape_cast %swap3A_1117 : vector<16xf32> to vector<16xf32>
      %swap3A_1119 = vector.shape_cast %get3A_637 : vector<16xf32> to vector<16xf32>
      tpu.vector_store %swap3A_1115[%swap3A_1116], %swap3A_1119 {strides = array<i32>} : memref<256xf32, #tpu.memory_space<vmem>>, vector<16xf32>,
      %swap3A_1120 = arith.constant 0 : i32
      %swap3A_1121 = tpu.memref_slice %arg6[%scan3A_1092, %swap3A_1120] : memref<224x256xf32, #tpu.memory_space<vmem>> -> memref<1x256xf32, #tpu.memory_space<vmem>>
      %swap3A_1122 = tpu.memref_squeeze %swap3A_1121 : memref<1x256xf32, #tpu.memory_space<vmem>> -> memref<256xf32, #tpu.memory_space<vmem>>
      %swap3A_1123 = arith.constant 192 : index
      %swap3A_1124 = tpu.vector_load %swap3A_1122[%swap3A_1123] {strides = array<i32>} : memref<256xf32, #tpu.memory_space<vmem>>, vector<16xf32>,
      %swap3A_1125 = vector.shape_cast %swap3A_1124 : vector<16xf32> to vector<16xf32>
      %swap3A_1126 = vector.shape_cast %get3A_645 : vector<16xf32> to vector<16xf32>
      tpu.vector_store %swap3A_1122[%swap3A_1123], %swap3A_1126 {strides = array<i32>} : memref<256xf32, #tpu.memory_space<vmem>>, vector<16xf32>,
      %swap3A_1127 = arith.constant 0 : i32
      %swap3A_1128 = tpu.memref_slice %arg6[%scan3A_1092, %swap3A_1127] : memref<224x256xf32, #tpu.memory_space<vmem>> -> memref<1x256xf32, #tpu.memory_space<vmem>>
      %swap3A_1129 = tpu.memref_squeeze %swap3A_1128 : memref<1x256xf32, #tpu.memory_space<vmem>> -> memref<256xf32, #tpu.memory_space<vmem>>
      %swap3A_1130 = arith.constant 208 : index
      %swap3A_1131 = tpu.vector_load %swap3A_1129[%swap3A_1130] {strides = array<i32>} : memref<256xf32, #tpu.memory_space<vmem>>, vector<16xf32>,
      %swap3A_1132 = vector.shape_cast %swap3A_1131 : vector<16xf32> to vector<16xf32>
      %swap3A_1133 = vector.shape_cast %get3A_653 : vector<16xf32> to vector<16xf32>
      tpu.vector_store %swap3A_1129[%swap3A_1130], %swap3A_1133 {strides = array<i32>} : memref<256xf32, #tpu.memory_space<vmem>>, vector<16xf32>,
      %swap3A_1134 = arith.constant 0 : i32
      %swap3A_1135 = tpu.memref_slice %arg6[%scan3A_1092, %swap3A_1134] : memref<224x256xf32, #tpu.memory_space<vmem>> -> memref<1x256xf32, #tpu.memory_space<vmem>>
      %swap3A_1136 = tpu.memref_squeeze %swap3A_1135 : memref<1x256xf32, #tpu.memory_space<vmem>> -> memref<256xf32, #tpu.memory_space<vmem>>
      %swap3A_1137 = arith.constant 224 : index
      %swap3A_1138 = tpu.vector_load %swap3A_1136[%swap3A_1137] {strides = array<i32>} : memref<256xf32, #tpu.memory_space<vmem>>, vector<16xf32>,
      %swap3A_1139 = vector.shape_cast %swap3A_1138 : vector<16xf32> to vector<16xf32>
      %swap3A_1140 = vector.shape_cast %get3A_661 : vector<16xf32> to vector<16xf32>
      tpu.vector_store %swap3A_1136[%swap3A_1137], %swap3A_1140 {strides = array<i32>} : memref<256xf32, #tpu.memory_space<vmem>>, vector<16xf32>,
      %swap3A_1141 = arith.constant 0 : i32
      %swap3A_1142 = tpu.memref_slice %arg6[%scan3A_1092, %swap3A_1141] : memref<224x256xf32, #tpu.memory_space<vmem>> -> memref<1x256xf32, #tpu.memory_space<vmem>>
      %swap3A_1143 = tpu.memref_squeeze %swap3A_1142 : memref<1x256xf32, #tpu.memory_space<vmem>> -> memref<256xf32, #tpu.memory_space<vmem>>
      %swap3A_1144 = arith.constant 240 : index
      %swap3A_1145 = tpu.vector_load %swap3A_1143[%swap3A_1144] {strides = array<i32>} : memref<256xf32, #tpu.memory_space<vmem>>, vector<16xf32>,
      %swap3A_1146 = vector.shape_cast %swap3A_1145 : vector<16xf32> to vector<16xf32>
      %swap3A_1147 = vector.shape_cast %get3A_669 : vector<16xf32> to vector<16xf32>
      tpu.vector_store %swap3A_1143[%swap3A_1144], %swap3A_1147 {strides = array<i32>} : memref<256xf32, #tpu.memory_space<vmem>>, vector<16xf32>,
    }
    %scan3A_675 = arith.constant 224 : i32
    %add3A_676 = arith.constant 4 : i32
    %add3A_677 = arith.addi %mul3A_2, %add3A_676 : i32
    %dma_start3A_678 = arith.constant 0 : i32
    %dma_start3A_679 = arith.constant 0 : i32
    %dma_start3A_680 = arith.constant 0 : i32
    %dma_start3A_681 = tpu.memref_slice %arg4[%dma_start3A_678, %add3A_677, %dma_start3A_679, %dma_start3A_680] : memref<4x224x224x256xf32, #tpu.memory_space<hbm>> -> memref<1x1x224x256xf32, #tpu.memory_space<hbm>>
    %dma_start3A_682 = tpu.memref_squeeze %dma_start3A_681 : memref<1x1x224x256xf32, #tpu.memory_space<hbm>> -> memref<224x256xf32, #tpu.memory_space<hbm>>
    %dma_start3A_683 = arith.constant 0 : i32
    %dma_start3A_684 = arith.constant 0 : i32
    %dma_start3A_685 = tpu.memref_slice %arg4[%dma_start3A_678, %add3A_677, %dma_start3A_683, %dma_start3A_684] : memref<4x224x224x256xf32, #tpu.memory_space<hbm>> -> memref<1x1x224x256xf32, #tpu.memory_space<hbm>>
    %dma_start3A_686 = tpu.memref_squeeze %dma_start3A_685 : memref<1x1x224x256xf32, #tpu.memory_space<hbm>> -> memref<224x256xf32, #tpu.memory_space<hbm>>
    tpu.enqueue_dma source(%arg6 : memref<224x256xf32, #tpu.memory_space<vmem>>) target(%dma_start3A_686 : memref<224x256xf32, #tpu.memory_space<hbm>>) target_semaphore(%arg8 : memref<!tpu.dma_semaphore, #tpu.memory_space<semaphore_mem>>)
    %add3A_687 = arith.constant 4 : i32
    %add3A_688 = arith.addi %mul3A_2, %add3A_687 : i32
    %dma_start3A_689 = arith.constant 1 : i32
    %dma_start3A_690 = arith.constant 0 : i32
    %dma_start3A_691 = arith.constant 0 : i32
    %dma_start3A_692 = tpu.memref_slice %arg4[%dma_start3A_689, %add3A_688, %dma_start3A_690, %dma_start3A_691] : memref<4x224x224x256xf32, #tpu.memory_space<hbm>> -> memref<1x1x224x256xf32, #tpu.memory_space<hbm>>
    %dma_start3A_693 = tpu.memref_squeeze %dma_start3A_692 : memref<1x1x224x256xf32, #tpu.memory_space<hbm>> -> memref<224x256xf32, #tpu.memory_space<hbm>>
    %dma_start3A_694 = arith.constant 0 : i32
    %dma_start3A_695 = arith.constant 0 : i32
    %dma_start3A_696 = tpu.memref_slice %arg4[%dma_start3A_689, %add3A_688, %dma_start3A_694, %dma_start3A_695] : memref<4x224x224x256xf32, #tpu.memory_space<hbm>> -> memref<1x1x224x256xf32, #tpu.memory_space<hbm>>
    %dma_start3A_697 = tpu.memref_squeeze %dma_start3A_696 : memref<1x1x224x256xf32, #tpu.memory_space<hbm>> -> memref<224x256xf32, #tpu.memory_space<hbm>>
    tpu.enqueue_dma source(%arg6 : memref<224x256xf32, #tpu.memory_space<vmem>>) target(%dma_start3A_697 : memref<224x256xf32, #tpu.memory_space<hbm>>) target_semaphore(%arg8 : memref<!tpu.dma_semaphore, #tpu.memory_space<semaphore_mem>>)
    %add3A_698 = arith.constant 4 : i32
    %add3A_699 = arith.addi %mul3A_2, %add3A_698 : i32
    %dma_start3A_700 = arith.constant 2 : i32
    %dma_start3A_701 = arith.constant 0 : i32
    %dma_start3A_702 = arith.constant 0 : i32
    %dma_start3A_703 = tpu.memref_slice %arg4[%dma_start3A_700, %add3A_699, %dma_start3A_701, %dma_start3A_702] : memref<4x224x224x256xf32, #tpu.memory_space<hbm>> -> memref<1x1x224x256xf32, #tpu.memory_space<hbm>>
    %dma_start3A_704 = tpu.memref_squeeze %dma_start3A_703 : memref<1x1x224x256xf32, #tpu.memory_space<hbm>> -> memref<224x256xf32, #tpu.memory_space<hbm>>
    %dma_start3A_705 = arith.constant 0 : i32
    %dma_start3A_706 = arith.constant 0 : i32
    %dma_start3A_707 = tpu.memref_slice %arg4[%dma_start3A_700, %add3A_699, %dma_start3A_705, %dma_start3A_706] : memref<4x224x224x256xf32, #tpu.memory_space<hbm>> -> memref<1x1x224x256xf32, #tpu.memory_space<hbm>>
    %dma_start3A_708 = tpu.memref_squeeze %dma_start3A_707 : memref<1x1x224x256xf32, #tpu.memory_space<hbm>> -> memref<224x256xf32, #tpu.memory_space<hbm>>
    tpu.enqueue_dma source(%arg6 : memref<224x256xf32, #tpu.memory_space<vmem>>) target(%dma_start3A_708 : memref<224x256xf32, #tpu.memory_space<hbm>>) target_semaphore(%arg8 : memref<!tpu.dma_semaphore, #tpu.memory_space<semaphore_mem>>)
    %add3A_709 = arith.constant 4 : i32
    %add3A_710 = arith.addi %mul3A_2, %add3A_709 : i32
    %dma_start3A_711 = arith.constant 3 : i32
    %dma_start3A_712 = arith.constant 0 : i32
    %dma_start3A_713 = arith.constant 0 : i32
    %dma_start3A_714 = tpu.memref_slice %arg4[%dma_start3A_711, %add3A_710, %dma_start3A_712, %dma_start3A_713] : memref<4x224x224x256xf32, #tpu.memory_space<hbm>> -> memref<1x1x224x256xf32, #tpu.memory_space<hbm>>
    %dma_start3A_715 = tpu.memref_squeeze %dma_start3A_714 : memref<1x1x224x256xf32, #tpu.memory_space<hbm>> -> memref<224x256xf32, #tpu.memory_space<hbm>>
    %dma_start3A_716 = arith.constant 0 : i32
    %dma_start3A_717 = arith.constant 0 : i32
    %dma_start3A_718 = tpu.memref_slice %arg4[%dma_start3A_711, %add3A_710, %dma_start3A_716, %dma_start3A_717] : memref<4x224x224x256xf32, #tpu.memory_space<hbm>> -> memref<1x1x224x256xf32, #tpu.memory_space<hbm>>
    %dma_start3A_719 = tpu.memref_squeeze %dma_start3A_718 : memref<1x1x224x256xf32, #tpu.memory_space<hbm>> -> memref<224x256xf32, #tpu.memory_space<hbm>>
    tpu.enqueue_dma source(%arg6 : memref<224x256xf32, #tpu.memory_space<vmem>>) target(%dma_start3A_719 : memref<224x256xf32, #tpu.memory_space<hbm>>) target_semaphore(%arg8 : memref<!tpu.dma_semaphore, #tpu.memory_space<semaphore_mem>>)
    %dma_wait3A_720 = arith.constant 0 : i32
    %dma_wait3A_721 = arith.constant 0 : i32
    %dma_wait3A_722 = arith.constant 0 : i32
    %dma_wait3A_723 = tpu.memref_slice %arg4[%dma_wait3A_720, %add3A_527, %dma_wait3A_721, %dma_wait3A_722] : memref<4x224x224x256xf32, #tpu.memory_space<hbm>> -> memref<1x1x224x256xf32, #tpu.memory_space<hbm>>
    %dma_wait3A_724 = tpu.memref_squeeze %dma_wait3A_723 : memref<1x1x224x256xf32, #tpu.memory_space<hbm>> -> memref<224x256xf32, #tpu.memory_space<hbm>>
    %dma_wait3A_725 = arith.constant 0 : i32
    %dma_wait3A_726 = arith.constant 0 : i32
    %dma_wait3A_727 = tpu.memref_slice %arg4[%dma_wait3A_720, %add3A_527, %dma_wait3A_725, %dma_wait3A_726] : memref<4x224x224x256xf32, #tpu.memory_space<hbm>> -> memref<1x1x224x256xf32, #tpu.memory_space<hbm>>
    %dma_wait3A_728 = tpu.memref_squeeze %dma_wait3A_727 : memref<1x1x224x256xf32, #tpu.memory_space<hbm>> -> memref<224x256xf32, #tpu.memory_space<hbm>>
    tpu.wait_dma2 semaphore(%arg9 : memref<!tpu.dma_semaphore, #tpu.memory_space<semaphore_mem>>) src(%arg7 : memref<224x256xf32, #tpu.memory_space<vmem>>) dst(%dma_wait3A_728 : memref<224x256xf32, #tpu.memory_space<hbm>>)
    %dma_wait3A_729 = arith.constant 1 : i32
    %dma_wait3A_730 = arith.constant 0 : i32
    %dma_wait3A_731 = arith.constant 0 : i32
    %dma_wait3A_732 = tpu.memref_slice %arg4[%dma_wait3A_729, %add3A_538, %dma_wait3A_730, %dma_wait3A_731] : memref<4x224x224x256xf32, #tpu.memory_space<hbm>> -> memref<1x1x224x256xf32, #tpu.memory_space<hbm>>
    %dma_wait3A_733 = tpu.memref_squeeze %dma_wait3A_732 : memref<1x1x224x256xf32, #tpu.memory_space<hbm>> -> memref<224x256xf32, #tpu.memory_space<hbm>>
    %dma_wait3A_734 = arith.constant 0 : i32
    %dma_wait3A_735 = arith.constant 0 : i32
    %dma_wait3A_736 = tpu.memref_slice %arg4[%dma_wait3A_729, %add3A_538, %dma_wait3A_734, %dma_wait3A_735] : memref<4x224x224x256xf32, #tpu.memory_space<hbm>> -> memref<1x1x224x256xf32, #tpu.memory_space<hbm>>
    %dma_wait3A_737 = tpu.memref_squeeze %dma_wait3A_736 : memref<1x1x224x256xf32, #tpu.memory_space<hbm>> -> memref<224x256xf32, #tpu.memory_space<hbm>>
    tpu.wait_dma2 semaphore(%arg9 : memref<!tpu.dma_semaphore, #tpu.memory_space<semaphore_mem>>) src(%arg7 : memref<224x256xf32, #tpu.memory_space<vmem>>) dst(%dma_wait3A_737 : memref<224x256xf32, #tpu.memory_space<hbm>>)
    %dma_wait3A_738 = arith.constant 2 : i32
    %dma_wait3A_739 = arith.constant 0 : i32
    %dma_wait3A_740 = arith.constant 0 : i32
    %dma_wait3A_741 = tpu.memref_slice %arg4[%dma_wait3A_738, %add3A_549, %dma_wait3A_739, %dma_wait3A_740] : memref<4x224x224x256xf32, #tpu.memory_space<hbm>> -> memref<1x1x224x256xf32, #tpu.memory_space<hbm>>
    %dma_wait3A_742 = tpu.memref_squeeze %dma_wait3A_741 : memref<1x1x224x256xf32, #tpu.memory_space<hbm>> -> memref<224x256xf32, #tpu.memory_space<hbm>>
    %dma_wait3A_743 = arith.constant 0 : i32
    %dma_wait3A_744 = arith.constant 0 : i32
    %dma_wait3A_745 = tpu.memref_slice %arg4[%dma_wait3A_738, %add3A_549, %dma_wait3A_743, %dma_wait3A_744] : memref<4x224x224x256xf32, #tpu.memory_space<hbm>> -> memref<1x1x224x256xf32, #tpu.memory_space<hbm>>
    %dma_wait3A_746 = tpu.memref_squeeze %dma_wait3A_745 : memref<1x1x224x256xf32, #tpu.memory_space<hbm>> -> memref<224x256xf32, #tpu.memory_space<hbm>>
    tpu.wait_dma2 semaphore(%arg9 : memref<!tpu.dma_semaphore, #tpu.memory_space<semaphore_mem>>) src(%arg7 : memref<224x256xf32, #tpu.memory_space<vmem>>) dst(%dma_wait3A_746 : memref<224x256xf32, #tpu.memory_space<hbm>>)
    %dma_wait3A_747 = arith.constant 3 : i32
    %dma_wait3A_748 = arith.constant 0 : i32
    %dma_wait3A_749 = arith.constant 0 : i32
    %dma_wait3A_750 = tpu.memref_slice %arg4[%dma_wait3A_747, %add3A_560, %dma_wait3A_748, %dma_wait3A_749] : memref<4x224x224x256xf32, #tpu.memory_space<hbm>> -> memref<1x1x224x256xf32, #tpu.memory_space<hbm>>
    %dma_wait3A_751 = tpu.memref_squeeze %dma_wait3A_750 : memref<1x1x224x256xf32, #tpu.memory_space<hbm>> -> memref<224x256xf32, #tpu.memory_space<hbm>>
    %dma_wait3A_752 = arith.constant 0 : i32
    %dma_wait3A_753 = arith.constant 0 : i32
    %dma_wait3A_754 = tpu.memref_slice %arg4[%dma_wait3A_747, %add3A_560, %dma_wait3A_752, %dma_wait3A_753] : memref<4x224x224x256xf32, #tpu.memory_space<hbm>> -> memref<1x1x224x256xf32, #tpu.memory_space<hbm>>
    %dma_wait3A_755 = tpu.memref_squeeze %dma_wait3A_754 : memref<1x1x224x256xf32, #tpu.memory_space<hbm>> -> memref<224x256xf32, #tpu.memory_space<hbm>>
    tpu.wait_dma2 semaphore(%arg9 : memref<!tpu.dma_semaphore, #tpu.memory_space<semaphore_mem>>) src(%arg7 : memref<224x256xf32, #tpu.memory_space<vmem>>) dst(%dma_wait3A_755 : memref<224x256xf32, #tpu.memory_space<hbm>>)
    %add3A_756 = arith.constant 5 : i32
    %add3A_757 = arith.addi %sub3A_13, %add3A_756 : i32
    %get3A_758 = arith.constant 0 : i32
    %get3A_759 = tpu.memref_slice %arg5[%add3A_757, %get3A_758] : memref<16x128xf32, #tpu.memory_space<vmem>> -> memref<1x128xf32, #tpu.memory_space<vmem>>
    %get3A_760 = tpu.memref_squeeze %get3A_759 : memref<1x128xf32, #tpu.memory_space<vmem>> -> memref<128xf32, #tpu.memory_space<vmem>>
    %get3A_761 = arith.constant 0 : index
    %get3A_762 = tpu.vector_load %get3A_760[%get3A_761] {strides = array<i32>} : memref<128xf32, #tpu.memory_space<vmem>>, vector<16xf32>,
    %get3A_763 = vector.shape_cast %get3A_762 : vector<16xf32> to vector<16xf32>
    %add3A_764 = arith.constant 5 : i32
    %add3A_765 = arith.addi %sub3A_13, %add3A_764 : i32
    %get3A_766 = arith.constant 0 : i32
    %get3A_767 = tpu.memref_slice %arg5[%add3A_765, %get3A_766] : memref<16x128xf32, #tpu.memory_space<vmem>> -> memref<1x128xf32, #tpu.memory_space<vmem>>
    %get3A_768 = tpu.memref_squeeze %get3A_767 : memref<1x128xf32, #tpu.memory_space<vmem>> -> memref<128xf32, #tpu.memory_space<vmem>>
    %get3A_769 = arith.constant 16 : index
    %get3A_770 = tpu.vector_load %get3A_768[%get3A_769] {strides = array<i32>} : memref<128xf32, #tpu.memory_space<vmem>>, vector<16xf32>,
    %get3A_771 = vector.shape_cast %get3A_770 : vector<16xf32> to vector<16xf32>
    %add3A_772 = arith.constant 5 : i32
    %add3A_773 = arith.addi %sub3A_13, %add3A_772 : i32
    %get3A_774 = arith.constant 0 : i32
    %get3A_775 = tpu.memref_slice %arg5[%add3A_773, %get3A_774] : memref<16x128xf32, #tpu.memory_space<vmem>> -> memref<1x128xf32, #tpu.memory_space<vmem>>
    %get3A_776 = tpu.memref_squeeze %get3A_775 : memref<1x128xf32, #tpu.memory_space<vmem>> -> memref<128xf32, #tpu.memory_space<vmem>>
    %get3A_777 = arith.constant 32 : index
    %get3A_778 = tpu.vector_load %get3A_776[%get3A_777] {strides = array<i32>} : memref<128xf32, #tpu.memory_space<vmem>>, vector<16xf32>,
    %get3A_779 = vector.shape_cast %get3A_778 : vector<16xf32> to vector<16xf32>
    %add3A_780 = arith.constant 5 : i32
    %add3A_781 = arith.addi %sub3A_13, %add3A_780 : i32
    %get3A_782 = arith.constant 0 : i32
    %get3A_783 = tpu.memref_slice %arg5[%add3A_781, %get3A_782] : memref<16x128xf32, #tpu.memory_space<vmem>> -> memref<1x128xf32, #tpu.memory_space<vmem>>
    %get3A_784 = tpu.memref_squeeze %get3A_783 : memref<1x128xf32, #tpu.memory_space<vmem>> -> memref<128xf32, #tpu.memory_space<vmem>>
    %get3A_785 = arith.constant 48 : index
    %get3A_786 = tpu.vector_load %get3A_784[%get3A_785] {strides = array<i32>} : memref<128xf32, #tpu.memory_space<vmem>>, vector<16xf32>,
    %get3A_787 = vector.shape_cast %get3A_786 : vector<16xf32> to vector<16xf32>
    %add3A_788 = arith.constant 5 : i32
    %add3A_789 = arith.addi %sub3A_13, %add3A_788 : i32
    %get3A_790 = arith.constant 0 : i32
    %get3A_791 = tpu.memref_slice %arg5[%add3A_789, %get3A_790] : memref<16x128xf32, #tpu.memory_space<vmem>> -> memref<1x128xf32, #tpu.memory_space<vmem>>
    %get3A_792 = tpu.memref_squeeze %get3A_791 : memref<1x128xf32, #tpu.memory_space<vmem>> -> memref<128xf32, #tpu.memory_space<vmem>>
    %get3A_793 = arith.constant 64 : index
    %get3A_794 = tpu.vector_load %get3A_792[%get3A_793] {strides = array<i32>} : memref<128xf32, #tpu.memory_space<vmem>>, vector<16xf32>,
    %get3A_795 = vector.shape_cast %get3A_794 : vector<16xf32> to vector<16xf32>
    %add3A_796 = arith.constant 5 : i32
    %add3A_797 = arith.addi %sub3A_13, %add3A_796 : i32
    %get3A_798 = arith.constant 0 : i32
    %get3A_799 = tpu.memref_slice %arg5[%add3A_797, %get3A_798] : memref<16x128xf32, #tpu.memory_space<vmem>> -> memref<1x128xf32, #tpu.memory_space<vmem>>
    %get3A_800 = tpu.memref_squeeze %get3A_799 : memref<1x128xf32, #tpu.memory_space<vmem>> -> memref<128xf32, #tpu.memory_space<vmem>>
    %get3A_801 = arith.constant 80 : index
    %get3A_802 = tpu.vector_load %get3A_800[%get3A_801] {strides = array<i32>} : memref<128xf32, #tpu.memory_space<vmem>>, vector<16xf32>,
    %get3A_803 = vector.shape_cast %get3A_802 : vector<16xf32> to vector<16xf32>
    %add3A_804 = arith.constant 5 : i32
    %add3A_805 = arith.addi %sub3A_13, %add3A_804 : i32
    %get3A_806 = arith.constant 0 : i32
    %get3A_807 = tpu.memref_slice %arg5[%add3A_805, %get3A_806] : memref<16x128xf32, #tpu.memory_space<vmem>> -> memref<1x128xf32, #tpu.memory_space<vmem>>
    %get3A_808 = tpu.memref_squeeze %get3A_807 : memref<1x128xf32, #tpu.memory_space<vmem>> -> memref<128xf32, #tpu.memory_space<vmem>>
    %get3A_809 = arith.constant 96 : index
    %get3A_810 = tpu.vector_load %get3A_808[%get3A_809] {strides = array<i32>} : memref<128xf32, #tpu.memory_space<vmem>>, vector<16xf32>,
    %get3A_811 = vector.shape_cast %get3A_810 : vector<16xf32> to vector<16xf32>
    %add3A_812 = arith.constant 5 : i32
    %add3A_813 = arith.addi %sub3A_13, %add3A_812 : i32
    %get3A_814 = arith.constant 0 : i32
    %get3A_815 = tpu.memref_slice %arg5[%add3A_813, %get3A_814] : memref<16x128xf32, #tpu.memory_space<vmem>> -> memref<1x128xf32, #tpu.memory_space<vmem>>
    %get3A_816 = tpu.memref_squeeze %get3A_815 : memref<1x128xf32, #tpu.memory_space<vmem>> -> memref<128xf32, #tpu.memory_space<vmem>>
    %get3A_817 = arith.constant 112 : index
    %get3A_818 = tpu.vector_load %get3A_816[%get3A_817] {strides = array<i32>} : memref<128xf32, #tpu.memory_space<vmem>>, vector<16xf32>,
    %get3A_819 = vector.shape_cast %get3A_818 : vector<16xf32> to vector<16xf32>
    %scan3A_820 = arith.constant 0 : i32
    %scan3A_821 = arith.constant 0 : i32
    %scan3A_822 = arith.constant 224 : i32
    %scan3A_823 = arith.addi %scan3A_821, %scan3A_822 : i32
    %scan3A_824 = arith.constant 1 : i32
    scf.for %scan3A_1092 = %scan3A_821 to %scan3A_823 step %scan3A_824  : i32 {
      %swap3A = arith.constant 0 : i32
      %swap3A_1093 = tpu.memref_slice %arg7[%scan3A_1092, %swap3A] : memref<224x256xf32, #tpu.memory_space<vmem>> -> memref<1x256xf32, #tpu.memory_space<vmem>>
      %swap3A_1094 = tpu.memref_squeeze %swap3A_1093 : memref<1x256xf32, #tpu.memory_space<vmem>> -> memref<256xf32, #tpu.memory_space<vmem>>
      %swap3A_1095 = arith.constant 128 : index
      %swap3A_1096 = tpu.vector_load %swap3A_1094[%swap3A_1095] {strides = array<i32>} : memref<256xf32, #tpu.memory_space<vmem>>, vector<16xf32>,
      %swap3A_1097 = vector.shape_cast %swap3A_1096 : vector<16xf32> to vector<16xf32>
      %swap3A_1098 = vector.shape_cast %get3A_763 : vector<16xf32> to vector<16xf32>
      tpu.vector_store %swap3A_1094[%swap3A_1095], %swap3A_1098 {strides = array<i32>} : memref<256xf32, #tpu.memory_space<vmem>>, vector<16xf32>,
      %swap3A_1099 = arith.constant 0 : i32
      %swap3A_1100 = tpu.memref_slice %arg7[%scan3A_1092, %swap3A_1099] : memref<224x256xf32, #tpu.memory_space<vmem>> -> memref<1x256xf32, #tpu.memory_space<vmem>>
      %swap3A_1101 = tpu.memref_squeeze %swap3A_1100 : memref<1x256xf32, #tpu.memory_space<vmem>> -> memref<256xf32, #tpu.memory_space<vmem>>
      %swap3A_1102 = arith.constant 144 : index
      %swap3A_1103 = tpu.vector_load %swap3A_1101[%swap3A_1102] {strides = array<i32>} : memref<256xf32, #tpu.memory_space<vmem>>, vector<16xf32>,
      %swap3A_1104 = vector.shape_cast %swap3A_1103 : vector<16xf32> to vector<16xf32>
      %swap3A_1105 = vector.shape_cast %get3A_771 : vector<16xf32> to vector<16xf32>
      tpu.vector_store %swap3A_1101[%swap3A_1102], %swap3A_1105 {strides = array<i32>} : memref<256xf32, #tpu.memory_space<vmem>>, vector<16xf32>,
      %swap3A_1106 = arith.constant 0 : i32
      %swap3A_1107 = tpu.memref_slice %arg7[%scan3A_1092, %swap3A_1106] : memref<224x256xf32, #tpu.memory_space<vmem>> -> memref<1x256xf32, #tpu.memory_space<vmem>>
      %swap3A_1108 = tpu.memref_squeeze %swap3A_1107 : memref<1x256xf32, #tpu.memory_space<vmem>> -> memref<256xf32, #tpu.memory_space<vmem>>
      %swap3A_1109 = arith.constant 160 : index
      %swap3A_1110 = tpu.vector_load %swap3A_1108[%swap3A_1109] {strides = array<i32>} : memref<256xf32, #tpu.memory_space<vmem>>, vector<16xf32>,
      %swap3A_1111 = vector.shape_cast %swap3A_1110 : vector<16xf32> to vector<16xf32>
      %swap3A_1112 = vector.shape_cast %get3A_779 : vector<16xf32> to vector<16xf32>
      tpu.vector_store %swap3A_1108[%swap3A_1109], %swap3A_1112 {strides = array<i32>} : memref<256xf32, #tpu.memory_space<vmem>>, vector<16xf32>,
      %swap3A_1113 = arith.constant 0 : i32
      %swap3A_1114 = tpu.memref_slice %arg7[%scan3A_1092, %swap3A_1113] : memref<224x256xf32, #tpu.memory_space<vmem>> -> memref<1x256xf32, #tpu.memory_space<vmem>>
      %swap3A_1115 = tpu.memref_squeeze %swap3A_1114 : memref<1x256xf32, #tpu.memory_space<vmem>> -> memref<256xf32, #tpu.memory_space<vmem>>
      %swap3A_1116 = arith.constant 176 : index
      %swap3A_1117 = tpu.vector_load %swap3A_1115[%swap3A_1116] {strides = array<i32>} : memref<256xf32, #tpu.memory_space<vmem>>, vector<16xf32>,
      %swap3A_1118 = vector.shape_cast %swap3A_1117 : vector<16xf32> to vector<16xf32>
      %swap3A_1119 = vector.shape_cast %get3A_787 : vector<16xf32> to vector<16xf32>
      tpu.vector_store %swap3A_1115[%swap3A_1116], %swap3A_1119 {strides = array<i32>} : memref<256xf32, #tpu.memory_space<vmem>>, vector<16xf32>,
      %swap3A_1120 = arith.constant 0 : i32
      %swap3A_1121 = tpu.memref_slice %arg7[%scan3A_1092, %swap3A_1120] : memref<224x256xf32, #tpu.memory_space<vmem>> -> memref<1x256xf32, #tpu.memory_space<vmem>>
      %swap3A_1122 = tpu.memref_squeeze %swap3A_1121 : memref<1x256xf32, #tpu.memory_space<vmem>> -> memref<256xf32, #tpu.memory_space<vmem>>
      %swap3A_1123 = arith.constant 192 : index
      %swap3A_1124 = tpu.vector_load %swap3A_1122[%swap3A_1123] {strides = array<i32>} : memref<256xf32, #tpu.memory_space<vmem>>, vector<16xf32>,
      %swap3A_1125 = vector.shape_cast %swap3A_1124 : vector<16xf32> to vector<16xf32>
      %swap3A_1126 = vector.shape_cast %get3A_795 : vector<16xf32> to vector<16xf32>
      tpu.vector_store %swap3A_1122[%swap3A_1123], %swap3A_1126 {strides = array<i32>} : memref<256xf32, #tpu.memory_space<vmem>>, vector<16xf32>,
      %swap3A_1127 = arith.constant 0 : i32
      %swap3A_1128 = tpu.memref_slice %arg7[%scan3A_1092, %swap3A_1127] : memref<224x256xf32, #tpu.memory_space<vmem>> -> memref<1x256xf32, #tpu.memory_space<vmem>>
      %swap3A_1129 = tpu.memref_squeeze %swap3A_1128 : memref<1x256xf32, #tpu.memory_space<vmem>> -> memref<256xf32, #tpu.memory_space<vmem>>
      %swap3A_1130 = arith.constant 208 : index
      %swap3A_1131 = tpu.vector_load %swap3A_1129[%swap3A_1130] {strides = array<i32>} : memref<256xf32, #tpu.memory_space<vmem>>, vector<16xf32>,
      %swap3A_1132 = vector.shape_cast %swap3A_1131 : vector<16xf32> to vector<16xf32>
      %swap3A_1133 = vector.shape_cast %get3A_803 : vector<16xf32> to vector<16xf32>
      tpu.vector_store %swap3A_1129[%swap3A_1130], %swap3A_1133 {strides = array<i32>} : memref<256xf32, #tpu.memory_space<vmem>>, vector<16xf32>,
      %swap3A_1134 = arith.constant 0 : i32
      %swap3A_1135 = tpu.memref_slice %arg7[%scan3A_1092, %swap3A_1134] : memref<224x256xf32, #tpu.memory_space<vmem>> -> memref<1x256xf32, #tpu.memory_space<vmem>>
      %swap3A_1136 = tpu.memref_squeeze %swap3A_1135 : memref<1x256xf32, #tpu.memory_space<vmem>> -> memref<256xf32, #tpu.memory_space<vmem>>
      %swap3A_1137 = arith.constant 224 : index
      %swap3A_1138 = tpu.vector_load %swap3A_1136[%swap3A_1137] {strides = array<i32>} : memref<256xf32, #tpu.memory_space<vmem>>, vector<16xf32>,
      %swap3A_1139 = vector.shape_cast %swap3A_1138 : vector<16xf32> to vector<16xf32>
      %swap3A_1140 = vector.shape_cast %get3A_811 : vector<16xf32> to vector<16xf32>
      tpu.vector_store %swap3A_1136[%swap3A_1137], %swap3A_1140 {strides = array<i32>} : memref<256xf32, #tpu.memory_space<vmem>>, vector<16xf32>,
      %swap3A_1141 = arith.constant 0 : i32
      %swap3A_1142 = tpu.memref_slice %arg7[%scan3A_1092, %swap3A_1141] : memref<224x256xf32, #tpu.memory_space<vmem>> -> memref<1x256xf32, #tpu.memory_space<vmem>>
      %swap3A_1143 = tpu.memref_squeeze %swap3A_1142 : memref<1x256xf32, #tpu.memory_space<vmem>> -> memref<256xf32, #tpu.memory_space<vmem>>
      %swap3A_1144 = arith.constant 240 : index
      %swap3A_1145 = tpu.vector_load %swap3A_1143[%swap3A_1144] {strides = array<i32>} : memref<256xf32, #tpu.memory_space<vmem>>, vector<16xf32>,
      %swap3A_1146 = vector.shape_cast %swap3A_1145 : vector<16xf32> to vector<16xf32>
      %swap3A_1147 = vector.shape_cast %get3A_819 : vector<16xf32> to vector<16xf32>
      tpu.vector_store %swap3A_1143[%swap3A_1144], %swap3A_1147 {strides = array<i32>} : memref<256xf32, #tpu.memory_space<vmem>>, vector<16xf32>,
    }
    %scan3A_825 = arith.constant 224 : i32
    %add3A_826 = arith.constant 5 : i32
    %add3A_827 = arith.addi %mul3A_2, %add3A_826 : i32
    %dma_start3A_828 = arith.constant 0 : i32
    %dma_start3A_829 = arith.constant 0 : i32
    %dma_start3A_830 = arith.constant 0 : i32
    %dma_start3A_831 = tpu.memref_slice %arg4[%dma_start3A_828, %add3A_827, %dma_start3A_829, %dma_start3A_830] : memref<4x224x224x256xf32, #tpu.memory_space<hbm>> -> memref<1x1x224x256xf32, #tpu.memory_space<hbm>>
    %dma_start3A_832 = tpu.memref_squeeze %dma_start3A_831 : memref<1x1x224x256xf32, #tpu.memory_space<hbm>> -> memref<224x256xf32, #tpu.memory_space<hbm>>
    %dma_start3A_833 = arith.constant 0 : i32
    %dma_start3A_834 = arith.constant 0 : i32
    %dma_start3A_835 = tpu.memref_slice %arg4[%dma_start3A_828, %add3A_827, %dma_start3A_833, %dma_start3A_834] : memref<4x224x224x256xf32, #tpu.memory_space<hbm>> -> memref<1x1x224x256xf32, #tpu.memory_space<hbm>>
    %dma_start3A_836 = tpu.memref_squeeze %dma_start3A_835 : memref<1x1x224x256xf32, #tpu.memory_space<hbm>> -> memref<224x256xf32, #tpu.memory_space<hbm>>
    tpu.enqueue_dma source(%arg7 : memref<224x256xf32, #tpu.memory_space<vmem>>) target(%dma_start3A_836 : memref<224x256xf32, #tpu.memory_space<hbm>>) target_semaphore(%arg9 : memref<!tpu.dma_semaphore, #tpu.memory_space<semaphore_mem>>)
    %add3A_837 = arith.constant 5 : i32
    %add3A_838 = arith.addi %mul3A_2, %add3A_837 : i32
    %dma_start3A_839 = arith.constant 1 : i32
    %dma_start3A_840 = arith.constant 0 : i32
    %dma_start3A_841 = arith.constant 0 : i32
    %dma_start3A_842 = tpu.memref_slice %arg4[%dma_start3A_839, %add3A_838, %dma_start3A_840, %dma_start3A_841] : memref<4x224x224x256xf32, #tpu.memory_space<hbm>> -> memref<1x1x224x256xf32, #tpu.memory_space<hbm>>
    %dma_start3A_843 = tpu.memref_squeeze %dma_start3A_842 : memref<1x1x224x256xf32, #tpu.memory_space<hbm>> -> memref<224x256xf32, #tpu.memory_space<hbm>>
    %dma_start3A_844 = arith.constant 0 : i32
    %dma_start3A_845 = arith.constant 0 : i32
    %dma_start3A_846 = tpu.memref_slice %arg4[%dma_start3A_839, %add3A_838, %dma_start3A_844, %dma_start3A_845] : memref<4x224x224x256xf32, #tpu.memory_space<hbm>> -> memref<1x1x224x256xf32, #tpu.memory_space<hbm>>
    %dma_start3A_847 = tpu.memref_squeeze %dma_start3A_846 : memref<1x1x224x256xf32, #tpu.memory_space<hbm>> -> memref<224x256xf32, #tpu.memory_space<hbm>>
    tpu.enqueue_dma source(%arg7 : memref<224x256xf32, #tpu.memory_space<vmem>>) target(%dma_start3A_847 : memref<224x256xf32, #tpu.memory_space<hbm>>) target_semaphore(%arg9 : memref<!tpu.dma_semaphore, #tpu.memory_space<semaphore_mem>>)
    %add3A_848 = arith.constant 5 : i32
    %add3A_849 = arith.addi %mul3A_2, %add3A_848 : i32
    %dma_start3A_850 = arith.constant 2 : i32
    %dma_start3A_851 = arith.constant 0 : i32
    %dma_start3A_852 = arith.constant 0 : i32
    %dma_start3A_853 = tpu.memref_slice %arg4[%dma_start3A_850, %add3A_849, %dma_start3A_851, %dma_start3A_852] : memref<4x224x224x256xf32, #tpu.memory_space<hbm>> -> memref<1x1x224x256xf32, #tpu.memory_space<hbm>>
    %dma_start3A_854 = tpu.memref_squeeze %dma_start3A_853 : memref<1x1x224x256xf32, #tpu.memory_space<hbm>> -> memref<224x256xf32, #tpu.memory_space<hbm>>
    %dma_start3A_855 = arith.constant 0 : i32
    %dma_start3A_856 = arith.constant 0 : i32
    %dma_start3A_857 = tpu.memref_slice %arg4[%dma_start3A_850, %add3A_849, %dma_start3A_855, %dma_start3A_856] : memref<4x224x224x256xf32, #tpu.memory_space<hbm>> -> memref<1x1x224x256xf32, #tpu.memory_space<hbm>>
    %dma_start3A_858 = tpu.memref_squeeze %dma_start3A_857 : memref<1x1x224x256xf32, #tpu.memory_space<hbm>> -> memref<224x256xf32, #tpu.memory_space<hbm>>
    tpu.enqueue_dma source(%arg7 : memref<224x256xf32, #tpu.memory_space<vmem>>) target(%dma_start3A_858 : memref<224x256xf32, #tpu.memory_space<hbm>>) target_semaphore(%arg9 : memref<!tpu.dma_semaphore, #tpu.memory_space<semaphore_mem>>)
    %add3A_859 = arith.constant 5 : i32
    %add3A_860 = arith.addi %mul3A_2, %add3A_859 : i32
    %dma_start3A_861 = arith.constant 3 : i32
    %dma_start3A_862 = arith.constant 0 : i32
    %dma_start3A_863 = arith.constant 0 : i32
    %dma_start3A_864 = tpu.memref_slice %arg4[%dma_start3A_861, %add3A_860, %dma_start3A_862, %dma_start3A_863] : memref<4x224x224x256xf32, #tpu.memory_space<hbm>> -> memref<1x1x224x256xf32, #tpu.memory_space<hbm>>
    %dma_start3A_865 = tpu.memref_squeeze %dma_start3A_864 : memref<1x1x224x256xf32, #tpu.memory_space<hbm>> -> memref<224x256xf32, #tpu.memory_space<hbm>>
    %dma_start3A_866 = arith.constant 0 : i32
    %dma_start3A_867 = arith.constant 0 : i32
    %dma_start3A_868 = tpu.memref_slice %arg4[%dma_start3A_861, %add3A_860, %dma_start3A_866, %dma_start3A_867] : memref<4x224x224x256xf32, #tpu.memory_space<hbm>> -> memref<1x1x224x256xf32, #tpu.memory_space<hbm>>
    %dma_start3A_869 = tpu.memref_squeeze %dma_start3A_868 : memref<1x1x224x256xf32, #tpu.memory_space<hbm>> -> memref<224x256xf32, #tpu.memory_space<hbm>>
    tpu.enqueue_dma source(%arg7 : memref<224x256xf32, #tpu.memory_space<vmem>>) target(%dma_start3A_869 : memref<224x256xf32, #tpu.memory_space<hbm>>) target_semaphore(%arg9 : memref<!tpu.dma_semaphore, #tpu.memory_space<semaphore_mem>>)
    %dma_wait3A_870 = arith.constant 0 : i32
    %dma_wait3A_871 = arith.constant 0 : i32
    %dma_wait3A_872 = arith.constant 0 : i32
    %dma_wait3A_873 = tpu.memref_slice %arg4[%dma_wait3A_870, %add3A_677, %dma_wait3A_871, %dma_wait3A_872] : memref<4x224x224x256xf32, #tpu.memory_space<hbm>> -> memref<1x1x224x256xf32, #tpu.memory_space<hbm>>
    %dma_wait3A_874 = tpu.memref_squeeze %dma_wait3A_873 : memref<1x1x224x256xf32, #tpu.memory_space<hbm>> -> memref<224x256xf32, #tpu.memory_space<hbm>>
    %dma_wait3A_875 = arith.constant 0 : i32
    %dma_wait3A_876 = arith.constant 0 : i32
    %dma_wait3A_877 = tpu.memref_slice %arg4[%dma_wait3A_870, %add3A_677, %dma_wait3A_875, %dma_wait3A_876] : memref<4x224x224x256xf32, #tpu.memory_space<hbm>> -> memref<1x1x224x256xf32, #tpu.memory_space<hbm>>
    %dma_wait3A_878 = tpu.memref_squeeze %dma_wait3A_877 : memref<1x1x224x256xf32, #tpu.memory_space<hbm>> -> memref<224x256xf32, #tpu.memory_space<hbm>>
    tpu.wait_dma2 semaphore(%arg8 : memref<!tpu.dma_semaphore, #tpu.memory_space<semaphore_mem>>) src(%arg6 : memref<224x256xf32, #tpu.memory_space<vmem>>) dst(%dma_wait3A_878 : memref<224x256xf32, #tpu.memory_space<hbm>>)
    %dma_wait3A_879 = arith.constant 1 : i32
    %dma_wait3A_880 = arith.constant 0 : i32
    %dma_wait3A_881 = arith.constant 0 : i32
    %dma_wait3A_882 = tpu.memref_slice %arg4[%dma_wait3A_879, %add3A_688, %dma_wait3A_880, %dma_wait3A_881] : memref<4x224x224x256xf32, #tpu.memory_space<hbm>> -> memref<1x1x224x256xf32, #tpu.memory_space<hbm>>
    %dma_wait3A_883 = tpu.memref_squeeze %dma_wait3A_882 : memref<1x1x224x256xf32, #tpu.memory_space<hbm>> -> memref<224x256xf32, #tpu.memory_space<hbm>>
    %dma_wait3A_884 = arith.constant 0 : i32
    %dma_wait3A_885 = arith.constant 0 : i32
    %dma_wait3A_886 = tpu.memref_slice %arg4[%dma_wait3A_879, %add3A_688, %dma_wait3A_884, %dma_wait3A_885] : memref<4x224x224x256xf32, #tpu.memory_space<hbm>> -> memref<1x1x224x256xf32, #tpu.memory_space<hbm>>
    %dma_wait3A_887 = tpu.memref_squeeze %dma_wait3A_886 : memref<1x1x224x256xf32, #tpu.memory_space<hbm>> -> memref<224x256xf32, #tpu.memory_space<hbm>>
    tpu.wait_dma2 semaphore(%arg8 : memref<!tpu.dma_semaphore, #tpu.memory_space<semaphore_mem>>) src(%arg6 : memref<224x256xf32, #tpu.memory_space<vmem>>) dst(%dma_wait3A_887 : memref<224x256xf32, #tpu.memory_space<hbm>>)
    %dma_wait3A_888 = arith.constant 2 : i32
    %dma_wait3A_889 = arith.constant 0 : i32
    %dma_wait3A_890 = arith.constant 0 : i32
    %dma_wait3A_891 = tpu.memref_slice %arg4[%dma_wait3A_888, %add3A_699, %dma_wait3A_889, %dma_wait3A_890] : memref<4x224x224x256xf32, #tpu.memory_space<hbm>> -> memref<1x1x224x256xf32, #tpu.memory_space<hbm>>
    %dma_wait3A_892 = tpu.memref_squeeze %dma_wait3A_891 : memref<1x1x224x256xf32, #tpu.memory_space<hbm>> -> memref<224x256xf32, #tpu.memory_space<hbm>>
    %dma_wait3A_893 = arith.constant 0 : i32
    %dma_wait3A_894 = arith.constant 0 : i32
    %dma_wait3A_895 = tpu.memref_slice %arg4[%dma_wait3A_888, %add3A_699, %dma_wait3A_893, %dma_wait3A_894] : memref<4x224x224x256xf32, #tpu.memory_space<hbm>> -> memref<1x1x224x256xf32, #tpu.memory_space<hbm>>
    %dma_wait3A_896 = tpu.memref_squeeze %dma_wait3A_895 : memref<1x1x224x256xf32, #tpu.memory_space<hbm>> -> memref<224x256xf32, #tpu.memory_space<hbm>>
    tpu.wait_dma2 semaphore(%arg8 : memref<!tpu.dma_semaphore, #tpu.memory_space<semaphore_mem>>) src(%arg6 : memref<224x256xf32, #tpu.memory_space<vmem>>) dst(%dma_wait3A_896 : memref<224x256xf32, #tpu.memory_space<hbm>>)
    %dma_wait3A_897 = arith.constant 3 : i32
    %dma_wait3A_898 = arith.constant 0 : i32
    %dma_wait3A_899 = arith.constant 0 : i32
    %dma_wait3A_900 = tpu.memref_slice %arg4[%dma_wait3A_897, %add3A_710, %dma_wait3A_898, %dma_wait3A_899] : memref<4x224x224x256xf32, #tpu.memory_space<hbm>> -> memref<1x1x224x256xf32, #tpu.memory_space<hbm>>
    %dma_wait3A_901 = tpu.memref_squeeze %dma_wait3A_900 : memref<1x1x224x256xf32, #tpu.memory_space<hbm>> -> memref<224x256xf32, #tpu.memory_space<hbm>>
    %dma_wait3A_902 = arith.constant 0 : i32
    %dma_wait3A_903 = arith.constant 0 : i32
    %dma_wait3A_904 = tpu.memref_slice %arg4[%dma_wait3A_897, %add3A_710, %dma_wait3A_902, %dma_wait3A_903] : memref<4x224x224x256xf32, #tpu.memory_space<hbm>> -> memref<1x1x224x256xf32, #tpu.memory_space<hbm>>
    %dma_wait3A_905 = tpu.memref_squeeze %dma_wait3A_904 : memref<1x1x224x256xf32, #tpu.memory_space<hbm>> -> memref<224x256xf32, #tpu.memory_space<hbm>>
    tpu.wait_dma2 semaphore(%arg8 : memref<!tpu.dma_semaphore, #tpu.memory_space<semaphore_mem>>) src(%arg6 : memref<224x256xf32, #tpu.memory_space<vmem>>) dst(%dma_wait3A_905 : memref<224x256xf32, #tpu.memory_space<hbm>>)
    %add3A_906 = arith.constant 6 : i32
    %add3A_907 = arith.addi %sub3A_13, %add3A_906 : i32
    %get3A_908 = arith.constant 0 : i32
    %get3A_909 = tpu.memref_slice %arg5[%add3A_907, %get3A_908] : memref<16x128xf32, #tpu.memory_space<vmem>> -> memref<1x128xf32, #tpu.memory_space<vmem>>
    %get3A_910 = tpu.memref_squeeze %get3A_909 : memref<1x128xf32, #tpu.memory_space<vmem>> -> memref<128xf32, #tpu.memory_space<vmem>>
    %get3A_911 = arith.constant 0 : index
    %get3A_912 = tpu.vector_load %get3A_910[%get3A_911] {strides = array<i32>} : memref<128xf32, #tpu.memory_space<vmem>>, vector<16xf32>,
    %get3A_913 = vector.shape_cast %get3A_912 : vector<16xf32> to vector<16xf32>
    %add3A_914 = arith.constant 6 : i32
    %add3A_915 = arith.addi %sub3A_13, %add3A_914 : i32
    %get3A_916 = arith.constant 0 : i32
    %get3A_917 = tpu.memref_slice %arg5[%add3A_915, %get3A_916] : memref<16x128xf32, #tpu.memory_space<vmem>> -> memref<1x128xf32, #tpu.memory_space<vmem>>
    %get3A_918 = tpu.memref_squeeze %get3A_917 : memref<1x128xf32, #tpu.memory_space<vmem>> -> memref<128xf32, #tpu.memory_space<vmem>>
    %get3A_919 = arith.constant 16 : index
    %get3A_920 = tpu.vector_load %get3A_918[%get3A_919] {strides = array<i32>} : memref<128xf32, #tpu.memory_space<vmem>>, vector<16xf32>,
    %get3A_921 = vector.shape_cast %get3A_920 : vector<16xf32> to vector<16xf32>
    %add3A_922 = arith.constant 6 : i32
    %add3A_923 = arith.addi %sub3A_13, %add3A_922 : i32
    %get3A_924 = arith.constant 0 : i32
    %get3A_925 = tpu.memref_slice %arg5[%add3A_923, %get3A_924] : memref<16x128xf32, #tpu.memory_space<vmem>> -> memref<1x128xf32, #tpu.memory_space<vmem>>
    %get3A_926 = tpu.memref_squeeze %get3A_925 : memref<1x128xf32, #tpu.memory_space<vmem>> -> memref<128xf32, #tpu.memory_space<vmem>>
    %get3A_927 = arith.constant 32 : index
    %get3A_928 = tpu.vector_load %get3A_926[%get3A_927] {strides = array<i32>} : memref<128xf32, #tpu.memory_space<vmem>>, vector<16xf32>,
    %get3A_929 = vector.shape_cast %get3A_928 : vector<16xf32> to vector<16xf32>
    %add3A_930 = arith.constant 6 : i32
    %add3A_931 = arith.addi %sub3A_13, %add3A_930 : i32
    %get3A_932 = arith.constant 0 : i32
    %get3A_933 = tpu.memref_slice %arg5[%add3A_931, %get3A_932] : memref<16x128xf32, #tpu.memory_space<vmem>> -> memref<1x128xf32, #tpu.memory_space<vmem>>
    %get3A_934 = tpu.memref_squeeze %get3A_933 : memref<1x128xf32, #tpu.memory_space<vmem>> -> memref<128xf32, #tpu.memory_space<vmem>>
    %get3A_935 = arith.constant 48 : index
    %get3A_936 = tpu.vector_load %get3A_934[%get3A_935] {strides = array<i32>} : memref<128xf32, #tpu.memory_space<vmem>>, vector<16xf32>,
    %get3A_937 = vector.shape_cast %get3A_936 : vector<16xf32> to vector<16xf32>
    %add3A_938 = arith.constant 6 : i32
    %add3A_939 = arith.addi %sub3A_13, %add3A_938 : i32
    %get3A_940 = arith.constant 0 : i32
    %get3A_941 = tpu.memref_slice %arg5[%add3A_939, %get3A_940] : memref<16x128xf32, #tpu.memory_space<vmem>> -> memref<1x128xf32, #tpu.memory_space<vmem>>
    %get3A_942 = tpu.memref_squeeze %get3A_941 : memref<1x128xf32, #tpu.memory_space<vmem>> -> memref<128xf32, #tpu.memory_space<vmem>>
    %get3A_943 = arith.constant 64 : index
    %get3A_944 = tpu.vector_load %get3A_942[%get3A_943] {strides = array<i32>} : memref<128xf32, #tpu.memory_space<vmem>>, vector<16xf32>,
    %get3A_945 = vector.shape_cast %get3A_944 : vector<16xf32> to vector<16xf32>
    %add3A_946 = arith.constant 6 : i32
    %add3A_947 = arith.addi %sub3A_13, %add3A_946 : i32
    %get3A_948 = arith.constant 0 : i32
    %get3A_949 = tpu.memref_slice %arg5[%add3A_947, %get3A_948] : memref<16x128xf32, #tpu.memory_space<vmem>> -> memref<1x128xf32, #tpu.memory_space<vmem>>
    %get3A_950 = tpu.memref_squeeze %get3A_949 : memref<1x128xf32, #tpu.memory_space<vmem>> -> memref<128xf32, #tpu.memory_space<vmem>>
    %get3A_951 = arith.constant 80 : index
    %get3A_952 = tpu.vector_load %get3A_950[%get3A_951] {strides = array<i32>} : memref<128xf32, #tpu.memory_space<vmem>>, vector<16xf32>,
    %get3A_953 = vector.shape_cast %get3A_952 : vector<16xf32> to vector<16xf32>
    %add3A_954 = arith.constant 6 : i32
    %add3A_955 = arith.addi %sub3A_13, %add3A_954 : i32
    %get3A_956 = arith.constant 0 : i32
    %get3A_957 = tpu.memref_slice %arg5[%add3A_955, %get3A_956] : memref<16x128xf32, #tpu.memory_space<vmem>> -> memref<1x128xf32, #tpu.memory_space<vmem>>
    %get3A_958 = tpu.memref_squeeze %get3A_957 : memref<1x128xf32, #tpu.memory_space<vmem>> -> memref<128xf32, #tpu.memory_space<vmem>>
    %get3A_959 = arith.constant 96 : index
    %get3A_960 = tpu.vector_load %get3A_958[%get3A_959] {strides = array<i32>} : memref<128xf32, #tpu.memory_space<vmem>>, vector<16xf32>,
    %get3A_961 = vector.shape_cast %get3A_960 : vector<16xf32> to vector<16xf32>
    %add3A_962 = arith.constant 6 : i32
    %add3A_963 = arith.addi %sub3A_13, %add3A_962 : i32
    %get3A_964 = arith.constant 0 : i32
    %get3A_965 = tpu.memref_slice %arg5[%add3A_963, %get3A_964] : memref<16x128xf32, #tpu.memory_space<vmem>> -> memref<1x128xf32, #tpu.memory_space<vmem>>
    %get3A_966 = tpu.memref_squeeze %get3A_965 : memref<1x128xf32, #tpu.memory_space<vmem>> -> memref<128xf32, #tpu.memory_space<vmem>>
    %get3A_967 = arith.constant 112 : index
    %get3A_968 = tpu.vector_load %get3A_966[%get3A_967] {strides = array<i32>} : memref<128xf32, #tpu.memory_space<vmem>>, vector<16xf32>,
    %get3A_969 = vector.shape_cast %get3A_968 : vector<16xf32> to vector<16xf32>
    %scan3A_970 = arith.constant 0 : i32
    %scan3A_971 = arith.constant 0 : i32
    %scan3A_972 = arith.constant 224 : i32
    %scan3A_973 = arith.addi %scan3A_971, %scan3A_972 : i32
    %scan3A_974 = arith.constant 1 : i32
    scf.for %scan3A_1092 = %scan3A_971 to %scan3A_973 step %scan3A_974  : i32 {
      %swap3A = arith.constant 0 : i32
      %swap3A_1093 = tpu.memref_slice %arg6[%scan3A_1092, %swap3A] : memref<224x256xf32, #tpu.memory_space<vmem>> -> memref<1x256xf32, #tpu.memory_space<vmem>>
      %swap3A_1094 = tpu.memref_squeeze %swap3A_1093 : memref<1x256xf32, #tpu.memory_space<vmem>> -> memref<256xf32, #tpu.memory_space<vmem>>
      %swap3A_1095 = arith.constant 128 : index
      %swap3A_1096 = tpu.vector_load %swap3A_1094[%swap3A_1095] {strides = array<i32>} : memref<256xf32, #tpu.memory_space<vmem>>, vector<16xf32>,
      %swap3A_1097 = vector.shape_cast %swap3A_1096 : vector<16xf32> to vector<16xf32>
      %swap3A_1098 = vector.shape_cast %get3A_913 : vector<16xf32> to vector<16xf32>
      tpu.vector_store %swap3A_1094[%swap3A_1095], %swap3A_1098 {strides = array<i32>} : memref<256xf32, #tpu.memory_space<vmem>>, vector<16xf32>,
      %swap3A_1099 = arith.constant 0 : i32
      %swap3A_1100 = tpu.memref_slice %arg6[%scan3A_1092, %swap3A_1099] : memref<224x256xf32, #tpu.memory_space<vmem>> -> memref<1x256xf32, #tpu.memory_space<vmem>>
      %swap3A_1101 = tpu.memref_squeeze %swap3A_1100 : memref<1x256xf32, #tpu.memory_space<vmem>> -> memref<256xf32, #tpu.memory_space<vmem>>
      %swap3A_1102 = arith.constant 144 : index
      %swap3A_1103 = tpu.vector_load %swap3A_1101[%swap3A_1102] {strides = array<i32>} : memref<256xf32, #tpu.memory_space<vmem>>, vector<16xf32>,
      %swap3A_1104 = vector.shape_cast %swap3A_1103 : vector<16xf32> to vector<16xf32>
      %swap3A_1105 = vector.shape_cast %get3A_921 : vector<16xf32> to vector<16xf32>
      tpu.vector_store %swap3A_1101[%swap3A_1102], %swap3A_1105 {strides = array<i32>} : memref<256xf32, #tpu.memory_space<vmem>>, vector<16xf32>,
      %swap3A_1106 = arith.constant 0 : i32
      %swap3A_1107 = tpu.memref_slice %arg6[%scan3A_1092, %swap3A_1106] : memref<224x256xf32, #tpu.memory_space<vmem>> -> memref<1x256xf32, #tpu.memory_space<vmem>>
      %swap3A_1108 = tpu.memref_squeeze %swap3A_1107 : memref<1x256xf32, #tpu.memory_space<vmem>> -> memref<256xf32, #tpu.memory_space<vmem>>
      %swap3A_1109 = arith.constant 160 : index
      %swap3A_1110 = tpu.vector_load %swap3A_1108[%swap3A_1109] {strides = array<i32>} : memref<256xf32, #tpu.memory_space<vmem>>, vector<16xf32>,
      %swap3A_1111 = vector.shape_cast %swap3A_1110 : vector<16xf32> to vector<16xf32>
      %swap3A_1112 = vector.shape_cast %get3A_929 : vector<16xf32> to vector<16xf32>
      tpu.vector_store %swap3A_1108[%swap3A_1109], %swap3A_1112 {strides = array<i32>} : memref<256xf32, #tpu.memory_space<vmem>>, vector<16xf32>,
      %swap3A_1113 = arith.constant 0 : i32
      %swap3A_1114 = tpu.memref_slice %arg6[%scan3A_1092, %swap3A_1113] : memref<224x256xf32, #tpu.memory_space<vmem>> -> memref<1x256xf32, #tpu.memory_space<vmem>>
      %swap3A_1115 = tpu.memref_squeeze %swap3A_1114 : memref<1x256xf32, #tpu.memory_space<vmem>> -> memref<256xf32, #tpu.memory_space<vmem>>
      %swap3A_1116 = arith.constant 176 : index
      %swap3A_1117 = tpu.vector_load %swap3A_1115[%swap3A_1116] {strides = array<i32>} : memref<256xf32, #tpu.memory_space<vmem>>, vector<16xf32>,
      %swap3A_1118 = vector.shape_cast %swap3A_1117 : vector<16xf32> to vector<16xf32>
      %swap3A_1119 = vector.shape_cast %get3A_937 : vector<16xf32> to vector<16xf32>
      tpu.vector_store %swap3A_1115[%swap3A_1116], %swap3A_1119 {strides = array<i32>} : memref<256xf32, #tpu.memory_space<vmem>>, vector<16xf32>,
      %swap3A_1120 = arith.constant 0 : i32
      %swap3A_1121 = tpu.memref_slice %arg6[%scan3A_1092, %swap3A_1120] : memref<224x256xf32, #tpu.memory_space<vmem>> -> memref<1x256xf32, #tpu.memory_space<vmem>>
      %swap3A_1122 = tpu.memref_squeeze %swap3A_1121 : memref<1x256xf32, #tpu.memory_space<vmem>> -> memref<256xf32, #tpu.memory_space<vmem>>
      %swap3A_1123 = arith.constant 192 : index
      %swap3A_1124 = tpu.vector_load %swap3A_1122[%swap3A_1123] {strides = array<i32>} : memref<256xf32, #tpu.memory_space<vmem>>, vector<16xf32>,
      %swap3A_1125 = vector.shape_cast %swap3A_1124 : vector<16xf32> to vector<16xf32>
      %swap3A_1126 = vector.shape_cast %get3A_945 : vector<16xf32> to vector<16xf32>
      tpu.vector_store %swap3A_1122[%swap3A_1123], %swap3A_1126 {strides = array<i32>} : memref<256xf32, #tpu.memory_space<vmem>>, vector<16xf32>,
      %swap3A_1127 = arith.constant 0 : i32
      %swap3A_1128 = tpu.memref_slice %arg6[%scan3A_1092, %swap3A_1127] : memref<224x256xf32, #tpu.memory_space<vmem>> -> memref<1x256xf32, #tpu.memory_space<vmem>>
      %swap3A_1129 = tpu.memref_squeeze %swap3A_1128 : memref<1x256xf32, #tpu.memory_space<vmem>> -> memref<256xf32, #tpu.memory_space<vmem>>
      %swap3A_1130 = arith.constant 208 : index
      %swap3A_1131 = tpu.vector_load %swap3A_1129[%swap3A_1130] {strides = array<i32>} : memref<256xf32, #tpu.memory_space<vmem>>, vector<16xf32>,
      %swap3A_1132 = vector.shape_cast %swap3A_1131 : vector<16xf32> to vector<16xf32>
      %swap3A_1133 = vector.shape_cast %get3A_953 : vector<16xf32> to vector<16xf32>
      tpu.vector_store %swap3A_1129[%swap3A_1130], %swap3A_1133 {strides = array<i32>} : memref<256xf32, #tpu.memory_space<vmem>>, vector<16xf32>,
      %swap3A_1134 = arith.constant 0 : i32
      %swap3A_1135 = tpu.memref_slice %arg6[%scan3A_1092, %swap3A_1134] : memref<224x256xf32, #tpu.memory_space<vmem>> -> memref<1x256xf32, #tpu.memory_space<vmem>>
      %swap3A_1136 = tpu.memref_squeeze %swap3A_1135 : memref<1x256xf32, #tpu.memory_space<vmem>> -> memref<256xf32, #tpu.memory_space<vmem>>
      %swap3A_1137 = arith.constant 224 : index
      %swap3A_1138 = tpu.vector_load %swap3A_1136[%swap3A_1137] {strides = array<i32>} : memref<256xf32, #tpu.memory_space<vmem>>, vector<16xf32>,
      %swap3A_1139 = vector.shape_cast %swap3A_1138 : vector<16xf32> to vector<16xf32>
      %swap3A_1140 = vector.shape_cast %get3A_961 : vector<16xf32> to vector<16xf32>
      tpu.vector_store %swap3A_1136[%swap3A_1137], %swap3A_1140 {strides = array<i32>} : memref<256xf32, #tpu.memory_space<vmem>>, vector<16xf32>,
      %swap3A_1141 = arith.constant 0 : i32
      %swap3A_1142 = tpu.memref_slice %arg6[%scan3A_1092, %swap3A_1141] : memref<224x256xf32, #tpu.memory_space<vmem>> -> memref<1x256xf32, #tpu.memory_space<vmem>>
      %swap3A_1143 = tpu.memref_squeeze %swap3A_1142 : memref<1x256xf32, #tpu.memory_space<vmem>> -> memref<256xf32, #tpu.memory_space<vmem>>
      %swap3A_1144 = arith.constant 240 : index
      %swap3A_1145 = tpu.vector_load %swap3A_1143[%swap3A_1144] {strides = array<i32>} : memref<256xf32, #tpu.memory_space<vmem>>, vector<16xf32>,
      %swap3A_1146 = vector.shape_cast %swap3A_1145 : vector<16xf32> to vector<16xf32>
      %swap3A_1147 = vector.shape_cast %get3A_969 : vector<16xf32> to vector<16xf32>
      tpu.vector_store %swap3A_1143[%swap3A_1144], %swap3A_1147 {strides = array<i32>} : memref<256xf32, #tpu.memory_space<vmem>>, vector<16xf32>,
    }
    %scan3A_975 = arith.constant 224 : i32
    %add3A_976 = arith.constant 6 : i32
    %add3A_977 = arith.addi %mul3A_2, %add3A_976 : i32
    %dma_start3A_978 = arith.constant 0 : i32
    %dma_start3A_979 = arith.constant 0 : i32
    %dma_start3A_980 = arith.constant 0 : i32
    %dma_start3A_981 = tpu.memref_slice %arg4[%dma_start3A_978, %add3A_977, %dma_start3A_979, %dma_start3A_980] : memref<4x224x224x256xf32, #tpu.memory_space<hbm>> -> memref<1x1x224x256xf32, #tpu.memory_space<hbm>>
    %dma_start3A_982 = tpu.memref_squeeze %dma_start3A_981 : memref<1x1x224x256xf32, #tpu.memory_space<hbm>> -> memref<224x256xf32, #tpu.memory_space<hbm>>
    %dma_start3A_983 = arith.constant 0 : i32
    %dma_start3A_984 = arith.constant 0 : i32
    %dma_start3A_985 = tpu.memref_slice %arg4[%dma_start3A_978, %add3A_977, %dma_start3A_983, %dma_start3A_984] : memref<4x224x224x256xf32, #tpu.memory_space<hbm>> -> memref<1x1x224x256xf32, #tpu.memory_space<hbm>>
    %dma_start3A_986 = tpu.memref_squeeze %dma_start3A_985 : memref<1x1x224x256xf32, #tpu.memory_space<hbm>> -> memref<224x256xf32, #tpu.memory_space<hbm>>
    tpu.enqueue_dma source(%arg6 : memref<224x256xf32, #tpu.memory_space<vmem>>) target(%dma_start3A_986 : memref<224x256xf32, #tpu.memory_space<hbm>>) target_semaphore(%arg8 : memref<!tpu.dma_semaphore, #tpu.memory_space<semaphore_mem>>)
    %add3A_987 = arith.constant 6 : i32
    %add3A_988 = arith.addi %mul3A_2, %add3A_987 : i32
    %dma_start3A_989 = arith.constant 1 : i32
    %dma_start3A_990 = arith.constant 0 : i32
    %dma_start3A_991 = arith.constant 0 : i32
    %dma_start3A_992 = tpu.memref_slice %arg4[%dma_start3A_989, %add3A_988, %dma_start3A_990, %dma_start3A_991] : memref<4x224x224x256xf32, #tpu.memory_space<hbm>> -> memref<1x1x224x256xf32, #tpu.memory_space<hbm>>
    %dma_start3A_993 = tpu.memref_squeeze %dma_start3A_992 : memref<1x1x224x256xf32, #tpu.memory_space<hbm>> -> memref<224x256xf32, #tpu.memory_space<hbm>>
    %dma_start3A_994 = arith.constant 0 : i32
    %dma_start3A_995 = arith.constant 0 : i32
    %dma_start3A_996 = tpu.memref_slice %arg4[%dma_start3A_989, %add3A_988, %dma_start3A_994, %dma_start3A_995] : memref<4x224x224x256xf32, #tpu.memory_space<hbm>> -> memref<1x1x224x256xf32, #tpu.memory_space<hbm>>
    %dma_start3A_997 = tpu.memref_squeeze %dma_start3A_996 : memref<1x1x224x256xf32, #tpu.memory_space<hbm>> -> memref<224x256xf32, #tpu.memory_space<hbm>>
    tpu.enqueue_dma source(%arg6 : memref<224x256xf32, #tpu.memory_space<vmem>>) target(%dma_start3A_997 : memref<224x256xf32, #tpu.memory_space<hbm>>) target_semaphore(%arg8 : memref<!tpu.dma_semaphore, #tpu.memory_space<semaphore_mem>>)
    %add3A_998 = arith.constant 6 : i32
    %add3A_999 = arith.addi %mul3A_2, %add3A_998 : i32
    %dma_start3A_1000 = arith.constant 2 : i32
    %dma_start3A_1001 = arith.constant 0 : i32
    %dma_start3A_1002 = arith.constant 0 : i32
    %dma_start3A_1003 = tpu.memref_slice %arg4[%dma_start3A_1000, %add3A_999, %dma_start3A_1001, %dma_start3A_1002] : memref<4x224x224x256xf32, #tpu.memory_space<hbm>> -> memref<1x1x224x256xf32, #tpu.memory_space<hbm>>
    %dma_start3A_1004 = tpu.memref_squeeze %dma_start3A_1003 : memref<1x1x224x256xf32, #tpu.memory_space<hbm>> -> memref<224x256xf32, #tpu.memory_space<hbm>>
    %dma_start3A_1005 = arith.constant 0 : i32
    %dma_start3A_1006 = arith.constant 0 : i32
    %dma_start3A_1007 = tpu.memref_slice %arg4[%dma_start3A_1000, %add3A_999, %dma_start3A_1005, %dma_start3A_1006] : memref<4x224x224x256xf32, #tpu.memory_space<hbm>> -> memref<1x1x224x256xf32, #tpu.memory_space<hbm>>
    %dma_start3A_1008 = tpu.memref_squeeze %dma_start3A_1007 : memref<1x1x224x256xf32, #tpu.memory_space<hbm>> -> memref<224x256xf32, #tpu.memory_space<hbm>>
    tpu.enqueue_dma source(%arg6 : memref<224x256xf32, #tpu.memory_space<vmem>>) target(%dma_start3A_1008 : memref<224x256xf32, #tpu.memory_space<hbm>>) target_semaphore(%arg8 : memref<!tpu.dma_semaphore, #tpu.memory_space<semaphore_mem>>)
    %add3A_1009 = arith.constant 6 : i32
    %add3A_1010 = arith.addi %mul3A_2, %add3A_1009 : i32
    %dma_start3A_1011 = arith.constant 3 : i32
    %dma_start3A_1012 = arith.constant 0 : i32
    %dma_start3A_1013 = arith.constant 0 : i32
    %dma_start3A_1014 = tpu.memref_slice %arg4[%dma_start3A_1011, %add3A_1010, %dma_start3A_1012, %dma_start3A_1013] : memref<4x224x224x256xf32, #tpu.memory_space<hbm>> -> memref<1x1x224x256xf32, #tpu.memory_space<hbm>>
    %dma_start3A_1015 = tpu.memref_squeeze %dma_start3A_1014 : memref<1x1x224x256xf32, #tpu.memory_space<hbm>> -> memref<224x256xf32, #tpu.memory_space<hbm>>
    %dma_start3A_1016 = arith.constant 0 : i32
    %dma_start3A_1017 = arith.constant 0 : i32
    %dma_start3A_1018 = tpu.memref_slice %arg4[%dma_start3A_1011, %add3A_1010, %dma_start3A_1016, %dma_start3A_1017] : memref<4x224x224x256xf32, #tpu.memory_space<hbm>> -> memref<1x1x224x256xf32, #tpu.memory_space<hbm>>
    %dma_start3A_1019 = tpu.memref_squeeze %dma_start3A_1018 : memref<1x1x224x256xf32, #tpu.memory_space<hbm>> -> memref<224x256xf32, #tpu.memory_space<hbm>>
    tpu.enqueue_dma source(%arg6 : memref<224x256xf32, #tpu.memory_space<vmem>>) target(%dma_start3A_1019 : memref<224x256xf32, #tpu.memory_space<hbm>>) target_semaphore(%arg8 : memref<!tpu.dma_semaphore, #tpu.memory_space<semaphore_mem>>)
    %dma_wait3A_1020 = arith.constant 0 : i32
    %dma_wait3A_1021 = arith.constant 0 : i32
    %dma_wait3A_1022 = arith.constant 0 : i32
    %dma_wait3A_1023 = tpu.memref_slice %arg4[%dma_wait3A_1020, %add3A_827, %dma_wait3A_1021, %dma_wait3A_1022] : memref<4x224x224x256xf32, #tpu.memory_space<hbm>> -> memref<1x1x224x256xf32, #tpu.memory_space<hbm>>
    %dma_wait3A_1024 = tpu.memref_squeeze %dma_wait3A_1023 : memref<1x1x224x256xf32, #tpu.memory_space<hbm>> -> memref<224x256xf32, #tpu.memory_space<hbm>>
    %dma_wait3A_1025 = arith.constant 0 : i32
    %dma_wait3A_1026 = arith.constant 0 : i32
    %dma_wait3A_1027 = tpu.memref_slice %arg4[%dma_wait3A_1020, %add3A_827, %dma_wait3A_1025, %dma_wait3A_1026] : memref<4x224x224x256xf32, #tpu.memory_space<hbm>> -> memref<1x1x224x256xf32, #tpu.memory_space<hbm>>
    %dma_wait3A_1028 = tpu.memref_squeeze %dma_wait3A_1027 : memref<1x1x224x256xf32, #tpu.memory_space<hbm>> -> memref<224x256xf32, #tpu.memory_space<hbm>>
    tpu.wait_dma2 semaphore(%arg9 : memref<!tpu.dma_semaphore, #tpu.memory_space<semaphore_mem>>) src(%arg7 : memref<224x256xf32, #tpu.memory_space<vmem>>) dst(%dma_wait3A_1028 : memref<224x256xf32, #tpu.memory_space<hbm>>)
    %dma_wait3A_1029 = arith.constant 1 : i32
    %dma_wait3A_1030 = arith.constant 0 : i32
    %dma_wait3A_1031 = arith.constant 0 : i32
    %dma_wait3A_1032 = tpu.memref_slice %arg4[%dma_wait3A_1029, %add3A_838, %dma_wait3A_1030, %dma_wait3A_1031] : memref<4x224x224x256xf32, #tpu.memory_space<hbm>> -> memref<1x1x224x256xf32, #tpu.memory_space<hbm>>
    %dma_wait3A_1033 = tpu.memref_squeeze %dma_wait3A_1032 : memref<1x1x224x256xf32, #tpu.memory_space<hbm>> -> memref<224x256xf32, #tpu.memory_space<hbm>>
    %dma_wait3A_1034 = arith.constant 0 : i32
    %dma_wait3A_1035 = arith.constant 0 : i32
    %dma_wait3A_1036 = tpu.memref_slice %arg4[%dma_wait3A_1029, %add3A_838, %dma_wait3A_1034, %dma_wait3A_1035] : memref<4x224x224x256xf32, #tpu.memory_space<hbm>> -> memref<1x1x224x256xf32, #tpu.memory_space<hbm>>
    %dma_wait3A_1037 = tpu.memref_squeeze %dma_wait3A_1036 : memref<1x1x224x256xf32, #tpu.memory_space<hbm>> -> memref<224x256xf32, #tpu.memory_space<hbm>>
    tpu.wait_dma2 semaphore(%arg9 : memref<!tpu.dma_semaphore, #tpu.memory_space<semaphore_mem>>) src(%arg7 : memref<224x256xf32, #tpu.memory_space<vmem>>) dst(%dma_wait3A_1037 : memref<224x256xf32, #tpu.memory_space<hbm>>)
    %dma_wait3A_1038 = arith.constant 2 : i32
    %dma_wait3A_1039 = arith.constant 0 : i32
    %dma_wait3A_1040 = arith.constant 0 : i32
    %dma_wait3A_1041 = tpu.memref_slice %arg4[%dma_wait3A_1038, %add3A_849, %dma_wait3A_1039, %dma_wait3A_1040] : memref<4x224x224x256xf32, #tpu.memory_space<hbm>> -> memref<1x1x224x256xf32, #tpu.memory_space<hbm>>
    %dma_wait3A_1042 = tpu.memref_squeeze %dma_wait3A_1041 : memref<1x1x224x256xf32, #tpu.memory_space<hbm>> -> memref<224x256xf32, #tpu.memory_space<hbm>>
    %dma_wait3A_1043 = arith.constant 0 : i32
    %dma_wait3A_1044 = arith.constant 0 : i32
    %dma_wait3A_1045 = tpu.memref_slice %arg4[%dma_wait3A_1038, %add3A_849, %dma_wait3A_1043, %dma_wait3A_1044] : memref<4x224x224x256xf32, #tpu.memory_space<hbm>> -> memref<1x1x224x256xf32, #tpu.memory_space<hbm>>
    %dma_wait3A_1046 = tpu.memref_squeeze %dma_wait3A_1045 : memref<1x1x224x256xf32, #tpu.memory_space<hbm>> -> memref<224x256xf32, #tpu.memory_space<hbm>>
    tpu.wait_dma2 semaphore(%arg9 : memref<!tpu.dma_semaphore, #tpu.memory_space<semaphore_mem>>) src(%arg7 : memref<224x256xf32, #tpu.memory_space<vmem>>) dst(%dma_wait3A_1046 : memref<224x256xf32, #tpu.memory_space<hbm>>)
    %dma_wait3A_1047 = arith.constant 3 : i32
    %dma_wait3A_1048 = arith.constant 0 : i32
    %dma_wait3A_1049 = arith.constant 0 : i32
    %dma_wait3A_1050 = tpu.memref_slice %arg4[%dma_wait3A_1047, %add3A_860, %dma_wait3A_1048, %dma_wait3A_1049] : memref<4x224x224x256xf32, #tpu.memory_space<hbm>> -> memref<1x1x224x256xf32, #tpu.memory_space<hbm>>
    %dma_wait3A_1051 = tpu.memref_squeeze %dma_wait3A_1050 : memref<1x1x224x256xf32, #tpu.memory_space<hbm>> -> memref<224x256xf32, #tpu.memory_space<hbm>>
    %dma_wait3A_1052 = arith.constant 0 : i32
    %dma_wait3A_1053 = arith.constant 0 : i32
    %dma_wait3A_1054 = tpu.memref_slice %arg4[%dma_wait3A_1047, %add3A_860, %dma_wait3A_1052, %dma_wait3A_1053] : memref<4x224x224x256xf32, #tpu.memory_space<hbm>> -> memref<1x1x224x256xf32, #tpu.memory_space<hbm>>
    %dma_wait3A_1055 = tpu.memref_squeeze %dma_wait3A_1054 : memref<1x1x224x256xf32, #tpu.memory_space<hbm>> -> memref<224x256xf32, #tpu.memory_space<hbm>>
    tpu.wait_dma2 semaphore(%arg9 : memref<!tpu.dma_semaphore, #tpu.memory_space<semaphore_mem>>) src(%arg7 : memref<224x256xf32, #tpu.memory_space<vmem>>) dst(%dma_wait3A_1055 : memref<224x256xf32, #tpu.memory_space<hbm>>)
    %dma_wait3A_1056 = arith.constant 0 : i32
    %dma_wait3A_1057 = arith.constant 0 : i32
    %dma_wait3A_1058 = arith.constant 0 : i32
    %dma_wait3A_1059 = tpu.memref_slice %arg4[%dma_wait3A_1056, %add3A_977, %dma_wait3A_1057, %dma_wait3A_1058] : memref<4x224x224x256xf32, #tpu.memory_space<hbm>> -> memref<1x1x224x256xf32, #tpu.memory_space<hbm>>
    %dma_wait3A_1060 = tpu.memref_squeeze %dma_wait3A_1059 : memref<1x1x224x256xf32, #tpu.memory_space<hbm>> -> memref<224x256xf32, #tpu.memory_space<hbm>>
    %dma_wait3A_1061 = arith.constant 0 : i32
    %dma_wait3A_1062 = arith.constant 0 : i32
    %dma_wait3A_1063 = tpu.memref_slice %arg4[%dma_wait3A_1056, %add3A_977, %dma_wait3A_1061, %dma_wait3A_1062] : memref<4x224x224x256xf32, #tpu.memory_space<hbm>> -> memref<1x1x224x256xf32, #tpu.memory_space<hbm>>
    %dma_wait3A_1064 = tpu.memref_squeeze %dma_wait3A_1063 : memref<1x1x224x256xf32, #tpu.memory_space<hbm>> -> memref<224x256xf32, #tpu.memory_space<hbm>>
    tpu.wait_dma2 semaphore(%arg8 : memref<!tpu.dma_semaphore, #tpu.memory_space<semaphore_mem>>) src(%arg6 : memref<224x256xf32, #tpu.memory_space<vmem>>) dst(%dma_wait3A_1064 : memref<224x256xf32, #tpu.memory_space<hbm>>)
    %dma_wait3A_1065 = arith.constant 1 : i32
    %dma_wait3A_1066 = arith.constant 0 : i32
    %dma_wait3A_1067 = arith.constant 0 : i32
    %dma_wait3A_1068 = tpu.memref_slice %arg4[%dma_wait3A_1065, %add3A_988, %dma_wait3A_1066, %dma_wait3A_1067] : memref<4x224x224x256xf32, #tpu.memory_space<hbm>> -> memref<1x1x224x256xf32, #tpu.memory_space<hbm>>
    %dma_wait3A_1069 = tpu.memref_squeeze %dma_wait3A_1068 : memref<1x1x224x256xf32, #tpu.memory_space<hbm>> -> memref<224x256xf32, #tpu.memory_space<hbm>>
    %dma_wait3A_1070 = arith.constant 0 : i32
    %dma_wait3A_1071 = arith.constant 0 : i32
    %dma_wait3A_1072 = tpu.memref_slice %arg4[%dma_wait3A_1065, %add3A_988, %dma_wait3A_1070, %dma_wait3A_1071] : memref<4x224x224x256xf32, #tpu.memory_space<hbm>> -> memref<1x1x224x256xf32, #tpu.memory_space<hbm>>
    %dma_wait3A_1073 = tpu.memref_squeeze %dma_wait3A_1072 : memref<1x1x224x256xf32, #tpu.memory_space<hbm>> -> memref<224x256xf32, #tpu.memory_space<hbm>>
    tpu.wait_dma2 semaphore(%arg8 : memref<!tpu.dma_semaphore, #tpu.memory_space<semaphore_mem>>) src(%arg6 : memref<224x256xf32, #tpu.memory_space<vmem>>) dst(%dma_wait3A_1073 : memref<224x256xf32, #tpu.memory_space<hbm>>)
    %dma_wait3A_1074 = arith.constant 2 : i32
    %dma_wait3A_1075 = arith.constant 0 : i32
    %dma_wait3A_1076 = arith.constant 0 : i32
    %dma_wait3A_1077 = tpu.memref_slice %arg4[%dma_wait3A_1074, %add3A_999, %dma_wait3A_1075, %dma_wait3A_1076] : memref<4x224x224x256xf32, #tpu.memory_space<hbm>> -> memref<1x1x224x256xf32, #tpu.memory_space<hbm>>
    %dma_wait3A_1078 = tpu.memref_squeeze %dma_wait3A_1077 : memref<1x1x224x256xf32, #tpu.memory_space<hbm>> -> memref<224x256xf32, #tpu.memory_space<hbm>>
    %dma_wait3A_1079 = arith.constant 0 : i32
    %dma_wait3A_1080 = arith.constant 0 : i32
    %dma_wait3A_1081 = tpu.memref_slice %arg4[%dma_wait3A_1074, %add3A_999, %dma_wait3A_1079, %dma_wait3A_1080] : memref<4x224x224x256xf32, #tpu.memory_space<hbm>> -> memref<1x1x224x256xf32, #tpu.memory_space<hbm>>
    %dma_wait3A_1082 = tpu.memref_squeeze %dma_wait3A_1081 : memref<1x1x224x256xf32, #tpu.memory_space<hbm>> -> memref<224x256xf32, #tpu.memory_space<hbm>>
    tpu.wait_dma2 semaphore(%arg8 : memref<!tpu.dma_semaphore, #tpu.memory_space<semaphore_mem>>) src(%arg6 : memref<224x256xf32, #tpu.memory_space<vmem>>) dst(%dma_wait3A_1082 : memref<224x256xf32, #tpu.memory_space<hbm>>)
    %dma_wait3A_1083 = arith.constant 3 : i32
    %dma_wait3A_1084 = arith.constant 0 : i32
    %dma_wait3A_1085 = arith.constant 0 : i32
    %dma_wait3A_1086 = tpu.memref_slice %arg4[%dma_wait3A_1083, %add3A_1010, %dma_wait3A_1084, %dma_wait3A_1085] : memref<4x224x224x256xf32, #tpu.memory_space<hbm>> -> memref<1x1x224x256xf32, #tpu.memory_space<hbm>>
    %dma_wait3A_1087 = tpu.memref_squeeze %dma_wait3A_1086 : memref<1x1x224x256xf32, #tpu.memory_space<hbm>> -> memref<224x256xf32, #tpu.memory_space<hbm>>
    %dma_wait3A_1088 = arith.constant 0 : i32
    %dma_wait3A_1089 = arith.constant 0 : i32
    %dma_wait3A_1090 = tpu.memref_slice %arg4[%dma_wait3A_1083, %add3A_1010, %dma_wait3A_1088, %dma_wait3A_1089] : memref<4x224x224x256xf32, #tpu.memory_space<hbm>> -> memref<1x1x224x256xf32, #tpu.memory_space<hbm>>
    %dma_wait3A_1091 = tpu.memref_squeeze %dma_wait3A_1090 : memref<1x1x224x256xf32, #tpu.memory_space<hbm>> -> memref<224x256xf32, #tpu.memory_space<hbm>>
    tpu.wait_dma2 semaphore(%arg8 : memref<!tpu.dma_semaphore, #tpu.memory_space<semaphore_mem>>) src(%arg6 : memref<224x256xf32, #tpu.memory_space<vmem>>) dst(%dma_wait3A_1091 : memref<224x256xf32, #tpu.memory_space<hbm>>)
    return
  }
}

</mosaic_0001>

<sc_bundles>
// kernel: kernel.3.cloned.1.call-start
scs
__scs_entry_jumppad:
0x0: {  	(pc) =	sbr.rel $0x88, $3  }
0x1: {  	(tag) =	ssettag $0x0;
	lr =	simm.s32 $0x1  }
0x2: {  	[smem:$0x3F9F] =	sst lr;
	_ =	strace $0xD0000000  }
0x3: {  	_ = 	snop  }
0x4: {  	_ = 	snop  }
0x5: {  	_ = 	snop  }
0x6: {  	_ = 	snop  }
0x7: {  	_ = 	snop  }
__scs_overlays_trampoline_lowered:
0x8: {  	[smem:$0x3FAE] =	sst s0  }
0x9: {  	[smem:$0x3FAF] =	sst s1  }
0xa: {  	[smem:$0x3FB0] =	sst s2  }
0xb: {  	[smem:$0x3FB1] =	sst s3  }
0xc: {  	[smem:$0x3FB2] =	sst s4  }
0xd: {  	[smem:$0x3FB3] =	sst s5  }
0xe: {  	[smem:$0x3FB4] =	sst s6  }
0xf: {  	[smem:$0x3FB5] =	sst s7  }
0x10: {  	[smem:$0x3FB6] =	sst s8  }
0x11: {  	[smem:$0x3FB7] =	sst s9;
	s0 =	simm.s32 @!p0 $0x0  }
0x12: {  	s1 =	sld [smem:$0x3F9D];
	s0 =	simm.s32 @p0 $0x1  }
0x13: {  	[smem:$0x3FB8] =	sst s0;
	s0 =	simm.s32 @!p1 $0x0  }
0x14: {  	s2 =	sld [smem:$0x3F9C];
	s0 =	simm.s32 @p1 $0x1  }
0x15: {  	[smem:$0x3FB9] =	sst s0;
	s0 =	simm.s32 @!p2 $0x0  }
0x16: {  	s3 =	sld [smem:$0x3FDB];
	s0 =	simm.s32 @p2 $0x1  }
0x17: {  	s4 =	simm.s32 $0x1BF5;
	[smem:$0x3FBB] =	sst s0  }
0x18: {  	s0 =	sld [smem:$0x3F9E];
	_ =	swait.ge [sflag:s4], $0x0  }
0x19: {  	s7 =	sld [smem:$0x3F9F]  }
0x1a: {  	s8 =	sadd.s32 $0xFFFFE003, lr  }
0x1b: {  	s9 =	sadd.s32 $0xFFFFFEF7, lr;
	s5 =	simm.s32 $0xFFFFFFFF;
	p2 =	slt.u32 s8, $0xFFFFF086  }
0x1c: {  	p1 =	slt.u32 s9, $0xF7A;
	s5 =	simm.s32 @!p2 $0x0  }
0x1d: {  	s5 =	simm.s32 @p1 $0x1;
	p0 =	seq.s32 s7, s2  }
0x1e: {  	s7 =	smul.u32 @!p0 $0xF7A, s2;
	p2 =	seq.s32 @!p0 s5, $0x0  }
0x1f: {  	s9 =	smul.u32 $0xF7A, s1;
	s8 =	simm.s32 @!p0 $0x1BF5;
	p2 =	por !p2, p0  }
0x20: {  	[sflag:s8] =	ssyncset.s32 @!p0 $0xFFFFF086;
	s6 =	sadd.s32 @!p0 s3, s7;
	s7 =	simm.s32 @!p0 $0x108  }
0x21: {  	s3 =	sadd.s32 s3, s9;
	s6 =	sadd.s32 @!p0 $0x88, s6;
	s7 =	simm.s32 @p2 $0x1082  }
0x22: {  	[simem:s7], [sflag:s8] =	dma.local @!p0 [hbm:s6], $0xF7A  }
0x23: {  	s9 =	sor.u32 $0xD0000000, s2;
	s6 =	simm.s32 $0x108;
	_ =	swait.ge @!p0 [sflag:s8], $0x0  }
0x24: {  	s3 =	sadd.s32 $0x88, s3;
	s6 =	simm.s32 @!p1 $0x1082;
	[sflag:s4] =	ssyncset.s32 $0xFFFFF086  }
0x25: {  	[simem:s6], [sflag:s4] =	dma.local [hbm:s3], $0xF7A  }
0x26: {  	[smem:$0x3F9F] =	sst s1;
	(tag) =	ssettag s2;
	_ =	strace s9  }
0x27: {  	s1 =	sld [smem:$0x3FAF]  }
0x28: {  	s2 =	sld [smem:$0x3FB0]  }
0x29: {  	s4 =	sld [smem:$0x3FB2]  }
0x2a: {  	p0 =	seq.s32 s5, $0x0;
	s5 =	sld [smem:$0x3FB3]  }
0x2b: {  	s6 =	sld [smem:$0x3FB4]  }
0x2c: {  	s7 =	sld [smem:$0x3FB5]  }
0x2d: {  	s3 =	simm.s32 $0x108;
	s8 =	sld [smem:$0x3FB6]  }
0x2e: {  	s3 =	simm.s32 @!p0 $0x1082;
	s9 =	sld [smem:$0x3FB7]  }
0x2f: {  	lr =	sadd.s32 s0, s3;
	s0 =	sld [smem:$0x3FAE]  }
0x30: {  	s3 =	sld [smem:$0x3FB1]  }
0x31: {  	[smem:$0x3FBA] =	sst s10  }
0x32: {  	s10 =	sld [smem:$0x3FB8];
	_ =	sdelay $0x3  }
0x33: {  	p0 =	seq.s32 s10, $0x1;
	s10 =	sld [smem:$0x3FBA];
	_ =	sdelay $0x3  }
0x34: {  	[smem:$0x3FBA] =	sst s10  }
0x35: {  	s10 =	sld [smem:$0x3FB9];
	_ =	sdelay $0x3  }
0x36: {  	p1 =	seq.s32 s10, $0x1;
	s10 =	sld [smem:$0x3FBA];
	_ =	sdelay $0x3  }
0x37: {  	[smem:$0x3FBA] =	sst s10  }
0x38: {  	s10 =	sld [smem:$0x3FBB]  }
0x39: {  	_ = 	snop;
	(pc) =	sbr.ind lr, $3  }
0x3a: {  	_ = 	snop  }
0x3b: {  	_ = 	snop  }
0x3c: {  	p2 =	seq.s32 s10, $0x1;
	s10 =	sld [smem:$0x3FBA]  }
0x3d: {  	_ =	shalt  }
0x3e: {  	_ =	shalt  }
0x3f: {  	_ =	shalt  }
0x40: {  	_ =	shalt  }
0x41: {  	_ =	shalt  }
0x42: {  	_ =	shalt  }
0x43: {  	_ =	shalt  }
0x44: {  	_ =	shalt  }
0x45: {  	_ =	shalt  }
0x46: {  	_ =	shalt  }
0x47: {  	_ =	shalt  }
0x48: {  	_ =	shalt  }
0x49: {  	_ =	shalt  }
0x4a: {  	_ =	shalt  }
0x4b: {  	_ =	shalt  }
0x4c: {  	_ =	shalt  }
0x4d: {  	_ =	shalt  }
0x4e: {  	_ =	shalt  }
0x4f: {  	_ =	shalt  }
0x50: {  	_ =	shalt  }
0x51: {  	_ =	shalt  }
0x52: {  	_ =	shalt  }
0x53: {  	_ =	shalt  }
0x54: {  	_ =	shalt  }
0x55: {  	_ =	shalt  }
0x56: {  	_ =	shalt  }
0x57: {  	_ =	shalt  }
0x58: {  	_ =	shalt  }
0x59: {  	_ =	shalt  }
0x5a: {  	_ =	shalt  }
0x5b: {  	_ =	shalt  }
0x5c: {  	_ =	shalt  }
0x5d: {  	_ =	shalt  }
0x5e: {  	_ =	shalt  }
0x5f: {  	_ =	shalt  }
0x60: {  	_ =	shalt  }
0x61: {  	_ =	shalt  }
0x62: {  	_ =	shalt  }
0x63: {  	_ =	shalt  }
0x64: {  	_ =	shalt  }
0x65: {  	_ =	shalt  }
0x66: {  	_ =	shalt  }
0x67: {  	_ =	shalt  }
0x68: {  	_ =	shalt  }
0x69: {  	_ =	shalt  }
0x6a: {  	_ =	shalt  }
0x6b: {  	_ =	shalt  }
0x6c: {  	_ =	shalt  }
0x6d: {  	_ =	shalt  }
0x6e: {  	_ =	shalt  }
0x6f: {  	_ =	shalt  }
0x70: {  	_ =	shalt  }
0x71: {  	_ =	shalt  }
0x72: {  	_ =	shalt  }
0x73: {  	_ =	shalt  }
0x74: {  	_ =	shalt  }
0x75: {  	_ =	shalt  }
0x76: {  	_ =	shalt  }
0x77: {  	_ =	shalt  }
0x78: {  	_ =	shalt  }
0x79: {  	_ =	shalt  }
0x7a: {  	_ =	shalt  }
0x7b: {  	_ =	shalt  }
0x7c: {  	_ =	shalt  }
0x7d: {  	_ =	shalt  }
0x7e: {  	_ =	shalt  }
0x7f: {  	_ =	shalt  }
0x80: {  	_ =	shalt  }
0x81: {  	_ =	shalt  }
0x82: {  	_ =	shalt  }
0x83: {  	_ =	shalt  }
0x84: {  	_ =	shalt  }
0x85: {  	_ =	shalt  }
0x86: {  	_ =	shalt  }
0x87: {  	_ =	shalt  }
.Lfunc_end0:
.L_simem_size_0:
called_computation_lowered:
.L_overlay_start_0:
0x88: {  	s2 =	sld [smem:$0x3FD9]  }
0x89: {  	s3 =	sld [smem:$0x3FFE];
	_ =	sdelay $0x1  }
0x8a: {  	s1 =	srdreg.scid  }
0x8b: {  	s0 =	sand.u32 $0x1, s1  }
0x8c: {  	s18 =	sshll.u32 s0, $0xA;
	s2 =	sadd.s32 s3, s2  }
0x8d: {  	s2 =	sadd.s32 s2, s18  }
0x8e: {  	[smem:$0x3FC6] =	sst s2  }
0x8f: {  	_ = 	snop  }
0x90: {  	s2 =	sld [smem:$0x3FC9]  }
0x91: {  	s19 =	sld [smem:$0x3FC8]  }
0x92: {  	s4 =	sld [smem:$0x3FD0];
	(tm) =	ssettm $0x1  }
0x93: {  	s5 =	sld [smem:$0x3FFB];
	_ =	sdelay $0x3  }
0x94: {  	_ =	strace s5  }
0x95: {  	s5 =	sld [smem:$0x3FFC];
	_ =	sdelay $0x3  }
0x96: {  	_ =	strace s5  }
0x97: {  	s5 =	sld [smem:$0x3FFD];
	_ =	sdelay $0x3  }
0x98: {  	_ =	strace s5  }
0x99: {  	_ =	strace $0x8FFFFFFF  }
0x9a: {  	s20 =	sld [smem:$0x3FDB];
	_ =	sdelay $0x1  }
0x9b: {  	s6 =	simm.s32 $_scs_section_size  }
0x9c: {  	s7 =	simm.s32 $_size__tile_overlayer_lowered;
	s8 =	simm.s32 $_tile_overlayer_lowered  }
0x9d: {  	s23 =	simm.s32 $0x1BFF;
	s22 =	sshll.u32 s8, $0x1;
	s5 =	sadd.s32 s6, s20  }
0x9e: {  	s9 =	simm.s32 $0x0;
	s21 =	sshll.u32 s7, $0x1;
	s7 =	sadd.s32 s22, s5  }
0x9f: {  	[timem:s9], [sflag:s23] =	dma.local [hbm:s7], s21  }
0xa0: {  	_ =	swait.ge [sflag:s23], s21  }
0xa1: {  	s6 =	ssub.s32 $0x0, s21;
	[sflag:s23] =	ssyncset.done $0x0  }
0xa2: {  	[sflag:s23] =	ssyncadd.s32 s6;
	_ =	sdelay $0x1  }
0xa3: {  	s24 =	simm.s32 $0x1B8B  }
0xa4: {  	_ =	swait.ge [sflag:s24], $0x1  }
0xa5: {  	[sflag:s24] =	ssyncset.done $0x0  }
0xa6: {  	s25 =	simm.s32 $0x1B8E;
	[sflag:s24] =	ssyncadd.s32 $0xFFFFFFFF  }
0xa7: {  	s26 =	simm.s32 $execute0_lowered;
	[smem:$0x3FD2] =	sst s25  }
0xa8: {  	s6 =	sshll.u32 s26, $0x1;
	_ =	strace $0x80000046;
	[dreg:$0x1] =	wrdreg $0xFFFFFFFF  }
0xa9: {  	s28 =	simm.s32 $_size_execute0_lowered;
	s5 =	sadd.s32 s5, s6;
	[dreg:$0x0] =	wrdreg $0x0  }
0xaa: {  	s6 =	sshll.u32 s28, $0x1;
	[dreg:$0x2] =	wrdreg s5  }
0xab: {  	[dreg:$0x3] =	wrdreg s6  }
0xac: {  	[dreg:$0x4] =	wrdreg $0xC0  }
0xad: {  	_ =	task [dreg:s9], $0x5FFFF  }
0xae: {  	[dreg:$0x1] =	wrdreg $0xFFFFFFFF  }
0xaf: {  	[dreg:$0x0] =	wrdreg $0x60  }
0xb0: {  	[dreg:$0x2] =	wrdreg s19  }
0xb1: {  	[dreg:$0x3] =	wrdreg s2  }
0xb2: {  	[dreg:$0x4] =	wrdreg s4  }
0xb3: {  	[dreg:$0x5] =	wrdreg $0x9  }
0xb4: {  	_ =	task.clear_ibuf [dreg:s9], $0x6FFFF;
	_ =	strace $0x90000046  }
0xb5: {  	s29 =	simm.s32 $0x9;
	_ =	strace $0x80000048  }
0xb6: {  	_ =	swait.ge [sflag:s29], $0x1  }
0xb7: {  	[sflag:s29] =	ssyncadd.s32 $0xFFFFFFFF  }
0xb8: {  	_ =	strace $0x90000048  }
0xb9: {  	_ =	sfence  }
0xba: {  	s30 =	sld [smem:$0x0];
	_ =	sdelay $0x2  }
0xbb: {  	s31 =	sshll.u32 s1, $0xD;
	s1 =	sshrl.u32 s1, $0x2  }
0xbc: {  	s3 =	sand.u32 $0x4000, s31;
	s1 =	sadd.s32 s1, s30  }
0xbd: {  	s0 =	sor.u32 s3, s0;
	s1 =	sshll.u32 s1, $0x11  }
0xbe: {  	s0 =	sor.u32 s1, s0  }
0xbf: {  	s0 =	sadd.s32 $0x8F2B, s0  }
0xc0: {  	[sflag:s0] =	ssyncadd.remote.s32 $0x1  }
0xc1: {  	_ =	sfence.sel $0xFFFF  }
0xc2: {  	[dreg:$0x0] =	wrdreg $0xFFFFFFFF;
	(pc) =	sbr.abs _section_cstart, $3  }
0xc3: {  	[dreg:$0x1] =	wrdreg $0xFFFFFFFF  }
0xc4: {  	_ =	task.clear_ibuf [dreg:s9], $0x2FFFF;
	_ =	strace $0x9FFFFFFF  }
0xc5: {  	(tm) =	ssettm $0x7FFFFFFF  }
tec
execute0_lowered:
.L_overlay_start_1:
0x0: {  	(tag) =	ssettag $0x1  }
0x1: {  	s0 =	srdreg.scid;
	s3 =	stileid.u32  }
0x2: {  	s1 =	rddreg [dreg:$0x0];
	s0 =	sand.u32 $0x1, s0;
	s3 =	sshll.u32 s3, $0x1  }
0x3: {  	s2 =	rddreg [dreg:$0x1];
	s5 =	sor.u32 s0, s3  }
0x4: {  	s4 =	rddreg [dreg:$0x2];
	s6 =	smul.u32 $0x7, s5  }
0x5: {  	s9 =	simm.s32 $0x2;
	s10 =	simm.s32 $0x800;
	s5 =	smul.u32 $0x62000, s5  }
0x6: {  	s11 =	simm.s32 $0xE800;
	s12 =	simm.s32 $0x0;
	s3 =	simm.s32 $0x0  }
0x7: {  	s0 =	ssub.s32 $0x2, s0;
	[smem:$0x7FF] =	sst s3;
	s5 =	sshrl.u32 s5, $0x3  }
0x8: {  	s8 =	sshrl.u32 s0, $0x1;
	_ =	strace $0x80000047;
	s4 =	sadd.s32 s4, s5  }
0x9: {  	s0 =	ssub.s32 s0, s8;
	s8 =	simm.s32 $0x1;
	s5 =	sadd.s32 $0x188000, s4  }
0xa: {  	s7 =	sand.u32 $0xF8, s6;
	s16 =	sadd.s32 $0x310000, s4;
	[dreg:$0x4] =	wrdreg s5  }
0xb: {  	s30 =	smax.u32 s0, $0x1;
	s17 =	sadd.s32 $0x498000, s4;
	[dreg:$0x5] =	wrdreg s16  }
0xc: {  	s7 =	smin.u32 s7, $0xD0;
	s18 =	sadd.s32 $0x1C00, s4;
	[dreg:$0x6] =	wrdreg s17  }
0xd: {  	s6 =	ssub.s32 s6, s7;
	s19 =	sadd.s32 $0x189C00, s4;
	[dreg:$0x7] =	wrdreg s18  }
0xe: {  	s7 =	sshll.u32 s7, $0x4;
	s20 =	sadd.s32 $0x311C00, s4;
	[dreg:$0x8] =	wrdreg s19  }
0xf: {  	s21 =	sadd.s32 $0x499C00, s4;
	s22 =	sadd.s32 $0x18B800, s4;
	[dreg:$0x9] =	wrdreg s20  }
0x10: {  	s23 =	sadd.s32 $0x3800, s4;
	s24 =	sadd.s32 $0x313800, s4;
	[dreg:$0xb] =	wrdreg s21  }
0x11: {  	s25 =	sadd.s32 $0x49B800, s4;
	s26 =	sadd.s32 $0x18D400, s4;
	[dreg:$0xc] =	wrdreg s22  }
0x12: {  	s28 =	sadd.s32 $0x190C00, s4;
	s29 =	sadd.s32 $0x318C00, s4;
	[dreg:$0xd] =	wrdreg s23  }
0x13: {  	s31 =	sadd.s32 $0x4A0C00, s4;
	s0 =	sadd.s32 $0xA800, s4;
	[dreg:$0xe] =	wrdreg s24  }
0x14: {  	s6 =	sshll.u32 s6, $0x9;
	s2 =	sadd.s32 s2, s7;
	[dreg:$0xf] =	wrdreg s25  }
0x15: {  	[dreg:$0x10] =	wrdreg s26;
	s19 =	sadd.s32 $0x315400, s4;
	s20 =	sadd.s32 $0x5400, s4  }
0x16: {  	s21 =	sadd.s32 $0x49D400, s4;
	s22 =	sadd.s32 $0x7000, s4;
	s23 =	sadd.s32 $0x18F000, s4  }
0x17: {  	s24 =	sadd.s32 $0x317000, s4;
	s25 =	sadd.s32 $0x49F000, s4;
	s26 =	sadd.s32 $0x8C00, s4  }
0x18: {  	s5 =	sadd.s32 $0x31A800, s4;
	s7 =	simm.s32 $0x3;
	[dreg:$0xa] =	wrdreg s2  }
0x19: {  	s17 =	sshra.s32 s6, $0x2;
	s2 =	sadd.s32 $0x192800, s4;
	s6 =	sadd.s32 $0x4A2800, s4  }
.LBB2_1:
0x1a: {  	s13 =	rddreg [dreg:$0xa]  }
0x1b: {  	[tilespmem:s3], [sflag:$0x3] =	stream.linear.gather [hbm4b:s13+s3], $0x800, $0x38;
	[tilespmem:$0x1C800] =	vst v63  }
0x1c: {  	s14 =	simm.s32 $0x0;
	s13 =	simm.s32 $0x800  }
.LBB2_2:
0x1d: {  	p0 =	sne.s32 s14, $0xD80  }
.Ltmp0:
0x1e: {  	_ = 	snop;
	(pc) =	sbr.rel @p0 .LBB2_2-.Ltmp0, $4  }
0x1f: {  	_ = 	snop  }
0x20: {  	s15 =	sadd.s32 s14, s1;
	s16 =	simm.s32 $0x0  }
0x21: {  	[tilespmem:s13], [sflag:$0x1] =	stream.linear.gather [hbm4b:s15+s16], $0x400, $0x38;
	[tilespmem:$0x1C800] =	vst v63  }
0x22: {  	s14 =	sadd.s32 $0x80, s14;
	s13 =	sadd.s32 $0x800, s13  }
0x23: {  	s13 =	simm.s32 $0xE800  }
0x24: {  	s14 =	simm.s32 $0x80;
	s16 =	sadd.s32 $0x0, s1;
	s15 =	simm.s32 $0xF000  }
.LBB2_4:
0x25: {  	[tilespmem:s13], [sflag:$0x2] =	stream.linear.gather [hbm4b:s16+s3], $0x400, $0x38;
	[tilespmem:$0x1C800] =	vst v63  }
0x26: {  	s16 =	smov.u32 s14;
	s13 =	smov.u32 s15;
	p0 =	sne.s32 s14, $0xD80  }
.Ltmp1:
0x27: {  	s14 =	sadd.s32 $0x80, s14;
	(pc) =	sbr.rel @p0 .LBB2_4-.Ltmp1, $2  }
0x28: {  	_ =	sdelay $0x2  }
0x29: {  	s15 =	sadd.s32 $0x800, s15;
	s16 =	sadd.s32 s16, s1  }
0x2a: {  	[tilespmem:s13], [sflag:$0x2] =	stream.linear.gather [hbm4b:s16+s3], $0x400, $0x38;
	[tilespmem:$0x1C800] =	vst v63  }
0x2b: {  	_ =	swait.ge [sflag:s7], $0x800  }
0x2c: {  	[sflag:s7] =	ssyncset.done $0x0  }
0x2d: {  	[sflag:s7] =	ssyncadd.s32 $0xFFFFF800  }
0x2e: {  	_ =	swait.ge [sflag:s8], $0x7000  }
0x2f: {  	[sflag:s8] =	ssyncset.done $0x0  }
0x30: {  	[sflag:s8] =	ssyncadd.s32 $0xFFFF9000  }
0x31: {  	_ =	swait.ge [sflag:s9], $0x7000  }
0x32: {  	[sflag:s9] =	ssyncset.done $0x0  }
0x33: {  	[sflag:s9] =	ssyncadd.s32 $0xFFFF9000  }
0x34: {  	v0 =	vld [tilespmem:s17+$0x0]  }
0x35: {  	v1 =	vld [tilespmem:s17+$0x10]  }
0x36: {  	v7 =	vld [tilespmem:s17+$0x70]  }
0x37: {  	v2 =	vld [tilespmem:s17+$0x20]  }
0x38: {  	s18 =	simm.s32 $0x0;
	v3 =	vld [tilespmem:s17+$0x30]  }
0x39: {  	s14 =	sand.u32 $0xF800, s18;
	s13 =	sand.u32 $0x380, s18;
	v4 =	vld [tilespmem:s17+$0x40]  }
0x3a: {  	s13 =	sor.u32 s13, s14;
	v5 =	vld [tilespmem:s17+$0x50]  }
0x3b: {  	v6 =	vld [tilespmem:s17+$0x60];
	[tilespmem:s13+$0xC70] =	vst v7  }
0x3c: {  	[tilespmem:s13+$0xC00] =	vst v0  }
0x3d: {  	[tilespmem:s13+$0xC10] =	vst v1  }
0x3e: {  	[tilespmem:s13+$0xC20] =	vst v2  }
0x3f: {  	[tilespmem:s13+$0xC30] =	vst v3  }
0x40: {  	s15 =	simm.s32 $0x100;
	s14 =	simm.s32 $0x80;
	[tilespmem:s13+$0xC40] =	vst v4  }
0x41: {  	s16 =	sand.u32 $0xF800, s15;
	s15 =	simm.s32 $0x200;
	s18 =	sand.u32 $0x380, s14;
	[tilespmem:s13+$0xC50] =	vst v5  }
.LBB2_6:
0x42: {  	p0 =	sne.s32 s15, $0xDF00;
	[tilespmem:s13+$0xC60] =	vst v6;
	s13 =	sor.u32 s18, s16  }
0x43: {  	[tilespmem:s13+$0xC70] =	vst v7  }
0x44: {  	[tilespmem:s13+$0xC00] =	vst v0  }
.Ltmp2:
0x45: {  	[tilespmem:s13+$0xC10] =	vst v1;
	(pc) =	sbr.rel @p0 .LBB2_6-.Ltmp2, $4  }
0x46: {  	[tilespmem:s13+$0xC20] =	vst v2  }
0x47: {  	[tilespmem:s13+$0xC30] =	vst v3  }
0x48: {  	s14 =	sadd.s32 $0x80, s14;
	[tilespmem:s13+$0xC40] =	vst v4  }
0x49: {  	s16 =	sand.u32 $0xF800, s15;
	s15 =	sadd.s32 $0x100, s15;
	s18 =	sand.u32 $0x380, s14;
	[tilespmem:s13+$0xC50] =	vst v5  }
0x4a: {  	s14 =	sor.u32 s18, s16;
	[tilespmem:s13+$0xC60] =	vst v6  }
0x4b: {  	[tilespmem:s14+$0xC70] =	vst v7  }
0x4c: {  	[tilespmem:s14+$0xC00] =	vst v0  }
0x4d: {  	[tilespmem:s14+$0xC10] =	vst v1  }
0x4e: {  	[tilespmem:s14+$0xC20] =	vst v2  }
0x4f: {  	[tilespmem:s14+$0xC30] =	vst v3  }
0x50: {  	[tilespmem:s14+$0xC40] =	vst v4  }
0x51: {  	[tilespmem:s14+$0xC50] =	vst v5  }
0x52: {  	s13 =	simm.s32 $0x0;
	[tilespmem:s14+$0xC60] =	vst v6  }
0x53: {  	[hbm4b:s4+s13] =	stream.linear.scatter [tilespmem:s10], [sflag:$0x1], $0xE000, $0x38;
	[tilespmem:$0x1C800] =	vst v63  }
0x54: {  	s18 =	rddreg [dreg:$0x4]  }
0x55: {  	[hbm4b:s18+s13] =	stream.linear.scatter [tilespmem:s10], [sflag:$0x1], $0xE000, $0x38;
	[tilespmem:$0x1C800] =	vst v63  }
0x56: {  	s15 =	rddreg [dreg:$0x5]  }
0x57: {  	[hbm4b:s15+s13] =	stream.linear.scatter [tilespmem:s10], [sflag:$0x1], $0xE000, $0x38;
	[tilespmem:$0x1C800] =	vst v63  }
0x58: {  	s16 =	rddreg [dreg:$0x6]  }
0x59: {  	[hbm4b:s16+s13] =	stream.linear.scatter [tilespmem:s10], [sflag:$0x1], $0xE000, $0x38;
	[tilespmem:$0x1C800] =	vst v63  }
0x5a: {  	v0 =	vld [tilespmem:s17+$0x80]  }
0x5b: {  	v1 =	vld [tilespmem:s17+$0x90]  }
0x5c: {  	v7 =	vld [tilespmem:s17+$0xF0]  }
0x5d: {  	v2 =	vld [tilespmem:s17+$0xA0]  }
0x5e: {  	v3 =	vld [tilespmem:s17+$0xB0]  }
0x5f: {  	s18 =	sand.u32 $0xF800, s13;
	s13 =	sand.u32 $0x380, s13;
	v4 =	vld [tilespmem:s17+$0xC0]  }
0x60: {  	v5 =	vld [tilespmem:s17+$0xD0];
	s13 =	sor.u32 s13, s18  }
0x61: {  	v6 =	vld [tilespmem:s17+$0xE0];
	[tilespmem:s13+$0xEC70] =	vst v7  }
0x62: {  	[tilespmem:s13+$0xEC00] =	vst v0  }
0x63: {  	[tilespmem:s13+$0xEC10] =	vst v1  }
0x64: {  	[tilespmem:s13+$0xEC20] =	vst v2  }
0x65: {  	[tilespmem:s13+$0xEC30] =	vst v3  }
0x66: {  	s14 =	simm.s32 $0x80;
	s15 =	simm.s32 $0x100;
	[tilespmem:s13+$0xEC40] =	vst v4  }
0x67: {  	s16 =	sand.u32 $0xF800, s15;
	s15 =	simm.s32 $0x200;
	s18 =	sand.u32 $0x380, s14;
	[tilespmem:s13+$0xEC50] =	vst v5  }
.LBB2_8:
0x68: {  	p0 =	sne.s32 s15, $0xDF00;
	[tilespmem:s13+$0xEC60] =	vst v6;
	s13 =	sor.u32 s18, s16  }
0x69: {  	[tilespmem:s13+$0xEC70] =	vst v7  }
0x6a: {  	[tilespmem:s13+$0xEC00] =	vst v0  }
.Ltmp3:
0x6b: {  	[tilespmem:s13+$0xEC10] =	vst v1;
	(pc) =	sbr.rel @p0 .LBB2_8-.Ltmp3, $4  }
0x6c: {  	[tilespmem:s13+$0xEC20] =	vst v2  }
0x6d: {  	[tilespmem:s13+$0xEC30] =	vst v3  }
0x6e: {  	s14 =	sadd.s32 $0x80, s14;
	[tilespmem:s13+$0xEC40] =	vst v4  }
0x6f: {  	s16 =	sand.u32 $0xF800, s15;
	s15 =	sadd.s32 $0x100, s15;
	s18 =	sand.u32 $0x380, s14;
	[tilespmem:s13+$0xEC50] =	vst v5  }
0x70: {  	s14 =	sor.u32 s18, s16;
	[tilespmem:s13+$0xEC60] =	vst v6  }
0x71: {  	[tilespmem:s14+$0xEC70] =	vst v7  }
0x72: {  	[tilespmem:s14+$0xEC00] =	vst v0  }
0x73: {  	[tilespmem:s14+$0xEC10] =	vst v1  }
0x74: {  	[tilespmem:s14+$0xEC20] =	vst v2  }
0x75: {  	[tilespmem:s14+$0xEC30] =	vst v3  }
0x76: {  	[tilespmem:s14+$0xEC40] =	vst v4  }
0x77: {  	[tilespmem:s14+$0xEC50] =	vst v5  }
0x78: {  	s13 =	simm.s32 $0x0;
	s16 =	rddreg [dreg:$0x7];
	[tilespmem:s14+$0xEC60] =	vst v6  }
0x79: {  	[hbm4b:s16+s13] =	stream.linear.scatter [tilespmem:s11], [sflag:$0x2], $0xE000, $0x38;
	[tilespmem:$0x1C800] =	vst v63  }
0x7a: {  	s18 =	rddreg [dreg:$0x8]  }
0x7b: {  	[hbm4b:s18+s13] =	stream.linear.scatter [tilespmem:s11], [sflag:$0x2], $0xE000, $0x38;
	[tilespmem:$0x1C800] =	vst v63  }
0x7c: {  	s15 =	rddreg [dreg:$0x9]  }
0x7d: {  	[hbm4b:s15+s13] =	stream.linear.scatter [tilespmem:s11], [sflag:$0x2], $0xE000, $0x38;
	[tilespmem:$0x1C800] =	vst v63  }
0x7e: {  	s16 =	rddreg [dreg:$0xb]  }
0x7f: {  	[hbm4b:s16+s13] =	stream.linear.scatter [tilespmem:s11], [sflag:$0x2], $0xE000, $0x38;
	[tilespmem:$0x1C800] =	vst v63  }
0x80: {  	_ =	swait.ge [sflag:s8], $0xE000  }
0x81: {  	[sflag:s8] =	ssyncset.done $0x0  }
0x82: {  	[sflag:s8] =	ssyncadd.s32 $0xFFFF2000  }
0x83: {  	_ =	swait.ge [sflag:s8], $0xE000  }
0x84: {  	[sflag:s8] =	ssyncset.done $0x0  }
0x85: {  	[sflag:s8] =	ssyncadd.s32 $0xFFFF2000  }
0x86: {  	_ =	swait.ge [sflag:s8], $0xE000  }
0x87: {  	[sflag:s8] =	ssyncset.done $0x0  }
0x88: {  	[sflag:s8] =	ssyncadd.s32 $0xFFFF2000  }
0x89: {  	_ =	swait.ge [sflag:s8], $0xE000  }
0x8a: {  	[sflag:s8] =	ssyncset.done $0x0  }
0x8b: {  	[sflag:s8] =	ssyncadd.s32 $0xFFFF2000  }
0x8c: {  	v0 =	vld [tilespmem:s17+$0x100]  }
0x8d: {  	v1 =	vld [tilespmem:s17+$0x110]  }
0x8e: {  	v7 =	vld [tilespmem:s17+$0x170]  }
0x8f: {  	v2 =	vld [tilespmem:s17+$0x120]  }
0x90: {  	v3 =	vld [tilespmem:s17+$0x130]  }
0x91: {  	s18 =	sand.u32 $0xF800, s13;
	s13 =	sand.u32 $0x380, s13;
	v4 =	vld [tilespmem:s17+$0x140]  }
0x92: {  	s13 =	sor.u32 s13, s18;
	v5 =	vld [tilespmem:s17+$0x150]  }
0x93: {  	v6 =	vld [tilespmem:s17+$0x160];
	[tilespmem:s13+$0xC70] =	vst v7  }
0x94: {  	[tilespmem:s13+$0xC00] =	vst v0  }
0x95: {  	[tilespmem:s13+$0xC10] =	vst v1  }
0x96: {  	[tilespmem:s13+$0xC20] =	vst v2  }
0x97: {  	[tilespmem:s13+$0xC30] =	vst v3  }
0x98: {  	s14 =	simm.s32 $0x80;
	s15 =	simm.s32 $0x100;
	[tilespmem:s13+$0xC40] =	vst v4  }
0x99: {  	s16 =	sand.u32 $0xF800, s15;
	s15 =	simm.s32 $0x200;
	s18 =	sand.u32 $0x380, s14;
	[tilespmem:s13+$0xC50] =	vst v5  }
.LBB2_10:
0x9a: {  	p0 =	sne.s32 s15, $0xDF00;
	[tilespmem:s13+$0xC60] =	vst v6;
	s13 =	sor.u32 s18, s16  }
0x9b: {  	[tilespmem:s13+$0xC70] =	vst v7  }
0x9c: {  	[tilespmem:s13+$0xC00] =	vst v0  }
.Ltmp4:
0x9d: {  	[tilespmem:s13+$0xC10] =	vst v1;
	(pc) =	sbr.rel @p0 .LBB2_10-.Ltmp4, $4  }
0x9e: {  	[tilespmem:s13+$0xC20] =	vst v2  }
0x9f: {  	[tilespmem:s13+$0xC30] =	vst v3  }
0xa0: {  	s14 =	sadd.s32 $0x80, s14;
	[tilespmem:s13+$0xC40] =	vst v4  }
0xa1: {  	s16 =	sand.u32 $0xF800, s15;
	s15 =	sadd.s32 $0x100, s15;
	s18 =	sand.u32 $0x380, s14;
	[tilespmem:s13+$0xC50] =	vst v5  }
0xa2: {  	s14 =	sor.u32 s18, s16;
	[tilespmem:s13+$0xC60] =	vst v6  }
0xa3: {  	[tilespmem:s14+$0xC70] =	vst v7  }
0xa4: {  	[tilespmem:s14+$0xC00] =	vst v0  }
0xa5: {  	[tilespmem:s14+$0xC10] =	vst v1  }
0xa6: {  	[tilespmem:s14+$0xC20] =	vst v2  }
0xa7: {  	[tilespmem:s14+$0xC30] =	vst v3  }
0xa8: {  	[tilespmem:s14+$0xC40] =	vst v4  }
0xa9: {  	[tilespmem:s14+$0xC50] =	vst v5  }
0xaa: {  	s13 =	simm.s32 $0x0;
	s16 =	rddreg [dreg:$0xd];
	[tilespmem:s14+$0xC60] =	vst v6  }
0xab: {  	[hbm4b:s16+s13] =	stream.linear.scatter [tilespmem:s10], [sflag:$0x1], $0xE000, $0x38;
	[tilespmem:$0x1C800] =	vst v63  }
0xac: {  	s18 =	rddreg [dreg:$0xc]  }
0xad: {  	[hbm4b:s18+s13] =	stream.linear.scatter [tilespmem:s10], [sflag:$0x1], $0xE000, $0x38;
	[tilespmem:$0x1C800] =	vst v63  }
0xae: {  	s15 =	rddreg [dreg:$0xe]  }
0xaf: {  	[hbm4b:s15+s13] =	stream.linear.scatter [tilespmem:s10], [sflag:$0x1], $0xE000, $0x38;
	[tilespmem:$0x1C800] =	vst v63  }
0xb0: {  	s16 =	rddreg [dreg:$0xf]  }
0xb1: {  	[hbm4b:s16+s13] =	stream.linear.scatter [tilespmem:s10], [sflag:$0x1], $0xE000, $0x38;
	[tilespmem:$0x1C800] =	vst v63  }
0xb2: {  	_ =	swait.ge [sflag:s9], $0xE000  }
0xb3: {  	[sflag:s9] =	ssyncset.done $0x0  }
0xb4: {  	[sflag:s9] =	ssyncadd.s32 $0xFFFF2000  }
0xb5: {  	_ =	swait.ge [sflag:s9], $0xE000  }
0xb6: {  	[sflag:s9] =	ssyncset.done $0x0  }
0xb7: {  	[sflag:s9] =	ssyncadd.s32 $0xFFFF2000  }
0xb8: {  	_ =	swait.ge [sflag:s9], $0xE000  }
0xb9: {  	[sflag:s9] =	ssyncset.done $0x0  }
0xba: {  	[sflag:s9] =	ssyncadd.s32 $0xFFFF2000  }
0xbb: {  	_ =	swait.ge [sflag:s9], $0xE000  }
0xbc: {  	[sflag:s9] =	ssyncset.done $0x0  }
0xbd: {  	[sflag:s9] =	ssyncadd.s32 $0xFFFF2000  }
0xbe: {  	v0 =	vld [tilespmem:s17+$0x180]  }
0xbf: {  	v1 =	vld [tilespmem:s17+$0x190]  }
0xc0: {  	v7 =	vld [tilespmem:s17+$0x1F0]  }
0xc1: {  	v2 =	vld [tilespmem:s17+$0x1A0]  }
0xc2: {  	v3 =	vld [tilespmem:s17+$0x1B0]  }
0xc3: {  	s18 =	sand.u32 $0xF800, s13;
	s13 =	sand.u32 $0x380, s13;
	v4 =	vld [tilespmem:s17+$0x1C0]  }
0xc4: {  	s13 =	sor.u32 s13, s18;
	v5 =	vld [tilespmem:s17+$0x1D0]  }
0xc5: {  	v6 =	vld [tilespmem:s17+$0x1E0];
	[tilespmem:s13+$0xEC70] =	vst v7  }
0xc6: {  	[tilespmem:s13+$0xEC00] =	vst v0  }
0xc7: {  	[tilespmem:s13+$0xEC10] =	vst v1  }
0xc8: {  	[tilespmem:s13+$0xEC20] =	vst v2  }
0xc9: {  	[tilespmem:s13+$0xEC30] =	vst v3  }
0xca: {  	s14 =	simm.s32 $0x80;
	s15 =	simm.s32 $0x100;
	[tilespmem:s13+$0xEC40] =	vst v4  }
0xcb: {  	s16 =	sand.u32 $0xF800, s15;
	s15 =	simm.s32 $0x200;
	s18 =	sand.u32 $0x380, s14;
	[tilespmem:s13+$0xEC50] =	vst v5  }
.LBB2_12:
0xcc: {  	p0 =	sne.s32 s15, $0xDF00;
	[tilespmem:s13+$0xEC60] =	vst v6;
	s13 =	sor.u32 s18, s16  }
0xcd: {  	[tilespmem:s13+$0xEC70] =	vst v7  }
0xce: {  	[tilespmem:s13+$0xEC00] =	vst v0  }
.Ltmp5:
0xcf: {  	[tilespmem:s13+$0xEC10] =	vst v1;
	(pc) =	sbr.rel @p0 .LBB2_12-.Ltmp5, $4  }
0xd0: {  	[tilespmem:s13+$0xEC20] =	vst v2  }
0xd1: {  	[tilespmem:s13+$0xEC30] =	vst v3  }
0xd2: {  	s14 =	sadd.s32 $0x80, s14;
	[tilespmem:s13+$0xEC40] =	vst v4  }
0xd3: {  	s16 =	sand.u32 $0xF800, s15;
	s15 =	sadd.s32 $0x100, s15;
	s18 =	sand.u32 $0x380, s14;
	[tilespmem:s13+$0xEC50] =	vst v5  }
0xd4: {  	s14 =	sor.u32 s18, s16;
	[tilespmem:s13+$0xEC60] =	vst v6  }
0xd5: {  	[tilespmem:s14+$0xEC70] =	vst v7  }
0xd6: {  	[tilespmem:s14+$0xEC00] =	vst v0  }
0xd7: {  	[tilespmem:s14+$0xEC10] =	vst v1  }
0xd8: {  	[tilespmem:s14+$0xEC20] =	vst v2  }
0xd9: {  	[tilespmem:s14+$0xEC30] =	vst v3  }
0xda: {  	[tilespmem:s14+$0xEC40] =	vst v4  }
0xdb: {  	[tilespmem:s14+$0xEC50] =	vst v5  }
0xdc: {  	s15 =	simm.s32 $0x0;
	[tilespmem:s14+$0xEC60] =	vst v6  }
0xdd: {  	[hbm4b:s20+s15] =	stream.linear.scatter [tilespmem:s11], [sflag:$0x2], $0xE000, $0x38;
	[tilespmem:$0x1C800] =	vst v63  }
0xde: {  	s16 =	rddreg [dreg:$0x10]  }
0xdf: {  	[hbm4b:s16+s15] =	stream.linear.scatter [tilespmem:s11], [sflag:$0x2], $0xE000, $0x38;
	[tilespmem:$0x1C800] =	vst v63  }
0xe0: {  	_ = 	snop  }
0xe1: {  	[hbm4b:s19+s15] =	stream.linear.scatter [tilespmem:s11], [sflag:$0x2], $0xE000, $0x38;
	[tilespmem:$0x1C800] =	vst v63  }
0xe2: {  	_ = 	snop  }
0xe3: {  	[hbm4b:s21+s15] =	stream.linear.scatter [tilespmem:s11], [sflag:$0x2], $0xE000, $0x38;
	[tilespmem:$0x1C800] =	vst v63  }
0xe4: {  	_ =	swait.ge [sflag:s8], $0xE000  }
0xe5: {  	[sflag:s8] =	ssyncset.done $0x0  }
0xe6: {  	[sflag:s8] =	ssyncadd.s32 $0xFFFF2000  }
0xe7: {  	_ =	swait.ge [sflag:s8], $0xE000  }
0xe8: {  	[sflag:s8] =	ssyncset.done $0x0  }
0xe9: {  	[sflag:s8] =	ssyncadd.s32 $0xFFFF2000  }
0xea: {  	_ =	swait.ge [sflag:s8], $0xE000  }
0xeb: {  	[sflag:s8] =	ssyncset.done $0x0  }
0xec: {  	[sflag:s8] =	ssyncadd.s32 $0xFFFF2000  }
0xed: {  	_ =	swait.ge [sflag:s8], $0xE000  }
0xee: {  	[sflag:s8] =	ssyncset.done $0x0  }
0xef: {  	[sflag:s8] =	ssyncadd.s32 $0xFFFF2000  }
0xf0: {  	v0 =	vld [tilespmem:s17+$0x200]  }
0xf1: {  	v1 =	vld [tilespmem:s17+$0x210]  }
0xf2: {  	v7 =	vld [tilespmem:s17+$0x270]  }
0xf3: {  	v2 =	vld [tilespmem:s17+$0x220]  }
0xf4: {  	v3 =	vld [tilespmem:s17+$0x230]  }
0xf5: {  	s18 =	sand.u32 $0xF800, s15;
	s13 =	sand.u32 $0x380, s15;
	v4 =	vld [tilespmem:s17+$0x240]  }
0xf6: {  	s13 =	sor.u32 s13, s18;
	v5 =	vld [tilespmem:s17+$0x250]  }
0xf7: {  	v6 =	vld [tilespmem:s17+$0x260];
	[tilespmem:s13+$0xC70] =	vst v7  }
0xf8: {  	[tilespmem:s13+$0xC00] =	vst v0  }
0xf9: {  	[tilespmem:s13+$0xC10] =	vst v1  }
0xfa: {  	[tilespmem:s13+$0xC20] =	vst v2  }
0xfb: {  	[tilespmem:s13+$0xC30] =	vst v3  }
0xfc: {  	s14 =	simm.s32 $0x80;
	s15 =	simm.s32 $0x100;
	[tilespmem:s13+$0xC40] =	vst v4  }
0xfd: {  	s18 =	sand.u32 $0x380, s14;
	s16 =	sand.u32 $0xF800, s15;
	s15 =	simm.s32 $0x200;
	[tilespmem:s13+$0xC50] =	vst v5  }
.LBB2_14:
0xfe: {  	p0 =	sne.s32 s15, $0xDF00;
	[tilespmem:s13+$0xC60] =	vst v6;
	s13 =	sor.u32 s18, s16  }
0xff: {  	[tilespmem:s13+$0xC70] =	vst v7  }
0x100: {  	[tilespmem:s13+$0xC00] =	vst v0  }
.Ltmp6:
0x101: {  	[tilespmem:s13+$0xC10] =	vst v1;
	(pc) =	sbr.rel @p0 .LBB2_14-.Ltmp6, $4  }
0x102: {  	[tilespmem:s13+$0xC20] =	vst v2  }
0x103: {  	[tilespmem:s13+$0xC30] =	vst v3  }
0x104: {  	s14 =	sadd.s32 $0x80, s14;
	[tilespmem:s13+$0xC40] =	vst v4  }
0x105: {  	s16 =	sand.u32 $0xF800, s15;
	s15 =	sadd.s32 $0x100, s15;
	s18 =	sand.u32 $0x380, s14;
	[tilespmem:s13+$0xC50] =	vst v5  }
0x106: {  	s14 =	sor.u32 s18, s16;
	[tilespmem:s13+$0xC60] =	vst v6  }
0x107: {  	[tilespmem:s14+$0xC70] =	vst v7  }
0x108: {  	[tilespmem:s14+$0xC00] =	vst v0  }
0x109: {  	[tilespmem:s14+$0xC10] =	vst v1  }
0x10a: {  	[tilespmem:s14+$0xC20] =	vst v2  }
0x10b: {  	[tilespmem:s14+$0xC30] =	vst v3  }
0x10c: {  	[tilespmem:s14+$0xC40] =	vst v4  }
0x10d: {  	[tilespmem:s14+$0xC50] =	vst v5  }
0x10e: {  	s16 =	simm.s32 $0x0;
	[tilespmem:s14+$0xC60] =	vst v6  }
0x10f: {  	[hbm4b:s22+s16] =	stream.linear.scatter [tilespmem:s10], [sflag:$0x1], $0xE000, $0x38;
	[tilespmem:$0x1C800] =	vst v63  }
0x110: {  	_ = 	snop  }
0x111: {  	[hbm4b:s23+s16] =	stream.linear.scatter [tilespmem:s10], [sflag:$0x1], $0xE000, $0x38;
	[tilespmem:$0x1C800] =	vst v63  }
0x112: {  	_ = 	snop  }
0x113: {  	[hbm4b:s24+s16] =	stream.linear.scatter [tilespmem:s10], [sflag:$0x1], $0xE000, $0x38;
	[tilespmem:$0x1C800] =	vst v63  }
0x114: {  	_ = 	snop  }
0x115: {  	[hbm4b:s25+s16] =	stream.linear.scatter [tilespmem:s10], [sflag:$0x1], $0xE000, $0x38;
	[tilespmem:$0x1C800] =	vst v63  }
0x116: {  	_ =	swait.ge [sflag:s9], $0xE000  }
0x117: {  	[sflag:s9] =	ssyncset.done $0x0  }
0x118: {  	[sflag:s9] =	ssyncadd.s32 $0xFFFF2000  }
0x119: {  	_ =	swait.ge [sflag:s9], $0xE000  }
0x11a: {  	[sflag:s9] =	ssyncset.done $0x0  }
0x11b: {  	[sflag:s9] =	ssyncadd.s32 $0xFFFF2000  }
0x11c: {  	_ =	swait.ge [sflag:s9], $0xE000  }
0x11d: {  	[sflag:s9] =	ssyncset.done $0x0  }
0x11e: {  	[sflag:s9] =	ssyncadd.s32 $0xFFFF2000  }
0x11f: {  	_ =	swait.ge [sflag:s9], $0xE000  }
0x120: {  	[sflag:s9] =	ssyncset.done $0x0  }
0x121: {  	[sflag:s9] =	ssyncadd.s32 $0xFFFF2000  }
0x122: {  	v0 =	vld [tilespmem:s17+$0x280]  }
0x123: {  	v1 =	vld [tilespmem:s17+$0x290]  }
0x124: {  	v7 =	vld [tilespmem:s17+$0x2F0]  }
0x125: {  	v2 =	vld [tilespmem:s17+$0x2A0]  }
0x126: {  	v3 =	vld [tilespmem:s17+$0x2B0]  }
0x127: {  	s18 =	sand.u32 $0xF800, s16;
	s13 =	sand.u32 $0x380, s16;
	v4 =	vld [tilespmem:s17+$0x2C0]  }
0x128: {  	s13 =	sor.u32 s13, s18;
	v5 =	vld [tilespmem:s17+$0x2D0]  }
0x129: {  	v6 =	vld [tilespmem:s17+$0x2E0];
	[tilespmem:s13+$0xEC70] =	vst v7  }
0x12a: {  	[tilespmem:s13+$0xEC00] =	vst v0  }
0x12b: {  	[tilespmem:s13+$0xEC10] =	vst v1  }
0x12c: {  	[tilespmem:s13+$0xEC20] =	vst v2  }
0x12d: {  	[tilespmem:s13+$0xEC30] =	vst v3  }
0x12e: {  	s15 =	simm.s32 $0x100;
	s14 =	simm.s32 $0x80;
	[tilespmem:s13+$0xEC40] =	vst v4  }
0x12f: {  	s18 =	sand.u32 $0x380, s14;
	s16 =	sand.u32 $0xF800, s15;
	s15 =	simm.s32 $0x200;
	[tilespmem:s13+$0xEC50] =	vst v5  }
.LBB2_16:
0x130: {  	p0 =	sne.s32 s15, $0xDF00;
	[tilespmem:s13+$0xEC60] =	vst v6;
	s13 =	sor.u32 s18, s16  }
0x131: {  	[tilespmem:s13+$0xEC70] =	vst v7  }
0x132: {  	[tilespmem:s13+$0xEC00] =	vst v0  }
.Ltmp7:
0x133: {  	[tilespmem:s13+$0xEC10] =	vst v1;
	(pc) =	sbr.rel @p0 .LBB2_16-.Ltmp7, $4  }
0x134: {  	[tilespmem:s13+$0xEC20] =	vst v2  }
0x135: {  	[tilespmem:s13+$0xEC30] =	vst v3  }
0x136: {  	s14 =	sadd.s32 $0x80, s14;
	[tilespmem:s13+$0xEC40] =	vst v4  }
0x137: {  	s16 =	sand.u32 $0xF800, s15;
	s15 =	sadd.s32 $0x100, s15;
	s18 =	sand.u32 $0x380, s14;
	[tilespmem:s13+$0xEC50] =	vst v5  }
0x138: {  	s14 =	sor.u32 s18, s16;
	[tilespmem:s13+$0xEC60] =	vst v6  }
0x139: {  	[tilespmem:s14+$0xEC70] =	vst v7  }
0x13a: {  	[tilespmem:s14+$0xEC00] =	vst v0  }
0x13b: {  	[tilespmem:s14+$0xEC10] =	vst v1  }
0x13c: {  	[tilespmem:s14+$0xEC20] =	vst v2  }
0x13d: {  	[tilespmem:s14+$0xEC30] =	vst v3  }
0x13e: {  	[tilespmem:s14+$0xEC40] =	vst v4  }
0x13f: {  	[tilespmem:s14+$0xEC50] =	vst v5  }
0x140: {  	s16 =	simm.s32 $0x0;
	[tilespmem:s14+$0xEC60] =	vst v6  }
0x141: {  	[hbm4b:s26+s16] =	stream.linear.scatter [tilespmem:s11], [sflag:$0x2], $0xE000, $0x38;
	[tilespmem:$0x1C800] =	vst v63  }
0x142: {  	_ = 	snop  }
0x143: {  	[hbm4b:s28+s16] =	stream.linear.scatter [tilespmem:s11], [sflag:$0x2], $0xE000, $0x38;
	[tilespmem:$0x1C800] =	vst v63  }
0x144: {  	_ = 	snop  }
0x145: {  	[hbm4b:s29+s16] =	stream.linear.scatter [tilespmem:s11], [sflag:$0x2], $0xE000, $0x38;
	[tilespmem:$0x1C800] =	vst v63  }
0x146: {  	_ = 	snop  }
0x147: {  	[hbm4b:s31+s16] =	stream.linear.scatter [tilespmem:s11], [sflag:$0x2], $0xE000, $0x38;
	[tilespmem:$0x1C800] =	vst v63  }
0x148: {  	_ =	swait.ge [sflag:s8], $0xE000  }
0x149: {  	[sflag:s8] =	ssyncset.done $0x0  }
0x14a: {  	[sflag:s8] =	ssyncadd.s32 $0xFFFF2000  }
0x14b: {  	_ =	swait.ge [sflag:s8], $0xE000  }
0x14c: {  	[sflag:s8] =	ssyncset.done $0x0  }
0x14d: {  	[sflag:s8] =	ssyncadd.s32 $0xFFFF2000  }
0x14e: {  	_ =	swait.ge [sflag:s8], $0xE000  }
0x14f: {  	[sflag:s8] =	ssyncset.done $0x0  }
0x150: {  	[sflag:s8] =	ssyncadd.s32 $0xFFFF2000  }
0x151: {  	_ =	swait.ge [sflag:s8], $0xE000  }
0x152: {  	[sflag:s8] =	ssyncset.done $0x0  }
0x153: {  	[sflag:s8] =	ssyncadd.s32 $0xFFFF2000  }
0x154: {  	v0 =	vld [tilespmem:s17+$0x300]  }
0x155: {  	v1 =	vld [tilespmem:s17+$0x310]  }
0x156: {  	v7 =	vld [tilespmem:s17+$0x370]  }
0x157: {  	v2 =	vld [tilespmem:s17+$0x320]  }
0x158: {  	v3 =	vld [tilespmem:s17+$0x330]  }
0x159: {  	s18 =	sand.u32 $0xF800, s16;
	s13 =	sand.u32 $0x380, s16;
	v4 =	vld [tilespmem:s17+$0x340]  }
0x15a: {  	s13 =	sor.u32 s13, s18;
	v5 =	vld [tilespmem:s17+$0x350]  }
0x15b: {  	v6 =	vld [tilespmem:s17+$0x360];
	[tilespmem:s13+$0xC70] =	vst v7  }
0x15c: {  	[tilespmem:s13+$0xC00] =	vst v0  }
0x15d: {  	[tilespmem:s13+$0xC10] =	vst v1  }
0x15e: {  	[tilespmem:s13+$0xC20] =	vst v2  }
0x15f: {  	[tilespmem:s13+$0xC30] =	vst v3  }
0x160: {  	s15 =	simm.s32 $0x100;
	s14 =	simm.s32 $0x80;
	[tilespmem:s13+$0xC40] =	vst v4  }
0x161: {  	s18 =	sand.u32 $0x380, s14;
	s16 =	sand.u32 $0xF800, s15;
	s15 =	simm.s32 $0x200;
	[tilespmem:s13+$0xC50] =	vst v5  }
.LBB2_18:
0x162: {  	p0 =	sne.s32 s15, $0xDF00;
	[tilespmem:s13+$0xC60] =	vst v6;
	s13 =	sor.u32 s18, s16  }
0x163: {  	[tilespmem:s13+$0xC70] =	vst v7  }
0x164: {  	[tilespmem:s13+$0xC00] =	vst v0  }
.Ltmp8:
0x165: {  	[tilespmem:s13+$0xC10] =	vst v1;
	(pc) =	sbr.rel @p0 .LBB2_18-.Ltmp8, $4  }
0x166: {  	[tilespmem:s13+$0xC20] =	vst v2  }
0x167: {  	[tilespmem:s13+$0xC30] =	vst v3  }
0x168: {  	s14 =	sadd.s32 $0x80, s14;
	[tilespmem:s13+$0xC40] =	vst v4  }
0x169: {  	s16 =	sand.u32 $0xF800, s15;
	s15 =	sadd.s32 $0x100, s15;
	s18 =	sand.u32 $0x380, s14;
	[tilespmem:s13+$0xC50] =	vst v5  }
0x16a: {  	s14 =	sor.u32 s18, s16;
	[tilespmem:s13+$0xC60] =	vst v6  }
0x16b: {  	[tilespmem:s14+$0xC70] =	vst v7  }
0x16c: {  	[tilespmem:s14+$0xC00] =	vst v0  }
0x16d: {  	[tilespmem:s14+$0xC10] =	vst v1  }
0x16e: {  	[tilespmem:s14+$0xC20] =	vst v2  }
0x16f: {  	[tilespmem:s14+$0xC30] =	vst v3  }
0x170: {  	[tilespmem:s14+$0xC40] =	vst v4  }
0x171: {  	[tilespmem:s14+$0xC50] =	vst v5  }
0x172: {  	[tilespmem:s14+$0xC60] =	vst v6  }
0x173: {  	[hbm4b:s0+s3] =	stream.linear.scatter [tilespmem:s10], [sflag:$0x1], $0xE000, $0x38;
	[tilespmem:$0x1C800] =	vst v63  }
0x174: {  	_ = 	snop  }
0x175: {  	[hbm4b:s2+s3] =	stream.linear.scatter [tilespmem:s10], [sflag:$0x1], $0xE000, $0x38;
	[tilespmem:$0x1C800] =	vst v63  }
0x176: {  	_ = 	snop  }
0x177: {  	[hbm4b:s5+s3] =	stream.linear.scatter [tilespmem:s10], [sflag:$0x1], $0xE000, $0x38;
	[tilespmem:$0x1C800] =	vst v63  }
0x178: {  	_ = 	snop  }
0x179: {  	[hbm4b:s6+s3] =	stream.linear.scatter [tilespmem:s10], [sflag:$0x1], $0xE000, $0x38;
	[tilespmem:$0x1C800] =	vst v63  }
0x17a: {  	_ =	swait.ge [sflag:s9], $0xE000  }
0x17b: {  	[sflag:s9] =	ssyncset.done $0x0  }
0x17c: {  	[sflag:s9] =	ssyncadd.s32 $0xFFFF2000  }
0x17d: {  	_ =	swait.ge [sflag:s9], $0xE000  }
0x17e: {  	[sflag:s9] =	ssyncset.done $0x0  }
0x17f: {  	[sflag:s9] =	ssyncadd.s32 $0xFFFF2000  }
0x180: {  	_ =	swait.ge [sflag:s9], $0xE000  }
0x181: {  	[sflag:s9] =	ssyncset.done $0x0  }
0x182: {  	[sflag:s9] =	ssyncadd.s32 $0xFFFF2000  }
0x183: {  	_ =	swait.ge [sflag:s9], $0xE000  }
0x184: {  	[sflag:s9] =	ssyncset.done $0x0  }
0x185: {  	[sflag:s9] =	ssyncadd.s32 $0xFFFF2000  }
0x186: {  	_ =	swait.ge [sflag:s8], $0xE000  }
0x187: {  	[sflag:s8] =	ssyncset.done $0x0  }
0x188: {  	[sflag:s8] =	ssyncadd.s32 $0xFFFF2000  }
0x189: {  	_ =	swait.ge [sflag:s8], $0xE000  }
0x18a: {  	[sflag:s8] =	ssyncset.done $0x0  }
0x18b: {  	s12 =	sadd.s32 $0x1, s12;
	[sflag:s8] =	ssyncadd.s32 $0xFFFF2000  }
0x18c: {  	p0 =	sne.s32 s12, s30;
	_ =	swait.ge [sflag:s8], $0xE000  }
.Ltmp9:
0x18d: {  	[sflag:s8] =	ssyncset.done $0x0;
	(pc) =	sbr.rel @p0 .LBB2_1-.Ltmp9, $4  }
0x18e: {  	[sflag:s8] =	ssyncadd.s32 $0xFFFF2000  }
0x18f: {  	_ =	swait.ge [sflag:s8], $0xE000  }
0x190: {  	[sflag:s8] =	ssyncset.done $0x0  }
0x191: {  	[sflag:s8] =	ssyncadd.s32 $0xFFFF2000  }
0x192: {  	_ =	sfence.sel $0x180000  }
0x193: {  	[bflag:$0x0] =	sbarrier.arrive $0xFFFF  }
0x194: {  	_ =	strace $0x90000047  }
0x195: {  	s0 =	stileid.u32;
	[bflag:$0x2] =	sbarrier.arrive $0xFFFF  }
0x196: {  	p0 =	sne.s32 s0, $0x0;
	s0 =	rddreg [dreg:$0x3]  }
0x197: {  	s0 =	sadd.s32 @!p0 $0x100000, s0  }
0x198: {  	[sflag:s0] =	ssyncadd.tile.s32 @!p0 $0x1;
	_ =	shalt  }
.Lfunc_end2:
_tile_overlayer_lowered:
.L_overlay_start_2:
0x199: {  	(tag) =	ssettag $0x2  }
0x19a: {  	s0 =	rddreg [dreg:$0x0];
	s2 =	stileid.u32  }
0x19b: {  	s1 =	rddreg [dreg:$0x1];
	p0 =	sne.s32 s2, $0x0  }
0x19c: {  	s3 =	rddreg [dreg:$0x2];
	[bflag:$0x3] =	sbarrier.arrive $0xFFFF;
	s2 =	simm.s32 @!p0 $0x1C04  }
0x19d: {  	[timem:s3], [sflag:s2] =	dma.local @!p0 [hbm:s0], s1  }
0x19e: {  	s0 =	simm.s32 @!p0 $0x4  }
0x19f: {  	_ =	swait.ge @!p0 [sflag:s0], s1  }
0x1a0: {  	s1 =	ssub.s32 @!p0 $0x0, s1;
	[sflag:s0] =	ssyncset.done @!p0 $0x0  }
0x1a1: {  	[sflag:s0] =	ssyncadd.s32 @!p0 s1  }
0x1a2: {  	[bflag:$0x3] =	sbarrier.arrive $0xFFFF  }
0x1a3: {  	_ =	shalt  }

</sc_bundles>
